<compile_context>
chip_gen: v7x
topology: tpu7x:2x2x1
jax: 0.10.2.dev20260603
libtpu: 0.0.44.dev20260713+nightly
codegen_flags: <defaults>
</compile_context>

<pallas_src>
import jax
import jax.numpy as jnp
from jax import lax
from jax.experimental import pallas as pl
from jax.experimental.pallas import tpu as pltpu
from jax.experimental.pallas import tpu_sc as plsc

NUM_BINS = 100
L_OUT = NUM_BINS + 2
EPS = 1e-3

NC, NS, LANES = 2, 16, 16
NW = NC * NS

PB = 112
ACCW = PB * LANES
SEG = 128
PART = 3 * SEG

CH = 16384


def _phase1(probs, targs):
    n = probs.shape[0]
    assert n % (NW * CH) == 0, n
    epw = n // NW
    nch = epw // CH

    def body(p_hbm, t_hbm, part_hbm, pbuf0, pbuf1, tbuf0, tbuf1,
             acc_t, acc_p, acc_c, acc_t1, acc_p1, acc_c1,
             part_v, sp0, sp1, st0, st1):
        cid = lax.axis_index("c")
        sid = lax.axis_index("s")
        wid = sid * NC + cid
        base = wid * epw

        zeros16 = jnp.zeros((LANES,), jnp.float32)
        ones16 = jnp.ones((LANES,), jnp.float32)
        ones16i = jnp.ones((LANES,), jnp.int32)
        zeros16i = jnp.zeros((LANES,), jnp.int32)
        lane = lax.iota(jnp.int32, LANES)
        step_f = jnp.float32(0.01)
        hundred = jnp.float32(100.0)
        one_f = jnp.float32(1.0)

        sems_p = (sp0, sp1)
        sems_t = (st0, st1)
        pbufs = (pbuf0, pbuf1)
        tbufs = (tbuf0, tbuf1)

        def start(g, b):
            off = base + g * CH
            pltpu.async_copy(p_hbm.at[pl.ds(off, CH)], pbufs[b], sems_p[b])
            pltpu.async_copy(t_hbm.at[pl.ds(off, CH)], tbufs[b], sems_t[b])

        def wait(g, b):
            off = base + g * CH
            pltpu.make_async_copy(
                p_hbm.at[pl.ds(off, CH)], pbufs[b], sems_p[b]).wait()
            pltpu.make_async_copy(
                t_hbm.at[pl.ds(off, CH)], tbufs[b], sems_t[b]).wait()

        start(0, 0)
        start(1, 1)

        @pl.loop(0, ACCW // LANES)
        def _zero(i):
            o = i * LANES
            acc_t[pl.ds(o, LANES)] = zeros16
            acc_p[pl.ds(o, LANES)] = zeros16
            acc_c[pl.ds(o, LANES)] = zeros16
            acc_t1[pl.ds(o, LANES)] = zeros16
            acc_p1[pl.ds(o, LANES)] = zeros16
            acc_c1[pl.ds(o, LANES)] = zeros16

        banks = ((acc_c, acc_p, acc_t), (acc_c1, acc_p1, acc_t1))

        @pl.loop(0, nch, step=2)
        def _chunk(g):
            for b in range(2):
                gg = g + b
                wait(gg, b)
                pb = pbufs[b]
                tb = tbufs[b]

                @plsc.parallel_loop(0, CH // LANES, step=2, unroll=4)
                def _vec(v):
                    for sub in range(2):
                        a_c, a_p, a_t = banks[sub]
                        o = (v + sub) * LANES
                        pv = pb[pl.ds(o, LANES)]
                        tv = tb[pl.ds(o, LANES)]
                        ji = (pv * hundred).astype(jnp.int32)
                        jf = ji.astype(jnp.float32)
                        b0 = jnp.where(jf * step_f < pv, ones16i, zeros16i)
                        b1 = jnp.where((jf + one_f) * step_f < pv, ones16i,
                                       zeros16i)
                        idx = ji + b0 + b1
                        fidx = idx * LANES + lane
                        plsc.addupdate_scatter(a_c, [fidx], ones16)
                        plsc.addupdate_scatter(a_p, [fidx], pv)
                        plsc.addupdate_scatter(a_t, [fidx], tv)

                nxt = gg + 2

                @pl.when(nxt < nch)
                def _():
                    start(nxt, b)

        @pl.loop(0, ACCW // LANES)
        def _merge(i):
            o = i * LANES
            acc_t[pl.ds(o, LANES)] = acc_t[pl.ds(o, LANES)] + acc_t1[pl.ds(o, LANES)]
            acc_p[pl.ds(o, LANES)] = acc_p[pl.ds(o, LANES)] + acc_p1[pl.ds(o, LANES)]
            acc_c[pl.ds(o, LANES)] = acc_c[pl.ds(o, LANES)] + acc_c1[pl.ds(o, LANES)]

        @pl.loop(0, PART // LANES)
        def _zpart(i):
            part_v[pl.ds(i * LANES, LANES)] = zeros16

        for q, aref in enumerate((acc_t, acc_p, acc_c)):
            @pl.loop(0, PB // LANES)
            def _red(gr, _q=q, _aref=aref):
                bb = gr * (LANES * LANES)
                s = zeros16
                for r in range(LANES):
                    s = s + plsc.load_gather(_aref, [lane * LANES + (bb + r)])
                part_v[pl.ds(_q * SEG + gr * LANES, LANES)] = s

        pltpu.sync_copy(part_v, part_hbm.at[pl.ds(wid * PART, PART)])

    mesh = plsc.VectorSubcoreMesh(core_axis_name="c", subcore_axis_name="s",
                                  num_cores=NC, num_subcores=NS)
    f = pl.kernel(
        body,
        out_type=jax.ShapeDtypeStruct((NW * PART,), jnp.float32),
        mesh=mesh,
        compiler_params=pltpu.CompilerParams(needs_layout_passes=False),
        scratch_types=[
            pltpu.VMEM((CH,), jnp.float32),
            pltpu.VMEM((CH,), jnp.float32),
            pltpu.VMEM((CH,), jnp.float32),
            pltpu.VMEM((CH,), jnp.float32),
            pltpu.VMEM((ACCW,), jnp.float32),
            pltpu.VMEM((ACCW,), jnp.float32),
            pltpu.VMEM((ACCW,), jnp.float32),
            pltpu.VMEM((ACCW,), jnp.float32),
            pltpu.VMEM((ACCW,), jnp.float32),
            pltpu.VMEM((ACCW,), jnp.float32),
            pltpu.VMEM((PART,), jnp.float32),
            pltpu.SemaphoreType.DMA,
            pltpu.SemaphoreType.DMA,
            pltpu.SemaphoreType.DMA,
            pltpu.SemaphoreType.DMA,
        ],
    )
    return f(probs, targs)


def _phase2(part):
    def body(part_hbm, out_hbm, buf, sbuf, obuf):
        cid = lax.axis_index("c")
        sid = lax.axis_index("s")
        wid = sid * NC + cid

        @pl.when(wid == 0)
        def _():
            pltpu.sync_copy(part_hbm, buf)
            zeros16 = jnp.zeros((LANES,), jnp.float32)

            @pl.loop(0, PART // LANES)
            def _sum(c):
                s = zeros16
                for w in range(NW):
                    s = s + buf[pl.ds(w * PART + c * LANES, LANES)]
                sbuf[pl.ds(c * LANES, LANES)] = s

            @pl.loop(0, SEG // LANES)
            def _fin(k):
                o = k * LANES
                cnt = sbuf[pl.ds(2 * SEG + o, LANES)] + jnp.float32(EPS)
                obuf[pl.ds(o, LANES)] = sbuf[pl.ds(o, LANES)] / cnt
                obuf[pl.ds(SEG + o, LANES)] = (
                    sbuf[pl.ds(SEG + o, LANES)] / cnt)
                obuf[pl.ds(2 * SEG + o, LANES)] = cnt

            pltpu.sync_copy(obuf, out_hbm)

    mesh = plsc.VectorSubcoreMesh(core_axis_name="c", subcore_axis_name="s",
                                  num_cores=NC, num_subcores=NS)
    f = pl.kernel(
        body,
        out_type=jax.ShapeDtypeStruct((PART,), jnp.float32),
        mesh=mesh,
        compiler_params=pltpu.CompilerParams(needs_layout_passes=False),
        scratch_types=[
            pltpu.VMEM((NW * PART,), jnp.float32),
            pltpu.VMEM((PART,), jnp.float32),
            pltpu.VMEM((PART,), jnp.float32),
        ],
    )
    return f(part)


def kernel(probabilities, predictions, targets):
    del predictions
    part = _phase1(probabilities, targets)
    out = _phase2(part)
    return jnp.stack([out[0:L_OUT], out[SEG:SEG + L_OUT],
                      out[2 * SEG:2 * SEG + L_OUT]])

# --- scband reference (transcript-rebuilt; emitter-appended) ---
"""Pipeline reference for scband-calibration-300647711295 (READ-ONLY COPY).

The authoritative reference and input builder live on the scoring server;
editing this copy changes nothing except your own understanding.
"""

import jax, jax.numpy as jnp
import numpy as np

NUM_BINS = 100
PROB_RANGE = (0.0, 1.0)
EPS = 1e-3
L = NUM_BINS + 2  # bucketize can emit indices 0..NUM_BINS+1; fixed length for jit
N = 16777216


def setup_inputs(seed: int = 0) -> dict:
    key = jax.random.key(seed)
    k1, k2, k3 = jax.random.split(key, 3)
    probabilities = jax.random.uniform(k1, (N,), dtype=jnp.float32)
    predictions = jax.random.randint(k2, (N,), 0, 2, dtype=jnp.int32)
    targets = jax.random.uniform(k3, (N,), dtype=jnp.float32)
    return {"probabilities": probabilities, "predictions": predictions, "targets": targets}


def reference(probabilities, predictions, targets):
    # torch.histogram(probabilities, bins=num_bins, range=prob_range) -> uniform bin edges
    edges = jnp.linspace(PROB_RANGE[0], PROB_RANGE[1], NUM_BINS + 1, dtype=jnp.float32)
    # torch.bucketize(x, edges) with right=False == searchsorted side='left'
    bin_idx = jnp.searchsorted(edges, probabilities, side='left')
    # bincount(bin_idx, minlength=num_bins).add(eps)  (out-of-place add promotes to float)
    bin_counts = jnp.zeros((L,), jnp.float32).at[bin_idx].add(1.0) + EPS
    # weighted bincounts (original code's undefined `confidence` is the probabilities vector)
    confidence_vector = jnp.zeros((L,), jnp.float32).at[bin_idx].add(probabilities) / bin_counts
    accuracy_vector = jnp.zeros((L,), jnp.float32).at[bin_idx].add(targets) / bin_counts
    return jnp.stack([accuracy_vector, confidence_vector, bin_counts])

if __name__ == "__main__":
    import jax
    _d = setup_inputs()
    print(jax.jit(kernel)(*tuple(_d.values())))

</pallas_src>

<mosaic_0001>
#map = affine_map<(d0, d1) -> (0)>
module attributes {stable_mosaic.version = 14 : i64} {
  func.func @body(%arg0: i32, %arg1: i32, %arg2: memref<16777216xf32, #tpu.memory_space<hbm>>, %arg3: memref<16777216xf32, #tpu.memory_space<hbm>>, %arg4: memref<12288xf32, #tpu.memory_space<hbm>>, %arg5: memref<16384xf32, #tpu.memory_space<vmem>>, %arg6: memref<16384xf32, #tpu.memory_space<vmem>>, %arg7: memref<16384xf32, #tpu.memory_space<vmem>>, %arg8: memref<16384xf32, #tpu.memory_space<vmem>>, %arg9: memref<1792xf32, #tpu.memory_space<vmem>>, %arg10: memref<1792xf32, #tpu.memory_space<vmem>>, %arg11: memref<1792xf32, #tpu.memory_space<vmem>>, %arg12: memref<1792xf32, #tpu.memory_space<vmem>>, %arg13: memref<1792xf32, #tpu.memory_space<vmem>>, %arg14: memref<1792xf32, #tpu.memory_space<vmem>>, %arg15: memref<384xf32, #tpu.memory_space<vmem>>, %arg16: memref<!tpu.dma_semaphore, #tpu.memory_space<semaphore_mem>>, %arg17: memref<!tpu.dma_semaphore, #tpu.memory_space<semaphore_mem>>, %arg18: memref<!tpu.dma_semaphore, #tpu.memory_space<semaphore_mem>>, %arg19: memref<!tpu.dma_semaphore, #tpu.memory_space<semaphore_mem>>) attributes {dimension_semantics = [#tpu.dimension_semantics<core_parallel>, #tpu.dimension_semantics<subcore_parallel>], iteration_bounds = array<i64: 2, 16>, scalar_prefetch = 0 : i64, scratch_operands = 15 : i64, tpu.core_type = #tpu.core_type<sc_vector_subcore>, window_params = [{transform_indices = #map}, {transform_indices = #map}, {transform_indices = #map}]} {
    %mul3A = arith.constant 2 : i32
    %mul3A_0 = arith.muli %arg1, %mul3A : i32
    %add3A = arith.addi %mul3A_0, %arg0 : i32
    %mul3A_1 = arith.constant 524288 : i32
    %mul3A_2 = arith.muli %add3A, %mul3A_1 : i32
    %broadcast_in_dim3A = arith.constant 0.000000e+00 : f32
    %broadcast_in_dim3A_3 = vector.broadcast %broadcast_in_dim3A : f32 to vector<16xf32>
    %broadcast_in_dim3A_4 = arith.constant 1.000000e+00 : f32
    %broadcast_in_dim3A_5 = vector.broadcast %broadcast_in_dim3A_4 : f32 to vector<16xf32>
    %broadcast_in_dim3A_6 = arith.constant 1 : i32
    %broadcast_in_dim3A_7 = vector.broadcast %broadcast_in_dim3A_6 : i32 to vector<16xi32>
    %broadcast_in_dim3A_8 = arith.constant 0 : i32
    %broadcast_in_dim3A_9 = vector.broadcast %broadcast_in_dim3A_8 : i32 to vector<16xi32>
    %iota3A = tpu.iota {dimensions = array<i32: 0>} : vector<16xi32>
    %add3A_10 = arith.constant 0 : i32
    %add3A_11 = arith.addi %mul3A_2, %add3A_10 : i32
    %dma_start3A = tpu.memref_slice %arg2[%add3A_11] : memref<16777216xf32, #tpu.memory_space<hbm>> -> memref<16384xf32, #tpu.memory_space<hbm>>
    %dma_start3A_12 = tpu.memref_slice %arg2[%add3A_11] : memref<16777216xf32, #tpu.memory_space<hbm>> -> memref<16384xf32, #tpu.memory_space<hbm>>
    tpu.enqueue_dma source(%dma_start3A_12 : memref<16384xf32, #tpu.memory_space<hbm>>) target(%arg5 : memref<16384xf32, #tpu.memory_space<vmem>>) target_semaphore(%arg16 : memref<!tpu.dma_semaphore, #tpu.memory_space<semaphore_mem>>)
    %dma_start3A_13 = tpu.memref_slice %arg3[%add3A_11] : memref<16777216xf32, #tpu.memory_space<hbm>> -> memref<16384xf32, #tpu.memory_space<hbm>>
    %dma_start3A_14 = tpu.memref_slice %arg3[%add3A_11] : memref<16777216xf32, #tpu.memory_space<hbm>> -> memref<16384xf32, #tpu.memory_space<hbm>>
    tpu.enqueue_dma source(%dma_start3A_14 : memref<16384xf32, #tpu.memory_space<hbm>>) target(%arg7 : memref<16384xf32, #tpu.memory_space<vmem>>) target_semaphore(%arg18 : memref<!tpu.dma_semaphore, #tpu.memory_space<semaphore_mem>>)
    %add3A_15 = arith.constant 16384 : i32
    %add3A_16 = arith.addi %mul3A_2, %add3A_15 : i32
    %dma_start3A_17 = tpu.memref_slice %arg2[%add3A_16] : memref<16777216xf32, #tpu.memory_space<hbm>> -> memref<16384xf32, #tpu.memory_space<hbm>>
    %dma_start3A_18 = tpu.memref_slice %arg2[%add3A_16] : memref<16777216xf32, #tpu.memory_space<hbm>> -> memref<16384xf32, #tpu.memory_space<hbm>>
    tpu.enqueue_dma source(%dma_start3A_18 : memref<16384xf32, #tpu.memory_space<hbm>>) target(%arg6 : memref<16384xf32, #tpu.memory_space<vmem>>) target_semaphore(%arg17 : memref<!tpu.dma_semaphore, #tpu.memory_space<semaphore_mem>>)
    %dma_start3A_19 = tpu.memref_slice %arg3[%add3A_16] : memref<16777216xf32, #tpu.memory_space<hbm>> -> memref<16384xf32, #tpu.memory_space<hbm>>
    %dma_start3A_20 = tpu.memref_slice %arg3[%add3A_16] : memref<16777216xf32, #tpu.memory_space<hbm>> -> memref<16384xf32, #tpu.memory_space<hbm>>
    tpu.enqueue_dma source(%dma_start3A_20 : memref<16384xf32, #tpu.memory_space<hbm>>) target(%arg8 : memref<16384xf32, #tpu.memory_space<vmem>>) target_semaphore(%arg19 : memref<!tpu.dma_semaphore, #tpu.memory_space<semaphore_mem>>)
    %scan3A = arith.constant 0 : i32
    %scan3A_21 = arith.constant 112 : i32
    %scan3A_22 = arith.addi %scan3A, %scan3A_21 : i32
    %scan3A_23 = arith.constant 1 : i32
    scf.for %scan3A_60 = %scan3A to %scan3A_22 step %scan3A_23  : i32 {
      %mul3A_61 = arith.constant 1 : i32
      %mul3A_62 = arith.muli %scan3A_60, %mul3A_61 : i32
      %add3A_63 = arith.constant 0 : i32
      %add3A_64 = arith.addi %add3A_63, %mul3A_62 : i32
      %mul3A_65 = arith.constant 16 : i32
      %mul3A_66 = arith.muli %add3A_64, %mul3A_65 : i32
      %swap3A = arith.index_cast %mul3A_66 : i32 to index
      %swap3A_67 = tpu.vector_load %arg9[%swap3A] {strides = array<i32>} : memref<1792xf32, #tpu.memory_space<vmem>>, vector<16xf32>,
      tpu.vector_store %arg9[%swap3A], %broadcast_in_dim3A_3 {strides = array<i32>} : memref<1792xf32, #tpu.memory_space<vmem>>, vector<16xf32>,
      %swap3A_68 = arith.index_cast %mul3A_66 : i32 to index
      %swap3A_69 = tpu.vector_load %arg10[%swap3A_68] {strides = array<i32>} : memref<1792xf32, #tpu.memory_space<vmem>>, vector<16xf32>,
      tpu.vector_store %arg10[%swap3A_68], %broadcast_in_dim3A_3 {strides = array<i32>} : memref<1792xf32, #tpu.memory_space<vmem>>, vector<16xf32>,
      %swap3A_70 = arith.index_cast %mul3A_66 : i32 to index
      %swap3A_71 = tpu.vector_load %arg11[%swap3A_70] {strides = array<i32>} : memref<1792xf32, #tpu.memory_space<vmem>>, vector<16xf32>,
      tpu.vector_store %arg11[%swap3A_70], %broadcast_in_dim3A_3 {strides = array<i32>} : memref<1792xf32, #tpu.memory_space<vmem>>, vector<16xf32>,
      %swap3A_72 = arith.index_cast %mul3A_66 : i32 to index
      %swap3A_73 = tpu.vector_load %arg12[%swap3A_72] {strides = array<i32>} : memref<1792xf32, #tpu.memory_space<vmem>>, vector<16xf32>,
      tpu.vector_store %arg12[%swap3A_72], %broadcast_in_dim3A_3 {strides = array<i32>} : memref<1792xf32, #tpu.memory_space<vmem>>, vector<16xf32>,
      %swap3A_74 = arith.index_cast %mul3A_66 : i32 to index
      %swap3A_75 = tpu.vector_load %arg13[%swap3A_74] {strides = array<i32>} : memref<1792xf32, #tpu.memory_space<vmem>>, vector<16xf32>,
      tpu.vector_store %arg13[%swap3A_74], %broadcast_in_dim3A_3 {strides = array<i32>} : memref<1792xf32, #tpu.memory_space<vmem>>, vector<16xf32>,
      %swap3A_76 = arith.index_cast %mul3A_66 : i32 to index
      %swap3A_77 = tpu.vector_load %arg14[%swap3A_76] {strides = array<i32>} : memref<1792xf32, #tpu.memory_space<vmem>>, vector<16xf32>,
      tpu.vector_store %arg14[%swap3A_76], %broadcast_in_dim3A_3 {strides = array<i32>} : memref<1792xf32, #tpu.memory_space<vmem>>, vector<16xf32>,
    }
    %scan3A_24 = arith.constant 112 : i32
    %scan3A_25 = arith.constant 1.000000e+02 : f32
    %scan3A_26 = arith.constant 0.00999999977 : f32
    %scan3A_27 = arith.constant 1.000000e+00 : f32
    %scan3A_28 = arith.constant 0 : i32
    %scan3A_29 = arith.constant 16 : i32
    %scan3A_30 = arith.addi %scan3A_28, %scan3A_29 : i32
    %scan3A_31 = arith.constant 1 : i32
    scf.for %scan3A_60 = %scan3A_28 to %scan3A_30 step %scan3A_31  : i32 {
      %mul3A_61 = arith.constant 2 : i32
      %mul3A_62 = arith.muli %scan3A_60, %mul3A_61 : i32
      %add3A_63 = arith.constant 0 : i32
      %add3A_64 = arith.addi %add3A_63, %mul3A_62 : i32
      %add3A_65 = arith.constant 0 : i32
      %add3A_66 = arith.addi %add3A_64, %add3A_65 : i32
      %mul3A_67 = arith.constant 16384 : i32
      %mul3A_68 = arith.muli %add3A_66, %mul3A_67 : i32
      %add3A_69 = arith.addi %mul3A_2, %mul3A_68 : i32
      %dma_wait3A = tpu.memref_slice %arg2[%add3A_69] : memref<16777216xf32, #tpu.memory_space<hbm>> -> memref<16384xf32, #tpu.memory_space<hbm>>
      %dma_wait3A_70 = tpu.memref_slice %arg2[%add3A_69] : memref<16777216xf32, #tpu.memory_space<hbm>> -> memref<16384xf32, #tpu.memory_space<hbm>>
      tpu.wait_dma2 semaphore(%arg16 : memref<!tpu.dma_semaphore, #tpu.memory_space<semaphore_mem>>) src(%dma_wait3A_70 : memref<16384xf32, #tpu.memory_space<hbm>>) dst(%arg5 : memref<16384xf32, #tpu.memory_space<vmem>>)
      %dma_wait3A_71 = tpu.memref_slice %arg3[%add3A_69] : memref<16777216xf32, #tpu.memory_space<hbm>> -> memref<16384xf32, #tpu.memory_space<hbm>>
      %dma_wait3A_72 = tpu.memref_slice %arg3[%add3A_69] : memref<16777216xf32, #tpu.memory_space<hbm>> -> memref<16384xf32, #tpu.memory_space<hbm>>
      tpu.wait_dma2 semaphore(%arg18 : memref<!tpu.dma_semaphore, #tpu.memory_space<semaphore_mem>>) src(%dma_wait3A_72 : memref<16384xf32, #tpu.memory_space<hbm>>) dst(%arg7 : memref<16384xf32, #tpu.memory_space<vmem>>)
      %parallel_loop3A = arith.constant 0 : i32
      %parallel_loop3A_73 = arith.constant 1024 : i32
      %parallel_loop3A_74 = arith.constant 2 : i32
      scf.for %parallel_loop3A_98 = %parallel_loop3A to %parallel_loop3A_73 step %parallel_loop3A_74  : i32 {
        %parallel_loop3A_99 = arith.constant 0 : i32
        %parallel_loop3A_100 = arith.addi %parallel_loop3A_98, %parallel_loop3A_99 : i32
        %parallel_loop3A_101 = arith.constant 16 : i32
        %parallel_loop3A_102 = arith.muli %parallel_loop3A_100, %parallel_loop3A_101 : i32
        %parallel_loop3A_103 = arith.index_cast %parallel_loop3A_102 : i32 to index
        %parallel_loop3A_104 = tpu.vector_load %arg5[%parallel_loop3A_103] {strides = array<i32>} : memref<16384xf32, #tpu.memory_space<vmem>>, vector<16xf32>,
        %parallel_loop3A_105 = arith.index_cast %parallel_loop3A_102 : i32 to index
        %parallel_loop3A_106 = tpu.vector_load %arg7[%parallel_loop3A_105] {strides = array<i32>} : memref<16384xf32, #tpu.memory_space<vmem>>, vector<16xf32>,
        %parallel_loop3A_107 = vector.broadcast %scan3A_25 : f32 to vector<16xf32>
        %parallel_loop3A_108 = arith.mulf %parallel_loop3A_104, %parallel_loop3A_107 : vector<16xf32>
        %parallel_loop3A_109 = arith.fptosi %parallel_loop3A_108 : vector<16xf32> to vector<16xi32>
        %parallel_loop3A_110 = arith.sitofp %parallel_loop3A_109 : vector<16xi32> to vector<16xf32>
        %parallel_loop3A_111 = vector.broadcast %scan3A_26 : f32 to vector<16xf32>
        %parallel_loop3A_112 = arith.mulf %parallel_loop3A_110, %parallel_loop3A_111 : vector<16xf32>
        %parallel_loop3A_113 = arith.cmpf olt, %parallel_loop3A_112, %parallel_loop3A_104 : vector<16xf32>
        %parallel_loop3A_114 = arith.select %parallel_loop3A_113, %broadcast_in_dim3A_7, %broadcast_in_dim3A_9 : vector<16xi1>, vector<16xi32>
        %parallel_loop3A_115 = vector.broadcast %scan3A_27 : f32 to vector<16xf32>
        %parallel_loop3A_116 = arith.addf %parallel_loop3A_110, %parallel_loop3A_115 : vector<16xf32>
        %parallel_loop3A_117 = vector.broadcast %scan3A_26 : f32 to vector<16xf32>
        %parallel_loop3A_118 = arith.mulf %parallel_loop3A_116, %parallel_loop3A_117 : vector<16xf32>
        %parallel_loop3A_119 = arith.cmpf olt, %parallel_loop3A_118, %parallel_loop3A_104 : vector<16xf32>
        %parallel_loop3A_120 = arith.select %parallel_loop3A_119, %broadcast_in_dim3A_7, %broadcast_in_dim3A_9 : vector<16xi1>, vector<16xi32>
        %parallel_loop3A_121 = arith.addi %parallel_loop3A_109, %parallel_loop3A_114 : vector<16xi32>
        %parallel_loop3A_122 = arith.addi %parallel_loop3A_121, %parallel_loop3A_120 : vector<16xi32>
        %parallel_loop3A_123 = arith.constant 16 : i32
        %parallel_loop3A_124 = vector.broadcast %parallel_loop3A_123 : i32 to vector<16xi32>
        %parallel_loop3A_125 = arith.muli %parallel_loop3A_122, %parallel_loop3A_124 : vector<16xi32>
        %parallel_loop3A_126 = arith.addi %parallel_loop3A_125, %iota3A : vector<16xi32>
        tpu.vector_store_idx %arg11[%parallel_loop3A_126], %broadcast_in_dim3A_5 {add = true} : memref<1792xf32, #tpu.memory_space<vmem>>[vector<16xi32>], vector<16xf32>,
        tpu.vector_store_idx %arg10[%parallel_loop3A_126], %parallel_loop3A_104 {add = true} : memref<1792xf32, #tpu.memory_space<vmem>>[vector<16xi32>], vector<16xf32>,
        tpu.vector_store_idx %arg9[%parallel_loop3A_126], %parallel_loop3A_106 {add = true} : memref<1792xf32, #tpu.memory_space<vmem>>[vector<16xi32>], vector<16xf32>,
        %parallel_loop3A_127 = arith.constant 1 : i32
        %parallel_loop3A_128 = arith.addi %parallel_loop3A_98, %parallel_loop3A_127 : i32
        %parallel_loop3A_129 = arith.constant 16 : i32
        %parallel_loop3A_130 = arith.muli %parallel_loop3A_128, %parallel_loop3A_129 : i32
        %parallel_loop3A_131 = arith.index_cast %parallel_loop3A_130 : i32 to index
        %parallel_loop3A_132 = tpu.vector_load %arg5[%parallel_loop3A_131] {strides = array<i32>} : memref<16384xf32, #tpu.memory_space<vmem>>, vector<16xf32>,
        %parallel_loop3A_133 = arith.index_cast %parallel_loop3A_130 : i32 to index
        %parallel_loop3A_134 = tpu.vector_load %arg7[%parallel_loop3A_133] {strides = array<i32>} : memref<16384xf32, #tpu.memory_space<vmem>>, vector<16xf32>,
        %parallel_loop3A_135 = vector.broadcast %scan3A_25 : f32 to vector<16xf32>
        %parallel_loop3A_136 = arith.mulf %parallel_loop3A_132, %parallel_loop3A_135 : vector<16xf32>
        %parallel_loop3A_137 = arith.fptosi %parallel_loop3A_136 : vector<16xf32> to vector<16xi32>
        %parallel_loop3A_138 = arith.sitofp %parallel_loop3A_137 : vector<16xi32> to vector<16xf32>
        %parallel_loop3A_139 = vector.broadcast %scan3A_26 : f32 to vector<16xf32>
        %parallel_loop3A_140 = arith.mulf %parallel_loop3A_138, %parallel_loop3A_139 : vector<16xf32>
        %parallel_loop3A_141 = arith.cmpf olt, %parallel_loop3A_140, %parallel_loop3A_132 : vector<16xf32>
        %parallel_loop3A_142 = arith.select %parallel_loop3A_141, %broadcast_in_dim3A_7, %broadcast_in_dim3A_9 : vector<16xi1>, vector<16xi32>
        %parallel_loop3A_143 = vector.broadcast %scan3A_27 : f32 to vector<16xf32>
        %parallel_loop3A_144 = arith.addf %parallel_loop3A_138, %parallel_loop3A_143 : vector<16xf32>
        %parallel_loop3A_145 = vector.broadcast %scan3A_26 : f32 to vector<16xf32>
        %parallel_loop3A_146 = arith.mulf %parallel_loop3A_144, %parallel_loop3A_145 : vector<16xf32>
        %parallel_loop3A_147 = arith.cmpf olt, %parallel_loop3A_146, %parallel_loop3A_132 : vector<16xf32>
        %parallel_loop3A_148 = arith.select %parallel_loop3A_147, %broadcast_in_dim3A_7, %broadcast_in_dim3A_9 : vector<16xi1>, vector<16xi32>
        %parallel_loop3A_149 = arith.addi %parallel_loop3A_137, %parallel_loop3A_142 : vector<16xi32>
        %parallel_loop3A_150 = arith.addi %parallel_loop3A_149, %parallel_loop3A_148 : vector<16xi32>
        %parallel_loop3A_151 = arith.constant 16 : i32
        %parallel_loop3A_152 = vector.broadcast %parallel_loop3A_151 : i32 to vector<16xi32>
        %parallel_loop3A_153 = arith.muli %parallel_loop3A_150, %parallel_loop3A_152 : vector<16xi32>
        %parallel_loop3A_154 = arith.addi %parallel_loop3A_153, %iota3A : vector<16xi32>
        tpu.vector_store_idx %arg14[%parallel_loop3A_154], %broadcast_in_dim3A_5 {add = true} : memref<1792xf32, #tpu.memory_space<vmem>>[vector<16xi32>], vector<16xf32>,
        tpu.vector_store_idx %arg13[%parallel_loop3A_154], %parallel_loop3A_132 {add = true} : memref<1792xf32, #tpu.memory_space<vmem>>[vector<16xi32>], vector<16xf32>,
        tpu.vector_store_idx %arg12[%parallel_loop3A_154], %parallel_loop3A_134 {add = true} : memref<1792xf32, #tpu.memory_space<vmem>>[vector<16xi32>], vector<16xf32>,
      } {sc.loop_unroll_factor = 4 : i64, sc.parallel_access}
      %add3A_75 = arith.constant 2 : i32
      %add3A_76 = arith.addi %add3A_66, %add3A_75 : i32
      %lt3A = arith.constant 32 : i32
      %lt3A_77 = arith.cmpi slt, %add3A_76, %lt3A : i32
      %convert_element_type3A = arith.extui %lt3A_77 : i1 to i32
      %cond3A = arith.constant 0 : i32
      %cond3A_78 = arith.cmpi ne, %convert_element_type3A, %cond3A : i32
      scf.if %cond3A_78 {
        %mul3A_98 = arith.constant 16384 : i32
        %mul3A_99 = arith.muli %add3A_76, %mul3A_98 : i32
        %add3A_100 = arith.addi %mul3A_2, %mul3A_99 : i32
        %dma_start3A_101 = tpu.memref_slice %arg2[%add3A_100] : memref<16777216xf32, #tpu.memory_space<hbm>> -> memref<16384xf32, #tpu.memory_space<hbm>>
        %dma_start3A_102 = tpu.memref_slice %arg2[%add3A_100] : memref<16777216xf32, #tpu.memory_space<hbm>> -> memref<16384xf32, #tpu.memory_space<hbm>>
        tpu.enqueue_dma source(%dma_start3A_102 : memref<16384xf32, #tpu.memory_space<hbm>>) target(%arg5 : memref<16384xf32, #tpu.memory_space<vmem>>) target_semaphore(%arg16 : memref<!tpu.dma_semaphore, #tpu.memory_space<semaphore_mem>>)
        %dma_start3A_103 = tpu.memref_slice %arg3[%add3A_100] : memref<16777216xf32, #tpu.memory_space<hbm>> -> memref<16384xf32, #tpu.memory_space<hbm>>
        %dma_start3A_104 = tpu.memref_slice %arg3[%add3A_100] : memref<16777216xf32, #tpu.memory_space<hbm>> -> memref<16384xf32, #tpu.memory_space<hbm>>
        tpu.enqueue_dma source(%dma_start3A_104 : memref<16384xf32, #tpu.memory_space<hbm>>) target(%arg7 : memref<16384xf32, #tpu.memory_space<vmem>>) target_semaphore(%arg18 : memref<!tpu.dma_semaphore, #tpu.memory_space<semaphore_mem>>)
      } else {
      }
      %add3A_79 = arith.constant 1 : i32
      %add3A_80 = arith.addi %add3A_64, %add3A_79 : i32
      %mul3A_81 = arith.constant 16384 : i32
      %mul3A_82 = arith.muli %add3A_80, %mul3A_81 : i32
      %add3A_83 = arith.addi %mul3A_2, %mul3A_82 : i32
      %dma_wait3A_84 = tpu.memref_slice %arg2[%add3A_83] : memref<16777216xf32, #tpu.memory_space<hbm>> -> memref<16384xf32, #tpu.memory_space<hbm>>
      %dma_wait3A_85 = tpu.memref_slice %arg2[%add3A_83] : memref<16777216xf32, #tpu.memory_space<hbm>> -> memref<16384xf32, #tpu.memory_space<hbm>>
      tpu.wait_dma2 semaphore(%arg17 : memref<!tpu.dma_semaphore, #tpu.memory_space<semaphore_mem>>) src(%dma_wait3A_85 : memref<16384xf32, #tpu.memory_space<hbm>>) dst(%arg6 : memref<16384xf32, #tpu.memory_space<vmem>>)
      %dma_wait3A_86 = tpu.memref_slice %arg3[%add3A_83] : memref<16777216xf32, #tpu.memory_space<hbm>> -> memref<16384xf32, #tpu.memory_space<hbm>>
      %dma_wait3A_87 = tpu.memref_slice %arg3[%add3A_83] : memref<16777216xf32, #tpu.memory_space<hbm>> -> memref<16384xf32, #tpu.memory_space<hbm>>
      tpu.wait_dma2 semaphore(%arg19 : memref<!tpu.dma_semaphore, #tpu.memory_space<semaphore_mem>>) src(%dma_wait3A_87 : memref<16384xf32, #tpu.memory_space<hbm>>) dst(%arg8 : memref<16384xf32, #tpu.memory_space<vmem>>)
      %parallel_loop3A_88 = arith.constant 0 : i32
      %parallel_loop3A_89 = arith.constant 1024 : i32
      %parallel_loop3A_90 = arith.constant 2 : i32
      scf.for %parallel_loop3A_98 = %parallel_loop3A_88 to %parallel_loop3A_89 step %parallel_loop3A_90  : i32 {
        %parallel_loop3A_99 = arith.constant 0 : i32
        %parallel_loop3A_100 = arith.addi %parallel_loop3A_98, %parallel_loop3A_99 : i32
        %parallel_loop3A_101 = arith.constant 16 : i32
        %parallel_loop3A_102 = arith.muli %parallel_loop3A_100, %parallel_loop3A_101 : i32
        %parallel_loop3A_103 = arith.index_cast %parallel_loop3A_102 : i32 to index
        %parallel_loop3A_104 = tpu.vector_load %arg6[%parallel_loop3A_103] {strides = array<i32>} : memref<16384xf32, #tpu.memory_space<vmem>>, vector<16xf32>,
        %parallel_loop3A_105 = arith.index_cast %parallel_loop3A_102 : i32 to index
        %parallel_loop3A_106 = tpu.vector_load %arg8[%parallel_loop3A_105] {strides = array<i32>} : memref<16384xf32, #tpu.memory_space<vmem>>, vector<16xf32>,
        %parallel_loop3A_107 = vector.broadcast %scan3A_25 : f32 to vector<16xf32>
        %parallel_loop3A_108 = arith.mulf %parallel_loop3A_104, %parallel_loop3A_107 : vector<16xf32>
        %parallel_loop3A_109 = arith.fptosi %parallel_loop3A_108 : vector<16xf32> to vector<16xi32>
        %parallel_loop3A_110 = arith.sitofp %parallel_loop3A_109 : vector<16xi32> to vector<16xf32>
        %parallel_loop3A_111 = vector.broadcast %scan3A_26 : f32 to vector<16xf32>
        %parallel_loop3A_112 = arith.mulf %parallel_loop3A_110, %parallel_loop3A_111 : vector<16xf32>
        %parallel_loop3A_113 = arith.cmpf olt, %parallel_loop3A_112, %parallel_loop3A_104 : vector<16xf32>
        %parallel_loop3A_114 = arith.select %parallel_loop3A_113, %broadcast_in_dim3A_7, %broadcast_in_dim3A_9 : vector<16xi1>, vector<16xi32>
        %parallel_loop3A_115 = vector.broadcast %scan3A_27 : f32 to vector<16xf32>
        %parallel_loop3A_116 = arith.addf %parallel_loop3A_110, %parallel_loop3A_115 : vector<16xf32>
        %parallel_loop3A_117 = vector.broadcast %scan3A_26 : f32 to vector<16xf32>
        %parallel_loop3A_118 = arith.mulf %parallel_loop3A_116, %parallel_loop3A_117 : vector<16xf32>
        %parallel_loop3A_119 = arith.cmpf olt, %parallel_loop3A_118, %parallel_loop3A_104 : vector<16xf32>
        %parallel_loop3A_120 = arith.select %parallel_loop3A_119, %broadcast_in_dim3A_7, %broadcast_in_dim3A_9 : vector<16xi1>, vector<16xi32>
        %parallel_loop3A_121 = arith.addi %parallel_loop3A_109, %parallel_loop3A_114 : vector<16xi32>
        %parallel_loop3A_122 = arith.addi %parallel_loop3A_121, %parallel_loop3A_120 : vector<16xi32>
        %parallel_loop3A_123 = arith.constant 16 : i32
        %parallel_loop3A_124 = vector.broadcast %parallel_loop3A_123 : i32 to vector<16xi32>
        %parallel_loop3A_125 = arith.muli %parallel_loop3A_122, %parallel_loop3A_124 : vector<16xi32>
        %parallel_loop3A_126 = arith.addi %parallel_loop3A_125, %iota3A : vector<16xi32>
        tpu.vector_store_idx %arg11[%parallel_loop3A_126], %broadcast_in_dim3A_5 {add = true} : memref<1792xf32, #tpu.memory_space<vmem>>[vector<16xi32>], vector<16xf32>,
        tpu.vector_store_idx %arg10[%parallel_loop3A_126], %parallel_loop3A_104 {add = true} : memref<1792xf32, #tpu.memory_space<vmem>>[vector<16xi32>], vector<16xf32>,
        tpu.vector_store_idx %arg9[%parallel_loop3A_126], %parallel_loop3A_106 {add = true} : memref<1792xf32, #tpu.memory_space<vmem>>[vector<16xi32>], vector<16xf32>,
        %parallel_loop3A_127 = arith.constant 1 : i32
        %parallel_loop3A_128 = arith.addi %parallel_loop3A_98, %parallel_loop3A_127 : i32
        %parallel_loop3A_129 = arith.constant 16 : i32
        %parallel_loop3A_130 = arith.muli %parallel_loop3A_128, %parallel_loop3A_129 : i32
        %parallel_loop3A_131 = arith.index_cast %parallel_loop3A_130 : i32 to index
        %parallel_loop3A_132 = tpu.vector_load %arg6[%parallel_loop3A_131] {strides = array<i32>} : memref<16384xf32, #tpu.memory_space<vmem>>, vector<16xf32>,
        %parallel_loop3A_133 = arith.index_cast %parallel_loop3A_130 : i32 to index
        %parallel_loop3A_134 = tpu.vector_load %arg8[%parallel_loop3A_133] {strides = array<i32>} : memref<16384xf32, #tpu.memory_space<vmem>>, vector<16xf32>,
        %parallel_loop3A_135 = vector.broadcast %scan3A_25 : f32 to vector<16xf32>
        %parallel_loop3A_136 = arith.mulf %parallel_loop3A_132, %parallel_loop3A_135 : vector<16xf32>
        %parallel_loop3A_137 = arith.fptosi %parallel_loop3A_136 : vector<16xf32> to vector<16xi32>
        %parallel_loop3A_138 = arith.sitofp %parallel_loop3A_137 : vector<16xi32> to vector<16xf32>
        %parallel_loop3A_139 = vector.broadcast %scan3A_26 : f32 to vector<16xf32>
        %parallel_loop3A_140 = arith.mulf %parallel_loop3A_138, %parallel_loop3A_139 : vector<16xf32>
        %parallel_loop3A_141 = arith.cmpf olt, %parallel_loop3A_140, %parallel_loop3A_132 : vector<16xf32>
        %parallel_loop3A_142 = arith.select %parallel_loop3A_141, %broadcast_in_dim3A_7, %broadcast_in_dim3A_9 : vector<16xi1>, vector<16xi32>
        %parallel_loop3A_143 = vector.broadcast %scan3A_27 : f32 to vector<16xf32>
        %parallel_loop3A_144 = arith.addf %parallel_loop3A_138, %parallel_loop3A_143 : vector<16xf32>
        %parallel_loop3A_145 = vector.broadcast %scan3A_26 : f32 to vector<16xf32>
        %parallel_loop3A_146 = arith.mulf %parallel_loop3A_144, %parallel_loop3A_145 : vector<16xf32>
        %parallel_loop3A_147 = arith.cmpf olt, %parallel_loop3A_146, %parallel_loop3A_132 : vector<16xf32>
        %parallel_loop3A_148 = arith.select %parallel_loop3A_147, %broadcast_in_dim3A_7, %broadcast_in_dim3A_9 : vector<16xi1>, vector<16xi32>
        %parallel_loop3A_149 = arith.addi %parallel_loop3A_137, %parallel_loop3A_142 : vector<16xi32>
        %parallel_loop3A_150 = arith.addi %parallel_loop3A_149, %parallel_loop3A_148 : vector<16xi32>
        %parallel_loop3A_151 = arith.constant 16 : i32
        %parallel_loop3A_152 = vector.broadcast %parallel_loop3A_151 : i32 to vector<16xi32>
        %parallel_loop3A_153 = arith.muli %parallel_loop3A_150, %parallel_loop3A_152 : vector<16xi32>
        %parallel_loop3A_154 = arith.addi %parallel_loop3A_153, %iota3A : vector<16xi32>
        tpu.vector_store_idx %arg14[%parallel_loop3A_154], %broadcast_in_dim3A_5 {add = true} : memref<1792xf32, #tpu.memory_space<vmem>>[vector<16xi32>], vector<16xf32>,
        tpu.vector_store_idx %arg13[%parallel_loop3A_154], %parallel_loop3A_132 {add = true} : memref<1792xf32, #tpu.memory_space<vmem>>[vector<16xi32>], vector<16xf32>,
        tpu.vector_store_idx %arg12[%parallel_loop3A_154], %parallel_loop3A_134 {add = true} : memref<1792xf32, #tpu.memory_space<vmem>>[vector<16xi32>], vector<16xf32>,
      } {sc.loop_unroll_factor = 4 : i64, sc.parallel_access}
      %add3A_91 = arith.constant 2 : i32
      %add3A_92 = arith.addi %add3A_80, %add3A_91 : i32
      %lt3A_93 = arith.constant 32 : i32
      %lt3A_94 = arith.cmpi slt, %add3A_92, %lt3A_93 : i32
      %convert_element_type3A_95 = arith.extui %lt3A_94 : i1 to i32
      %cond3A_96 = arith.constant 0 : i32
      %cond3A_97 = arith.cmpi ne, %convert_element_type3A_95, %cond3A_96 : i32
      scf.if %cond3A_97 {
        %mul3A_98 = arith.constant 16384 : i32
        %mul3A_99 = arith.muli %add3A_92, %mul3A_98 : i32
        %add3A_100 = arith.addi %mul3A_2, %mul3A_99 : i32
        %dma_start3A_101 = tpu.memref_slice %arg2[%add3A_100] : memref<16777216xf32, #tpu.memory_space<hbm>> -> memref<16384xf32, #tpu.memory_space<hbm>>
        %dma_start3A_102 = tpu.memref_slice %arg2[%add3A_100] : memref<16777216xf32, #tpu.memory_space<hbm>> -> memref<16384xf32, #tpu.memory_space<hbm>>
        tpu.enqueue_dma source(%dma_start3A_102 : memref<16384xf32, #tpu.memory_space<hbm>>) target(%arg6 : memref<16384xf32, #tpu.memory_space<vmem>>) target_semaphore(%arg17 : memref<!tpu.dma_semaphore, #tpu.memory_space<semaphore_mem>>)
        %dma_start3A_103 = tpu.memref_slice %arg3[%add3A_100] : memref<16777216xf32, #tpu.memory_space<hbm>> -> memref<16384xf32, #tpu.memory_space<hbm>>
        %dma_start3A_104 = tpu.memref_slice %arg3[%add3A_100] : memref<16777216xf32, #tpu.memory_space<hbm>> -> memref<16384xf32, #tpu.memory_space<hbm>>
        tpu.enqueue_dma source(%dma_start3A_104 : memref<16384xf32, #tpu.memory_space<hbm>>) target(%arg8 : memref<16384xf32, #tpu.memory_space<vmem>>) target_semaphore(%arg19 : memref<!tpu.dma_semaphore, #tpu.memory_space<semaphore_mem>>)
      } else {
      }
    }
    %scan3A_32 = arith.constant 16 : i32
    %scan3A_33 = arith.constant 0 : i32
    %scan3A_34 = arith.constant 112 : i32
    %scan3A_35 = arith.addi %scan3A_33, %scan3A_34 : i32
    %scan3A_36 = arith.constant 1 : i32
    scf.for %scan3A_60 = %scan3A_33 to %scan3A_35 step %scan3A_36  : i32 {
      %mul3A_61 = arith.constant 1 : i32
      %mul3A_62 = arith.muli %scan3A_60, %mul3A_61 : i32
      %add3A_63 = arith.constant 0 : i32
      %add3A_64 = arith.addi %add3A_63, %mul3A_62 : i32
      %mul3A_65 = arith.constant 16 : i32
      %mul3A_66 = arith.muli %add3A_64, %mul3A_65 : i32
      %get3A = arith.index_cast %mul3A_66 : i32 to index
      %get3A_67 = tpu.vector_load %arg9[%get3A] {strides = array<i32>} : memref<1792xf32, #tpu.memory_space<vmem>>, vector<16xf32>,
      %get3A_68 = arith.index_cast %mul3A_66 : i32 to index
      %get3A_69 = tpu.vector_load %arg12[%get3A_68] {strides = array<i32>} : memref<1792xf32, #tpu.memory_space<vmem>>, vector<16xf32>,
      %add3A_70 = arith.addf %get3A_67, %get3A_69 : vector<16xf32>
      %swap3A = arith.index_cast %mul3A_66 : i32 to index
      %swap3A_71 = tpu.vector_load %arg9[%swap3A] {strides = array<i32>} : memref<1792xf32, #tpu.memory_space<vmem>>, vector<16xf32>,
      tpu.vector_store %arg9[%swap3A], %add3A_70 {strides = array<i32>} : memref<1792xf32, #tpu.memory_space<vmem>>, vector<16xf32>,
      %get3A_72 = arith.index_cast %mul3A_66 : i32 to index
      %get3A_73 = tpu.vector_load %arg10[%get3A_72] {strides = array<i32>} : memref<1792xf32, #tpu.memory_space<vmem>>, vector<16xf32>,
      %get3A_74 = arith.index_cast %mul3A_66 : i32 to index
      %get3A_75 = tpu.vector_load %arg13[%get3A_74] {strides = array<i32>} : memref<1792xf32, #tpu.memory_space<vmem>>, vector<16xf32>,
      %add3A_76 = arith.addf %get3A_73, %get3A_75 : vector<16xf32>
      %swap3A_77 = arith.index_cast %mul3A_66 : i32 to index
      %swap3A_78 = tpu.vector_load %arg10[%swap3A_77] {strides = array<i32>} : memref<1792xf32, #tpu.memory_space<vmem>>, vector<16xf32>,
      tpu.vector_store %arg10[%swap3A_77], %add3A_76 {strides = array<i32>} : memref<1792xf32, #tpu.memory_space<vmem>>, vector<16xf32>,
      %get3A_79 = arith.index_cast %mul3A_66 : i32 to index
      %get3A_80 = tpu.vector_load %arg11[%get3A_79] {strides = array<i32>} : memref<1792xf32, #tpu.memory_space<vmem>>, vector<16xf32>,
      %get3A_81 = arith.index_cast %mul3A_66 : i32 to index
      %get3A_82 = tpu.vector_load %arg14[%get3A_81] {strides = array<i32>} : memref<1792xf32, #tpu.memory_space<vmem>>, vector<16xf32>,
      %add3A_83 = arith.addf %get3A_80, %get3A_82 : vector<16xf32>
      %swap3A_84 = arith.index_cast %mul3A_66 : i32 to index
      %swap3A_85 = tpu.vector_load %arg11[%swap3A_84] {strides = array<i32>} : memref<1792xf32, #tpu.memory_space<vmem>>, vector<16xf32>,
      tpu.vector_store %arg11[%swap3A_84], %add3A_83 {strides = array<i32>} : memref<1792xf32, #tpu.memory_space<vmem>>, vector<16xf32>,
    }
    %scan3A_37 = arith.constant 112 : i32
    %scan3A_38 = arith.constant 0 : i32
    %scan3A_39 = arith.constant 24 : i32
    %scan3A_40 = arith.addi %scan3A_38, %scan3A_39 : i32
    %scan3A_41 = arith.constant 1 : i32
    scf.for %scan3A_60 = %scan3A_38 to %scan3A_40 step %scan3A_41  : i32 {
      %mul3A_61 = arith.constant 1 : i32
      %mul3A_62 = arith.muli %scan3A_60, %mul3A_61 : i32
      %add3A_63 = arith.constant 0 : i32
      %add3A_64 = arith.addi %add3A_63, %mul3A_62 : i32
      %mul3A_65 = arith.constant 16 : i32
      %mul3A_66 = arith.muli %add3A_64, %mul3A_65 : i32
      %swap3A = arith.index_cast %mul3A_66 : i32 to index
      %swap3A_67 = tpu.vector_load %arg15[%swap3A] {strides = array<i32>} : memref<384xf32, #tpu.memory_space<vmem>>, vector<16xf32>,
      tpu.vector_store %arg15[%swap3A], %broadcast_in_dim3A_3 {strides = array<i32>} : memref<384xf32, #tpu.memory_space<vmem>>, vector<16xf32>,
    }
    %scan3A_42 = arith.constant 24 : i32
    %scan3A_43 = arith.constant 0 : i32
    %scan3A_44 = arith.constant 7 : i32
    %scan3A_45 = arith.addi %scan3A_43, %scan3A_44 : i32
    %scan3A_46 = arith.constant 1 : i32
    scf.for %scan3A_60 = %scan3A_43 to %scan3A_45 step %scan3A_46  : i32 {
      %mul3A_61 = arith.constant 1 : i32
      %mul3A_62 = arith.muli %scan3A_60, %mul3A_61 : i32
      %add3A_63 = arith.constant 0 : i32
      %add3A_64 = arith.addi %add3A_63, %mul3A_62 : i32
      %mul3A_65 = arith.constant 256 : i32
      %mul3A_66 = arith.muli %add3A_64, %mul3A_65 : i32
      %mul3A_67 = arith.constant 16 : i32
      %mul3A_68 = vector.broadcast %mul3A_67 : i32 to vector<16xi32>
      %mul3A_69 = arith.muli %iota3A, %mul3A_68 : vector<16xi32>
      %add3A_70 = arith.constant 0 : i32
      %add3A_71 = arith.addi %mul3A_66, %add3A_70 : i32
      %add3A_72 = vector.broadcast %add3A_71 : i32 to vector<16xi32>
      %add3A_73 = arith.addi %mul3A_69, %add3A_72 : vector<16xi32>
      %gather3A = tpu.vector_load_idx %arg9[%add3A_73] : memref<1792xf32, #tpu.memory_space<vmem>>[vector<16xi32>], vector<16xf32>,
      %add3A_74 = arith.addf %broadcast_in_dim3A_3, %gather3A : vector<16xf32>
      %mul3A_75 = arith.constant 16 : i32
      %mul3A_76 = vector.broadcast %mul3A_75 : i32 to vector<16xi32>
      %mul3A_77 = arith.muli %iota3A, %mul3A_76 : vector<16xi32>
      %add3A_78 = arith.constant 1 : i32
      %add3A_79 = arith.addi %mul3A_66, %add3A_78 : i32
      %add3A_80 = vector.broadcast %add3A_79 : i32 to vector<16xi32>
      %add3A_81 = arith.addi %mul3A_77, %add3A_80 : vector<16xi32>
      %gather3A_82 = tpu.vector_load_idx %arg9[%add3A_81] : memref<1792xf32, #tpu.memory_space<vmem>>[vector<16xi32>], vector<16xf32>,
      %add3A_83 = arith.addf %add3A_74, %gather3A_82 : vector<16xf32>
      %mul3A_84 = arith.constant 16 : i32
      %mul3A_85 = vector.broadcast %mul3A_84 : i32 to vector<16xi32>
      %mul3A_86 = arith.muli %iota3A, %mul3A_85 : vector<16xi32>
      %add3A_87 = arith.constant 2 : i32
      %add3A_88 = arith.addi %mul3A_66, %add3A_87 : i32
      %add3A_89 = vector.broadcast %add3A_88 : i32 to vector<16xi32>
      %add3A_90 = arith.addi %mul3A_86, %add3A_89 : vector<16xi32>
      %gather3A_91 = tpu.vector_load_idx %arg9[%add3A_90] : memref<1792xf32, #tpu.memory_space<vmem>>[vector<16xi32>], vector<16xf32>,
      %add3A_92 = arith.addf %add3A_83, %gather3A_91 : vector<16xf32>
      %mul3A_93 = arith.constant 16 : i32
      %mul3A_94 = vector.broadcast %mul3A_93 : i32 to vector<16xi32>
      %mul3A_95 = arith.muli %iota3A, %mul3A_94 : vector<16xi32>
      %add3A_96 = arith.constant 3 : i32
      %add3A_97 = arith.addi %mul3A_66, %add3A_96 : i32
      %add3A_98 = vector.broadcast %add3A_97 : i32 to vector<16xi32>
      %add3A_99 = arith.addi %mul3A_95, %add3A_98 : vector<16xi32>
      %gather3A_100 = tpu.vector_load_idx %arg9[%add3A_99] : memref<1792xf32, #tpu.memory_space<vmem>>[vector<16xi32>], vector<16xf32>,
      %add3A_101 = arith.addf %add3A_92, %gather3A_100 : vector<16xf32>
      %mul3A_102 = arith.constant 16 : i32
      %mul3A_103 = vector.broadcast %mul3A_102 : i32 to vector<16xi32>
      %mul3A_104 = arith.muli %iota3A, %mul3A_103 : vector<16xi32>
      %add3A_105 = arith.constant 4 : i32
      %add3A_106 = arith.addi %mul3A_66, %add3A_105 : i32
      %add3A_107 = vector.broadcast %add3A_106 : i32 to vector<16xi32>
      %add3A_108 = arith.addi %mul3A_104, %add3A_107 : vector<16xi32>
      %gather3A_109 = tpu.vector_load_idx %arg9[%add3A_108] : memref<1792xf32, #tpu.memory_space<vmem>>[vector<16xi32>], vector<16xf32>,
      %add3A_110 = arith.addf %add3A_101, %gather3A_109 : vector<16xf32>
      %mul3A_111 = arith.constant 16 : i32
      %mul3A_112 = vector.broadcast %mul3A_111 : i32 to vector<16xi32>
      %mul3A_113 = arith.muli %iota3A, %mul3A_112 : vector<16xi32>
      %add3A_114 = arith.constant 5 : i32
      %add3A_115 = arith.addi %mul3A_66, %add3A_114 : i32
      %add3A_116 = vector.broadcast %add3A_115 : i32 to vector<16xi32>
      %add3A_117 = arith.addi %mul3A_113, %add3A_116 : vector<16xi32>
      %gather3A_118 = tpu.vector_load_idx %arg9[%add3A_117] : memref<1792xf32, #tpu.memory_space<vmem>>[vector<16xi32>], vector<16xf32>,
      %add3A_119 = arith.addf %add3A_110, %gather3A_118 : vector<16xf32>
      %mul3A_120 = arith.constant 16 : i32
      %mul3A_121 = vector.broadcast %mul3A_120 : i32 to vector<16xi32>
      %mul3A_122 = arith.muli %iota3A, %mul3A_121 : vector<16xi32>
      %add3A_123 = arith.constant 6 : i32
      %add3A_124 = arith.addi %mul3A_66, %add3A_123 : i32
      %add3A_125 = vector.broadcast %add3A_124 : i32 to vector<16xi32>
      %add3A_126 = arith.addi %mul3A_122, %add3A_125 : vector<16xi32>
      %gather3A_127 = tpu.vector_load_idx %arg9[%add3A_126] : memref<1792xf32, #tpu.memory_space<vmem>>[vector<16xi32>], vector<16xf32>,
      %add3A_128 = arith.addf %add3A_119, %gather3A_127 : vector<16xf32>
      %mul3A_129 = arith.constant 16 : i32
      %mul3A_130 = vector.broadcast %mul3A_129 : i32 to vector<16xi32>
      %mul3A_131 = arith.muli %iota3A, %mul3A_130 : vector<16xi32>
      %add3A_132 = arith.constant 7 : i32
      %add3A_133 = arith.addi %mul3A_66, %add3A_132 : i32
      %add3A_134 = vector.broadcast %add3A_133 : i32 to vector<16xi32>
      %add3A_135 = arith.addi %mul3A_131, %add3A_134 : vector<16xi32>
      %gather3A_136 = tpu.vector_load_idx %arg9[%add3A_135] : memref<1792xf32, #tpu.memory_space<vmem>>[vector<16xi32>], vector<16xf32>,
      %add3A_137 = arith.addf %add3A_128, %gather3A_136 : vector<16xf32>
      %mul3A_138 = arith.constant 16 : i32
      %mul3A_139 = vector.broadcast %mul3A_138 : i32 to vector<16xi32>
      %mul3A_140 = arith.muli %iota3A, %mul3A_139 : vector<16xi32>
      %add3A_141 = arith.constant 8 : i32
      %add3A_142 = arith.addi %mul3A_66, %add3A_141 : i32
      %add3A_143 = vector.broadcast %add3A_142 : i32 to vector<16xi32>
      %add3A_144 = arith.addi %mul3A_140, %add3A_143 : vector<16xi32>
      %gather3A_145 = tpu.vector_load_idx %arg9[%add3A_144] : memref<1792xf32, #tpu.memory_space<vmem>>[vector<16xi32>], vector<16xf32>,
      %add3A_146 = arith.addf %add3A_137, %gather3A_145 : vector<16xf32>
      %mul3A_147 = arith.constant 16 : i32
      %mul3A_148 = vector.broadcast %mul3A_147 : i32 to vector<16xi32>
      %mul3A_149 = arith.muli %iota3A, %mul3A_148 : vector<16xi32>
      %add3A_150 = arith.constant 9 : i32
      %add3A_151 = arith.addi %mul3A_66, %add3A_150 : i32
      %add3A_152 = vector.broadcast %add3A_151 : i32 to vector<16xi32>
      %add3A_153 = arith.addi %mul3A_149, %add3A_152 : vector<16xi32>
      %gather3A_154 = tpu.vector_load_idx %arg9[%add3A_153] : memref<1792xf32, #tpu.memory_space<vmem>>[vector<16xi32>], vector<16xf32>,
      %add3A_155 = arith.addf %add3A_146, %gather3A_154 : vector<16xf32>
      %mul3A_156 = arith.constant 16 : i32
      %mul3A_157 = vector.broadcast %mul3A_156 : i32 to vector<16xi32>
      %mul3A_158 = arith.muli %iota3A, %mul3A_157 : vector<16xi32>
      %add3A_159 = arith.constant 10 : i32
      %add3A_160 = arith.addi %mul3A_66, %add3A_159 : i32
      %add3A_161 = vector.broadcast %add3A_160 : i32 to vector<16xi32>
      %add3A_162 = arith.addi %mul3A_158, %add3A_161 : vector<16xi32>
      %gather3A_163 = tpu.vector_load_idx %arg9[%add3A_162] : memref<1792xf32, #tpu.memory_space<vmem>>[vector<16xi32>], vector<16xf32>,
      %add3A_164 = arith.addf %add3A_155, %gather3A_163 : vector<16xf32>
      %mul3A_165 = arith.constant 16 : i32
      %mul3A_166 = vector.broadcast %mul3A_165 : i32 to vector<16xi32>
      %mul3A_167 = arith.muli %iota3A, %mul3A_166 : vector<16xi32>
      %add3A_168 = arith.constant 11 : i32
      %add3A_169 = arith.addi %mul3A_66, %add3A_168 : i32
      %add3A_170 = vector.broadcast %add3A_169 : i32 to vector<16xi32>
      %add3A_171 = arith.addi %mul3A_167, %add3A_170 : vector<16xi32>
      %gather3A_172 = tpu.vector_load_idx %arg9[%add3A_171] : memref<1792xf32, #tpu.memory_space<vmem>>[vector<16xi32>], vector<16xf32>,
      %add3A_173 = arith.addf %add3A_164, %gather3A_172 : vector<16xf32>
      %mul3A_174 = arith.constant 16 : i32
      %mul3A_175 = vector.broadcast %mul3A_174 : i32 to vector<16xi32>
      %mul3A_176 = arith.muli %iota3A, %mul3A_175 : vector<16xi32>
      %add3A_177 = arith.constant 12 : i32
      %add3A_178 = arith.addi %mul3A_66, %add3A_177 : i32
      %add3A_179 = vector.broadcast %add3A_178 : i32 to vector<16xi32>
      %add3A_180 = arith.addi %mul3A_176, %add3A_179 : vector<16xi32>
      %gather3A_181 = tpu.vector_load_idx %arg9[%add3A_180] : memref<1792xf32, #tpu.memory_space<vmem>>[vector<16xi32>], vector<16xf32>,
      %add3A_182 = arith.addf %add3A_173, %gather3A_181 : vector<16xf32>
      %mul3A_183 = arith.constant 16 : i32
      %mul3A_184 = vector.broadcast %mul3A_183 : i32 to vector<16xi32>
      %mul3A_185 = arith.muli %iota3A, %mul3A_184 : vector<16xi32>
      %add3A_186 = arith.constant 13 : i32
      %add3A_187 = arith.addi %mul3A_66, %add3A_186 : i32
      %add3A_188 = vector.broadcast %add3A_187 : i32 to vector<16xi32>
      %add3A_189 = arith.addi %mul3A_185, %add3A_188 : vector<16xi32>
      %gather3A_190 = tpu.vector_load_idx %arg9[%add3A_189] : memref<1792xf32, #tpu.memory_space<vmem>>[vector<16xi32>], vector<16xf32>,
      %add3A_191 = arith.addf %add3A_182, %gather3A_190 : vector<16xf32>
      %mul3A_192 = arith.constant 16 : i32
      %mul3A_193 = vector.broadcast %mul3A_192 : i32 to vector<16xi32>
      %mul3A_194 = arith.muli %iota3A, %mul3A_193 : vector<16xi32>
      %add3A_195 = arith.constant 14 : i32
      %add3A_196 = arith.addi %mul3A_66, %add3A_195 : i32
      %add3A_197 = vector.broadcast %add3A_196 : i32 to vector<16xi32>
      %add3A_198 = arith.addi %mul3A_194, %add3A_197 : vector<16xi32>
      %gather3A_199 = tpu.vector_load_idx %arg9[%add3A_198] : memref<1792xf32, #tpu.memory_space<vmem>>[vector<16xi32>], vector<16xf32>,
      %add3A_200 = arith.addf %add3A_191, %gather3A_199 : vector<16xf32>
      %mul3A_201 = arith.constant 16 : i32
      %mul3A_202 = vector.broadcast %mul3A_201 : i32 to vector<16xi32>
      %mul3A_203 = arith.muli %iota3A, %mul3A_202 : vector<16xi32>
      %add3A_204 = arith.constant 15 : i32
      %add3A_205 = arith.addi %mul3A_66, %add3A_204 : i32
      %add3A_206 = vector.broadcast %add3A_205 : i32 to vector<16xi32>
      %add3A_207 = arith.addi %mul3A_203, %add3A_206 : vector<16xi32>
      %gather3A_208 = tpu.vector_load_idx %arg9[%add3A_207] : memref<1792xf32, #tpu.memory_space<vmem>>[vector<16xi32>], vector<16xf32>,
      %add3A_209 = arith.addf %add3A_200, %gather3A_208 : vector<16xf32>
      %mul3A_210 = arith.constant 16 : i32
      %mul3A_211 = arith.muli %add3A_64, %mul3A_210 : i32
      %add3A_212 = arith.constant 0 : i32
      %add3A_213 = arith.addi %add3A_212, %mul3A_211 : i32
      %swap3A = arith.index_cast %add3A_213 : i32 to index
      %swap3A_214 = tpu.vector_load %arg15[%swap3A] {strides = array<i32>} : memref<384xf32, #tpu.memory_space<vmem>>, vector<16xf32>,
      tpu.vector_store %arg15[%swap3A], %add3A_209 {strides = array<i32>} : memref<384xf32, #tpu.memory_space<vmem>>, vector<16xf32>,
    }
    %scan3A_47 = arith.constant 7 : i32
    %scan3A_48 = arith.constant 0 : i32
    %scan3A_49 = arith.constant 7 : i32
    %scan3A_50 = arith.addi %scan3A_48, %scan3A_49 : i32
    %scan3A_51 = arith.constant 1 : i32
    scf.for %scan3A_60 = %scan3A_48 to %scan3A_50 step %scan3A_51  : i32 {
      %mul3A_61 = arith.constant 1 : i32
      %mul3A_62 = arith.muli %scan3A_60, %mul3A_61 : i32
      %add3A_63 = arith.constant 0 : i32
      %add3A_64 = arith.addi %add3A_63, %mul3A_62 : i32
      %mul3A_65 = arith.constant 256 : i32
      %mul3A_66 = arith.muli %add3A_64, %mul3A_65 : i32
      %mul3A_67 = arith.constant 16 : i32
      %mul3A_68 = vector.broadcast %mul3A_67 : i32 to vector<16xi32>
      %mul3A_69 = arith.muli %iota3A, %mul3A_68 : vector<16xi32>
      %add3A_70 = arith.constant 0 : i32
      %add3A_71 = arith.addi %mul3A_66, %add3A_70 : i32
      %add3A_72 = vector.broadcast %add3A_71 : i32 to vector<16xi32>
      %add3A_73 = arith.addi %mul3A_69, %add3A_72 : vector<16xi32>
      %gather3A = tpu.vector_load_idx %arg10[%add3A_73] : memref<1792xf32, #tpu.memory_space<vmem>>[vector<16xi32>], vector<16xf32>,
      %add3A_74 = arith.addf %broadcast_in_dim3A_3, %gather3A : vector<16xf32>
      %mul3A_75 = arith.constant 16 : i32
      %mul3A_76 = vector.broadcast %mul3A_75 : i32 to vector<16xi32>
      %mul3A_77 = arith.muli %iota3A, %mul3A_76 : vector<16xi32>
      %add3A_78 = arith.constant 1 : i32
      %add3A_79 = arith.addi %mul3A_66, %add3A_78 : i32
      %add3A_80 = vector.broadcast %add3A_79 : i32 to vector<16xi32>
      %add3A_81 = arith.addi %mul3A_77, %add3A_80 : vector<16xi32>
      %gather3A_82 = tpu.vector_load_idx %arg10[%add3A_81] : memref<1792xf32, #tpu.memory_space<vmem>>[vector<16xi32>], vector<16xf32>,
      %add3A_83 = arith.addf %add3A_74, %gather3A_82 : vector<16xf32>
      %mul3A_84 = arith.constant 16 : i32
      %mul3A_85 = vector.broadcast %mul3A_84 : i32 to vector<16xi32>
      %mul3A_86 = arith.muli %iota3A, %mul3A_85 : vector<16xi32>
      %add3A_87 = arith.constant 2 : i32
      %add3A_88 = arith.addi %mul3A_66, %add3A_87 : i32
      %add3A_89 = vector.broadcast %add3A_88 : i32 to vector<16xi32>
      %add3A_90 = arith.addi %mul3A_86, %add3A_89 : vector<16xi32>
      %gather3A_91 = tpu.vector_load_idx %arg10[%add3A_90] : memref<1792xf32, #tpu.memory_space<vmem>>[vector<16xi32>], vector<16xf32>,
      %add3A_92 = arith.addf %add3A_83, %gather3A_91 : vector<16xf32>
      %mul3A_93 = arith.constant 16 : i32
      %mul3A_94 = vector.broadcast %mul3A_93 : i32 to vector<16xi32>
      %mul3A_95 = arith.muli %iota3A, %mul3A_94 : vector<16xi32>
      %add3A_96 = arith.constant 3 : i32
      %add3A_97 = arith.addi %mul3A_66, %add3A_96 : i32
      %add3A_98 = vector.broadcast %add3A_97 : i32 to vector<16xi32>
      %add3A_99 = arith.addi %mul3A_95, %add3A_98 : vector<16xi32>
      %gather3A_100 = tpu.vector_load_idx %arg10[%add3A_99] : memref<1792xf32, #tpu.memory_space<vmem>>[vector<16xi32>], vector<16xf32>,
      %add3A_101 = arith.addf %add3A_92, %gather3A_100 : vector<16xf32>
      %mul3A_102 = arith.constant 16 : i32
      %mul3A_103 = vector.broadcast %mul3A_102 : i32 to vector<16xi32>
      %mul3A_104 = arith.muli %iota3A, %mul3A_103 : vector<16xi32>
      %add3A_105 = arith.constant 4 : i32
      %add3A_106 = arith.addi %mul3A_66, %add3A_105 : i32
      %add3A_107 = vector.broadcast %add3A_106 : i32 to vector<16xi32>
      %add3A_108 = arith.addi %mul3A_104, %add3A_107 : vector<16xi32>
      %gather3A_109 = tpu.vector_load_idx %arg10[%add3A_108] : memref<1792xf32, #tpu.memory_space<vmem>>[vector<16xi32>], vector<16xf32>,
      %add3A_110 = arith.addf %add3A_101, %gather3A_109 : vector<16xf32>
      %mul3A_111 = arith.constant 16 : i32
      %mul3A_112 = vector.broadcast %mul3A_111 : i32 to vector<16xi32>
      %mul3A_113 = arith.muli %iota3A, %mul3A_112 : vector<16xi32>
      %add3A_114 = arith.constant 5 : i32
      %add3A_115 = arith.addi %mul3A_66, %add3A_114 : i32
      %add3A_116 = vector.broadcast %add3A_115 : i32 to vector<16xi32>
      %add3A_117 = arith.addi %mul3A_113, %add3A_116 : vector<16xi32>
      %gather3A_118 = tpu.vector_load_idx %arg10[%add3A_117] : memref<1792xf32, #tpu.memory_space<vmem>>[vector<16xi32>], vector<16xf32>,
      %add3A_119 = arith.addf %add3A_110, %gather3A_118 : vector<16xf32>
      %mul3A_120 = arith.constant 16 : i32
      %mul3A_121 = vector.broadcast %mul3A_120 : i32 to vector<16xi32>
      %mul3A_122 = arith.muli %iota3A, %mul3A_121 : vector<16xi32>
      %add3A_123 = arith.constant 6 : i32
      %add3A_124 = arith.addi %mul3A_66, %add3A_123 : i32
      %add3A_125 = vector.broadcast %add3A_124 : i32 to vector<16xi32>
      %add3A_126 = arith.addi %mul3A_122, %add3A_125 : vector<16xi32>
      %gather3A_127 = tpu.vector_load_idx %arg10[%add3A_126] : memref<1792xf32, #tpu.memory_space<vmem>>[vector<16xi32>], vector<16xf32>,
      %add3A_128 = arith.addf %add3A_119, %gather3A_127 : vector<16xf32>
      %mul3A_129 = arith.constant 16 : i32
      %mul3A_130 = vector.broadcast %mul3A_129 : i32 to vector<16xi32>
      %mul3A_131 = arith.muli %iota3A, %mul3A_130 : vector<16xi32>
      %add3A_132 = arith.constant 7 : i32
      %add3A_133 = arith.addi %mul3A_66, %add3A_132 : i32
      %add3A_134 = vector.broadcast %add3A_133 : i32 to vector<16xi32>
      %add3A_135 = arith.addi %mul3A_131, %add3A_134 : vector<16xi32>
      %gather3A_136 = tpu.vector_load_idx %arg10[%add3A_135] : memref<1792xf32, #tpu.memory_space<vmem>>[vector<16xi32>], vector<16xf32>,
      %add3A_137 = arith.addf %add3A_128, %gather3A_136 : vector<16xf32>
      %mul3A_138 = arith.constant 16 : i32
      %mul3A_139 = vector.broadcast %mul3A_138 : i32 to vector<16xi32>
      %mul3A_140 = arith.muli %iota3A, %mul3A_139 : vector<16xi32>
      %add3A_141 = arith.constant 8 : i32
      %add3A_142 = arith.addi %mul3A_66, %add3A_141 : i32
      %add3A_143 = vector.broadcast %add3A_142 : i32 to vector<16xi32>
      %add3A_144 = arith.addi %mul3A_140, %add3A_143 : vector<16xi32>
      %gather3A_145 = tpu.vector_load_idx %arg10[%add3A_144] : memref<1792xf32, #tpu.memory_space<vmem>>[vector<16xi32>], vector<16xf32>,
      %add3A_146 = arith.addf %add3A_137, %gather3A_145 : vector<16xf32>
      %mul3A_147 = arith.constant 16 : i32
      %mul3A_148 = vector.broadcast %mul3A_147 : i32 to vector<16xi32>
      %mul3A_149 = arith.muli %iota3A, %mul3A_148 : vector<16xi32>
      %add3A_150 = arith.constant 9 : i32
      %add3A_151 = arith.addi %mul3A_66, %add3A_150 : i32
      %add3A_152 = vector.broadcast %add3A_151 : i32 to vector<16xi32>
      %add3A_153 = arith.addi %mul3A_149, %add3A_152 : vector<16xi32>
      %gather3A_154 = tpu.vector_load_idx %arg10[%add3A_153] : memref<1792xf32, #tpu.memory_space<vmem>>[vector<16xi32>], vector<16xf32>,
      %add3A_155 = arith.addf %add3A_146, %gather3A_154 : vector<16xf32>
      %mul3A_156 = arith.constant 16 : i32
      %mul3A_157 = vector.broadcast %mul3A_156 : i32 to vector<16xi32>
      %mul3A_158 = arith.muli %iota3A, %mul3A_157 : vector<16xi32>
      %add3A_159 = arith.constant 10 : i32
      %add3A_160 = arith.addi %mul3A_66, %add3A_159 : i32
      %add3A_161 = vector.broadcast %add3A_160 : i32 to vector<16xi32>
      %add3A_162 = arith.addi %mul3A_158, %add3A_161 : vector<16xi32>
      %gather3A_163 = tpu.vector_load_idx %arg10[%add3A_162] : memref<1792xf32, #tpu.memory_space<vmem>>[vector<16xi32>], vector<16xf32>,
      %add3A_164 = arith.addf %add3A_155, %gather3A_163 : vector<16xf32>
      %mul3A_165 = arith.constant 16 : i32
      %mul3A_166 = vector.broadcast %mul3A_165 : i32 to vector<16xi32>
      %mul3A_167 = arith.muli %iota3A, %mul3A_166 : vector<16xi32>
      %add3A_168 = arith.constant 11 : i32
      %add3A_169 = arith.addi %mul3A_66, %add3A_168 : i32
      %add3A_170 = vector.broadcast %add3A_169 : i32 to vector<16xi32>
      %add3A_171 = arith.addi %mul3A_167, %add3A_170 : vector<16xi32>
      %gather3A_172 = tpu.vector_load_idx %arg10[%add3A_171] : memref<1792xf32, #tpu.memory_space<vmem>>[vector<16xi32>], vector<16xf32>,
      %add3A_173 = arith.addf %add3A_164, %gather3A_172 : vector<16xf32>
      %mul3A_174 = arith.constant 16 : i32
      %mul3A_175 = vector.broadcast %mul3A_174 : i32 to vector<16xi32>
      %mul3A_176 = arith.muli %iota3A, %mul3A_175 : vector<16xi32>
      %add3A_177 = arith.constant 12 : i32
      %add3A_178 = arith.addi %mul3A_66, %add3A_177 : i32
      %add3A_179 = vector.broadcast %add3A_178 : i32 to vector<16xi32>
      %add3A_180 = arith.addi %mul3A_176, %add3A_179 : vector<16xi32>
      %gather3A_181 = tpu.vector_load_idx %arg10[%add3A_180] : memref<1792xf32, #tpu.memory_space<vmem>>[vector<16xi32>], vector<16xf32>,
      %add3A_182 = arith.addf %add3A_173, %gather3A_181 : vector<16xf32>
      %mul3A_183 = arith.constant 16 : i32
      %mul3A_184 = vector.broadcast %mul3A_183 : i32 to vector<16xi32>
      %mul3A_185 = arith.muli %iota3A, %mul3A_184 : vector<16xi32>
      %add3A_186 = arith.constant 13 : i32
      %add3A_187 = arith.addi %mul3A_66, %add3A_186 : i32
      %add3A_188 = vector.broadcast %add3A_187 : i32 to vector<16xi32>
      %add3A_189 = arith.addi %mul3A_185, %add3A_188 : vector<16xi32>
      %gather3A_190 = tpu.vector_load_idx %arg10[%add3A_189] : memref<1792xf32, #tpu.memory_space<vmem>>[vector<16xi32>], vector<16xf32>,
      %add3A_191 = arith.addf %add3A_182, %gather3A_190 : vector<16xf32>
      %mul3A_192 = arith.constant 16 : i32
      %mul3A_193 = vector.broadcast %mul3A_192 : i32 to vector<16xi32>
      %mul3A_194 = arith.muli %iota3A, %mul3A_193 : vector<16xi32>
      %add3A_195 = arith.constant 14 : i32
      %add3A_196 = arith.addi %mul3A_66, %add3A_195 : i32
      %add3A_197 = vector.broadcast %add3A_196 : i32 to vector<16xi32>
      %add3A_198 = arith.addi %mul3A_194, %add3A_197 : vector<16xi32>
      %gather3A_199 = tpu.vector_load_idx %arg10[%add3A_198] : memref<1792xf32, #tpu.memory_space<vmem>>[vector<16xi32>], vector<16xf32>,
      %add3A_200 = arith.addf %add3A_191, %gather3A_199 : vector<16xf32>
      %mul3A_201 = arith.constant 16 : i32
      %mul3A_202 = vector.broadcast %mul3A_201 : i32 to vector<16xi32>
      %mul3A_203 = arith.muli %iota3A, %mul3A_202 : vector<16xi32>
      %add3A_204 = arith.constant 15 : i32
      %add3A_205 = arith.addi %mul3A_66, %add3A_204 : i32
      %add3A_206 = vector.broadcast %add3A_205 : i32 to vector<16xi32>
      %add3A_207 = arith.addi %mul3A_203, %add3A_206 : vector<16xi32>
      %gather3A_208 = tpu.vector_load_idx %arg10[%add3A_207] : memref<1792xf32, #tpu.memory_space<vmem>>[vector<16xi32>], vector<16xf32>,
      %add3A_209 = arith.addf %add3A_200, %gather3A_208 : vector<16xf32>
      %mul3A_210 = arith.constant 16 : i32
      %mul3A_211 = arith.muli %add3A_64, %mul3A_210 : i32
      %add3A_212 = arith.constant 128 : i32
      %add3A_213 = arith.addi %add3A_212, %mul3A_211 : i32
      %swap3A = arith.index_cast %add3A_213 : i32 to index
      %swap3A_214 = tpu.vector_load %arg15[%swap3A] {strides = array<i32>} : memref<384xf32, #tpu.memory_space<vmem>>, vector<16xf32>,
      tpu.vector_store %arg15[%swap3A], %add3A_209 {strides = array<i32>} : memref<384xf32, #tpu.memory_space<vmem>>, vector<16xf32>,
    }
    %scan3A_52 = arith.constant 7 : i32
    %scan3A_53 = arith.constant 0 : i32
    %scan3A_54 = arith.constant 7 : i32
    %scan3A_55 = arith.addi %scan3A_53, %scan3A_54 : i32
    %scan3A_56 = arith.constant 1 : i32
    scf.for %scan3A_60 = %scan3A_53 to %scan3A_55 step %scan3A_56  : i32 {
      %mul3A_61 = arith.constant 1 : i32
      %mul3A_62 = arith.muli %scan3A_60, %mul3A_61 : i32
      %add3A_63 = arith.constant 0 : i32
      %add3A_64 = arith.addi %add3A_63, %mul3A_62 : i32
      %mul3A_65 = arith.constant 256 : i32
      %mul3A_66 = arith.muli %add3A_64, %mul3A_65 : i32
      %mul3A_67 = arith.constant 16 : i32
      %mul3A_68 = vector.broadcast %mul3A_67 : i32 to vector<16xi32>
      %mul3A_69 = arith.muli %iota3A, %mul3A_68 : vector<16xi32>
      %add3A_70 = arith.constant 0 : i32
      %add3A_71 = arith.addi %mul3A_66, %add3A_70 : i32
      %add3A_72 = vector.broadcast %add3A_71 : i32 to vector<16xi32>
      %add3A_73 = arith.addi %mul3A_69, %add3A_72 : vector<16xi32>
      %gather3A = tpu.vector_load_idx %arg11[%add3A_73] : memref<1792xf32, #tpu.memory_space<vmem>>[vector<16xi32>], vector<16xf32>,
      %add3A_74 = arith.addf %broadcast_in_dim3A_3, %gather3A : vector<16xf32>
      %mul3A_75 = arith.constant 16 : i32
      %mul3A_76 = vector.broadcast %mul3A_75 : i32 to vector<16xi32>
      %mul3A_77 = arith.muli %iota3A, %mul3A_76 : vector<16xi32>
      %add3A_78 = arith.constant 1 : i32
      %add3A_79 = arith.addi %mul3A_66, %add3A_78 : i32
      %add3A_80 = vector.broadcast %add3A_79 : i32 to vector<16xi32>
      %add3A_81 = arith.addi %mul3A_77, %add3A_80 : vector<16xi32>
      %gather3A_82 = tpu.vector_load_idx %arg11[%add3A_81] : memref<1792xf32, #tpu.memory_space<vmem>>[vector<16xi32>], vector<16xf32>,
      %add3A_83 = arith.addf %add3A_74, %gather3A_82 : vector<16xf32>
      %mul3A_84 = arith.constant 16 : i32
      %mul3A_85 = vector.broadcast %mul3A_84 : i32 to vector<16xi32>
      %mul3A_86 = arith.muli %iota3A, %mul3A_85 : vector<16xi32>
      %add3A_87 = arith.constant 2 : i32
      %add3A_88 = arith.addi %mul3A_66, %add3A_87 : i32
      %add3A_89 = vector.broadcast %add3A_88 : i32 to vector<16xi32>
      %add3A_90 = arith.addi %mul3A_86, %add3A_89 : vector<16xi32>
      %gather3A_91 = tpu.vector_load_idx %arg11[%add3A_90] : memref<1792xf32, #tpu.memory_space<vmem>>[vector<16xi32>], vector<16xf32>,
      %add3A_92 = arith.addf %add3A_83, %gather3A_91 : vector<16xf32>
      %mul3A_93 = arith.constant 16 : i32
      %mul3A_94 = vector.broadcast %mul3A_93 : i32 to vector<16xi32>
      %mul3A_95 = arith.muli %iota3A, %mul3A_94 : vector<16xi32>
      %add3A_96 = arith.constant 3 : i32
      %add3A_97 = arith.addi %mul3A_66, %add3A_96 : i32
      %add3A_98 = vector.broadcast %add3A_97 : i32 to vector<16xi32>
      %add3A_99 = arith.addi %mul3A_95, %add3A_98 : vector<16xi32>
      %gather3A_100 = tpu.vector_load_idx %arg11[%add3A_99] : memref<1792xf32, #tpu.memory_space<vmem>>[vector<16xi32>], vector<16xf32>,
      %add3A_101 = arith.addf %add3A_92, %gather3A_100 : vector<16xf32>
      %mul3A_102 = arith.constant 16 : i32
      %mul3A_103 = vector.broadcast %mul3A_102 : i32 to vector<16xi32>
      %mul3A_104 = arith.muli %iota3A, %mul3A_103 : vector<16xi32>
      %add3A_105 = arith.constant 4 : i32
      %add3A_106 = arith.addi %mul3A_66, %add3A_105 : i32
      %add3A_107 = vector.broadcast %add3A_106 : i32 to vector<16xi32>
      %add3A_108 = arith.addi %mul3A_104, %add3A_107 : vector<16xi32>
      %gather3A_109 = tpu.vector_load_idx %arg11[%add3A_108] : memref<1792xf32, #tpu.memory_space<vmem>>[vector<16xi32>], vector<16xf32>,
      %add3A_110 = arith.addf %add3A_101, %gather3A_109 : vector<16xf32>
      %mul3A_111 = arith.constant 16 : i32
      %mul3A_112 = vector.broadcast %mul3A_111 : i32 to vector<16xi32>
      %mul3A_113 = arith.muli %iota3A, %mul3A_112 : vector<16xi32>
      %add3A_114 = arith.constant 5 : i32
      %add3A_115 = arith.addi %mul3A_66, %add3A_114 : i32
      %add3A_116 = vector.broadcast %add3A_115 : i32 to vector<16xi32>
      %add3A_117 = arith.addi %mul3A_113, %add3A_116 : vector<16xi32>
      %gather3A_118 = tpu.vector_load_idx %arg11[%add3A_117] : memref<1792xf32, #tpu.memory_space<vmem>>[vector<16xi32>], vector<16xf32>,
      %add3A_119 = arith.addf %add3A_110, %gather3A_118 : vector<16xf32>
      %mul3A_120 = arith.constant 16 : i32
      %mul3A_121 = vector.broadcast %mul3A_120 : i32 to vector<16xi32>
      %mul3A_122 = arith.muli %iota3A, %mul3A_121 : vector<16xi32>
      %add3A_123 = arith.constant 6 : i32
      %add3A_124 = arith.addi %mul3A_66, %add3A_123 : i32
      %add3A_125 = vector.broadcast %add3A_124 : i32 to vector<16xi32>
      %add3A_126 = arith.addi %mul3A_122, %add3A_125 : vector<16xi32>
      %gather3A_127 = tpu.vector_load_idx %arg11[%add3A_126] : memref<1792xf32, #tpu.memory_space<vmem>>[vector<16xi32>], vector<16xf32>,
      %add3A_128 = arith.addf %add3A_119, %gather3A_127 : vector<16xf32>
      %mul3A_129 = arith.constant 16 : i32
      %mul3A_130 = vector.broadcast %mul3A_129 : i32 to vector<16xi32>
      %mul3A_131 = arith.muli %iota3A, %mul3A_130 : vector<16xi32>
      %add3A_132 = arith.constant 7 : i32
      %add3A_133 = arith.addi %mul3A_66, %add3A_132 : i32
      %add3A_134 = vector.broadcast %add3A_133 : i32 to vector<16xi32>
      %add3A_135 = arith.addi %mul3A_131, %add3A_134 : vector<16xi32>
      %gather3A_136 = tpu.vector_load_idx %arg11[%add3A_135] : memref<1792xf32, #tpu.memory_space<vmem>>[vector<16xi32>], vector<16xf32>,
      %add3A_137 = arith.addf %add3A_128, %gather3A_136 : vector<16xf32>
      %mul3A_138 = arith.constant 16 : i32
      %mul3A_139 = vector.broadcast %mul3A_138 : i32 to vector<16xi32>
      %mul3A_140 = arith.muli %iota3A, %mul3A_139 : vector<16xi32>
      %add3A_141 = arith.constant 8 : i32
      %add3A_142 = arith.addi %mul3A_66, %add3A_141 : i32
      %add3A_143 = vector.broadcast %add3A_142 : i32 to vector<16xi32>
      %add3A_144 = arith.addi %mul3A_140, %add3A_143 : vector<16xi32>
      %gather3A_145 = tpu.vector_load_idx %arg11[%add3A_144] : memref<1792xf32, #tpu.memory_space<vmem>>[vector<16xi32>], vector<16xf32>,
      %add3A_146 = arith.addf %add3A_137, %gather3A_145 : vector<16xf32>
      %mul3A_147 = arith.constant 16 : i32
      %mul3A_148 = vector.broadcast %mul3A_147 : i32 to vector<16xi32>
      %mul3A_149 = arith.muli %iota3A, %mul3A_148 : vector<16xi32>
      %add3A_150 = arith.constant 9 : i32
      %add3A_151 = arith.addi %mul3A_66, %add3A_150 : i32
      %add3A_152 = vector.broadcast %add3A_151 : i32 to vector<16xi32>
      %add3A_153 = arith.addi %mul3A_149, %add3A_152 : vector<16xi32>
      %gather3A_154 = tpu.vector_load_idx %arg11[%add3A_153] : memref<1792xf32, #tpu.memory_space<vmem>>[vector<16xi32>], vector<16xf32>,
      %add3A_155 = arith.addf %add3A_146, %gather3A_154 : vector<16xf32>
      %mul3A_156 = arith.constant 16 : i32
      %mul3A_157 = vector.broadcast %mul3A_156 : i32 to vector<16xi32>
      %mul3A_158 = arith.muli %iota3A, %mul3A_157 : vector<16xi32>
      %add3A_159 = arith.constant 10 : i32
      %add3A_160 = arith.addi %mul3A_66, %add3A_159 : i32
      %add3A_161 = vector.broadcast %add3A_160 : i32 to vector<16xi32>
      %add3A_162 = arith.addi %mul3A_158, %add3A_161 : vector<16xi32>
      %gather3A_163 = tpu.vector_load_idx %arg11[%add3A_162] : memref<1792xf32, #tpu.memory_space<vmem>>[vector<16xi32>], vector<16xf32>,
      %add3A_164 = arith.addf %add3A_155, %gather3A_163 : vector<16xf32>
      %mul3A_165 = arith.constant 16 : i32
      %mul3A_166 = vector.broadcast %mul3A_165 : i32 to vector<16xi32>
      %mul3A_167 = arith.muli %iota3A, %mul3A_166 : vector<16xi32>
      %add3A_168 = arith.constant 11 : i32
      %add3A_169 = arith.addi %mul3A_66, %add3A_168 : i32
      %add3A_170 = vector.broadcast %add3A_169 : i32 to vector<16xi32>
      %add3A_171 = arith.addi %mul3A_167, %add3A_170 : vector<16xi32>
      %gather3A_172 = tpu.vector_load_idx %arg11[%add3A_171] : memref<1792xf32, #tpu.memory_space<vmem>>[vector<16xi32>], vector<16xf32>,
      %add3A_173 = arith.addf %add3A_164, %gather3A_172 : vector<16xf32>
      %mul3A_174 = arith.constant 16 : i32
      %mul3A_175 = vector.broadcast %mul3A_174 : i32 to vector<16xi32>
      %mul3A_176 = arith.muli %iota3A, %mul3A_175 : vector<16xi32>
      %add3A_177 = arith.constant 12 : i32
      %add3A_178 = arith.addi %mul3A_66, %add3A_177 : i32
      %add3A_179 = vector.broadcast %add3A_178 : i32 to vector<16xi32>
      %add3A_180 = arith.addi %mul3A_176, %add3A_179 : vector<16xi32>
      %gather3A_181 = tpu.vector_load_idx %arg11[%add3A_180] : memref<1792xf32, #tpu.memory_space<vmem>>[vector<16xi32>], vector<16xf32>,
      %add3A_182 = arith.addf %add3A_173, %gather3A_181 : vector<16xf32>
      %mul3A_183 = arith.constant 16 : i32
      %mul3A_184 = vector.broadcast %mul3A_183 : i32 to vector<16xi32>
      %mul3A_185 = arith.muli %iota3A, %mul3A_184 : vector<16xi32>
      %add3A_186 = arith.constant 13 : i32
      %add3A_187 = arith.addi %mul3A_66, %add3A_186 : i32
      %add3A_188 = vector.broadcast %add3A_187 : i32 to vector<16xi32>
      %add3A_189 = arith.addi %mul3A_185, %add3A_188 : vector<16xi32>
      %gather3A_190 = tpu.vector_load_idx %arg11[%add3A_189] : memref<1792xf32, #tpu.memory_space<vmem>>[vector<16xi32>], vector<16xf32>,
      %add3A_191 = arith.addf %add3A_182, %gather3A_190 : vector<16xf32>
      %mul3A_192 = arith.constant 16 : i32
      %mul3A_193 = vector.broadcast %mul3A_192 : i32 to vector<16xi32>
      %mul3A_194 = arith.muli %iota3A, %mul3A_193 : vector<16xi32>
      %add3A_195 = arith.constant 14 : i32
      %add3A_196 = arith.addi %mul3A_66, %add3A_195 : i32
      %add3A_197 = vector.broadcast %add3A_196 : i32 to vector<16xi32>
      %add3A_198 = arith.addi %mul3A_194, %add3A_197 : vector<16xi32>
      %gather3A_199 = tpu.vector_load_idx %arg11[%add3A_198] : memref<1792xf32, #tpu.memory_space<vmem>>[vector<16xi32>], vector<16xf32>,
      %add3A_200 = arith.addf %add3A_191, %gather3A_199 : vector<16xf32>
      %mul3A_201 = arith.constant 16 : i32
      %mul3A_202 = vector.broadcast %mul3A_201 : i32 to vector<16xi32>
      %mul3A_203 = arith.muli %iota3A, %mul3A_202 : vector<16xi32>
      %add3A_204 = arith.constant 15 : i32
      %add3A_205 = arith.addi %mul3A_66, %add3A_204 : i32
      %add3A_206 = vector.broadcast %add3A_205 : i32 to vector<16xi32>
      %add3A_207 = arith.addi %mul3A_203, %add3A_206 : vector<16xi32>
      %gather3A_208 = tpu.vector_load_idx %arg11[%add3A_207] : memref<1792xf32, #tpu.memory_space<vmem>>[vector<16xi32>], vector<16xf32>,
      %add3A_209 = arith.addf %add3A_200, %gather3A_208 : vector<16xf32>
      %mul3A_210 = arith.constant 16 : i32
      %mul3A_211 = arith.muli %add3A_64, %mul3A_210 : i32
      %add3A_212 = arith.constant 256 : i32
      %add3A_213 = arith.addi %add3A_212, %mul3A_211 : i32
      %swap3A = arith.index_cast %add3A_213 : i32 to index
      %swap3A_214 = tpu.vector_load %arg15[%swap3A] {strides = array<i32>} : memref<384xf32, #tpu.memory_space<vmem>>, vector<16xf32>,
      tpu.vector_store %arg15[%swap3A], %add3A_209 {strides = array<i32>} : memref<384xf32, #tpu.memory_space<vmem>>, vector<16xf32>,
    }
    %scan3A_57 = arith.constant 7 : i32
    %mul3A_58 = arith.constant 384 : i32
    %mul3A_59 = arith.muli %add3A, %mul3A_58 : i32
    "tpu.region"() ({
      %run_scoped3A = tpu.sem_alloc : memref<!tpu.dma_semaphore, #tpu.memory_space<semaphore_mem>>
      %dma_start3A_60 = tpu.memref_slice %arg4[%mul3A_59] : memref<12288xf32, #tpu.memory_space<hbm>> -> memref<384xf32, #tpu.memory_space<hbm>>
      %dma_start3A_61 = tpu.memref_slice %arg4[%mul3A_59] : memref<12288xf32, #tpu.memory_space<hbm>> -> memref<384xf32, #tpu.memory_space<hbm>>
      tpu.enqueue_dma source(%arg15 : memref<384xf32, #tpu.memory_space<vmem>>) target(%dma_start3A_61 : memref<384xf32, #tpu.memory_space<hbm>>) target_semaphore(%run_scoped3A : memref<!tpu.dma_semaphore, #tpu.memory_space<semaphore_mem>>)
      %dma_wait3A = tpu.memref_slice %arg4[%mul3A_59] : memref<12288xf32, #tpu.memory_space<hbm>> -> memref<384xf32, #tpu.memory_space<hbm>>
      %dma_wait3A_62 = tpu.memref_slice %arg4[%mul3A_59] : memref<12288xf32, #tpu.memory_space<hbm>> -> memref<384xf32, #tpu.memory_space<hbm>>
      tpu.wait_dma2 semaphore(%run_scoped3A : memref<!tpu.dma_semaphore, #tpu.memory_space<semaphore_mem>>) src(%arg15 : memref<384xf32, #tpu.memory_space<vmem>>) dst(%dma_wait3A_62 : memref<384xf32, #tpu.memory_space<hbm>>)
      tpu.yield
    }) : () -> ()
    return
  }
}

#map = affine_map<(d0, d1) -> (0)>
module attributes {stable_mosaic.version = 14 : i64} {
  func.func @body(%arg0: i32, %arg1: i32, %arg2: memref<12288xf32, #tpu.memory_space<hbm>>, %arg3: memref<384xf32, #tpu.memory_space<hbm>>, %arg4: memref<12288xf32, #tpu.memory_space<vmem>>, %arg5: memref<384xf32, #tpu.memory_space<vmem>>, %arg6: memref<384xf32, #tpu.memory_space<vmem>>) attributes {dimension_semantics = [#tpu.dimension_semantics<core_parallel>, #tpu.dimension_semantics<subcore_parallel>], iteration_bounds = array<i64: 2, 16>, scalar_prefetch = 0 : i64, scratch_operands = 3 : i64, tpu.core_type = #tpu.core_type<sc_vector_subcore>, window_params = [{transform_indices = #map}, {transform_indices = #map}]} {
    %mul3A = arith.constant 2 : i32
    %mul3A_0 = arith.muli %arg1, %mul3A : i32
    %add3A = arith.addi %mul3A_0, %arg0 : i32
    %eq3A = arith.constant 0 : i32
    %eq3A_1 = arith.cmpi eq, %add3A, %eq3A : i32
    %convert_element_type3A = arith.extui %eq3A_1 : i1 to i32
    %cond3A = arith.constant 0 : i32
    %cond3A_2 = arith.cmpi ne, %convert_element_type3A, %cond3A : i32
    scf.if %cond3A_2 {
      "tpu.region"() ({
        %run_scoped3A = tpu.sem_alloc : memref<!tpu.dma_semaphore, #tpu.memory_space<semaphore_mem>>
        tpu.enqueue_dma source(%arg2 : memref<12288xf32, #tpu.memory_space<hbm>>) target(%arg4 : memref<12288xf32, #tpu.memory_space<vmem>>) target_semaphore(%run_scoped3A : memref<!tpu.dma_semaphore, #tpu.memory_space<semaphore_mem>>)
        tpu.wait_dma2 semaphore(%run_scoped3A : memref<!tpu.dma_semaphore, #tpu.memory_space<semaphore_mem>>) src(%arg2 : memref<12288xf32, #tpu.memory_space<hbm>>) dst(%arg4 : memref<12288xf32, #tpu.memory_space<vmem>>)
        tpu.yield
      }) : () -> ()
      %broadcast_in_dim3A = arith.constant 0.000000e+00 : f32
      %broadcast_in_dim3A_3 = vector.broadcast %broadcast_in_dim3A : f32 to vector<16xf32>
      %scan3A = arith.constant 0 : i32
      %scan3A_4 = arith.constant 24 : i32
      %scan3A_5 = arith.addi %scan3A, %scan3A_4 : i32
      %scan3A_6 = arith.constant 1 : i32
      scf.for %scan3A_13 = %scan3A to %scan3A_5 step %scan3A_6  : i32 {
        %mul3A_14 = arith.constant 1 : i32
        %mul3A_15 = arith.muli %scan3A_13, %mul3A_14 : i32
        %add3A_16 = arith.constant 0 : i32
        %add3A_17 = arith.addi %add3A_16, %mul3A_15 : i32
        %mul3A_18 = arith.constant 16 : i32
        %mul3A_19 = arith.muli %add3A_17, %mul3A_18 : i32
        %add3A_20 = arith.constant 0 : i32
        %add3A_21 = arith.addi %add3A_20, %mul3A_19 : i32
        %get3A = arith.index_cast %add3A_21 : i32 to index
        %get3A_22 = tpu.vector_load %arg4[%get3A] {strides = array<i32>} : memref<12288xf32, #tpu.memory_space<vmem>>, vector<16xf32>,
        %add3A_23 = arith.addf %broadcast_in_dim3A_3, %get3A_22 : vector<16xf32>
        %mul3A_24 = arith.constant 16 : i32
        %mul3A_25 = arith.muli %add3A_17, %mul3A_24 : i32
        %add3A_26 = arith.constant 384 : i32
        %add3A_27 = arith.addi %add3A_26, %mul3A_25 : i32
        %get3A_28 = arith.index_cast %add3A_27 : i32 to index
        %get3A_29 = tpu.vector_load %arg4[%get3A_28] {strides = array<i32>} : memref<12288xf32, #tpu.memory_space<vmem>>, vector<16xf32>,
        %add3A_30 = arith.addf %add3A_23, %get3A_29 : vector<16xf32>
        %mul3A_31 = arith.constant 16 : i32
        %mul3A_32 = arith.muli %add3A_17, %mul3A_31 : i32
        %add3A_33 = arith.constant 768 : i32
        %add3A_34 = arith.addi %add3A_33, %mul3A_32 : i32
        %get3A_35 = arith.index_cast %add3A_34 : i32 to index
        %get3A_36 = tpu.vector_load %arg4[%get3A_35] {strides = array<i32>} : memref<12288xf32, #tpu.memory_space<vmem>>, vector<16xf32>,
        %add3A_37 = arith.addf %add3A_30, %get3A_36 : vector<16xf32>
        %mul3A_38 = arith.constant 16 : i32
        %mul3A_39 = arith.muli %add3A_17, %mul3A_38 : i32
        %add3A_40 = arith.constant 1152 : i32
        %add3A_41 = arith.addi %add3A_40, %mul3A_39 : i32
        %get3A_42 = arith.index_cast %add3A_41 : i32 to index
        %get3A_43 = tpu.vector_load %arg4[%get3A_42] {strides = array<i32>} : memref<12288xf32, #tpu.memory_space<vmem>>, vector<16xf32>,
        %add3A_44 = arith.addf %add3A_37, %get3A_43 : vector<16xf32>
        %mul3A_45 = arith.constant 16 : i32
        %mul3A_46 = arith.muli %add3A_17, %mul3A_45 : i32
        %add3A_47 = arith.constant 1536 : i32
        %add3A_48 = arith.addi %add3A_47, %mul3A_46 : i32
        %get3A_49 = arith.index_cast %add3A_48 : i32 to index
        %get3A_50 = tpu.vector_load %arg4[%get3A_49] {strides = array<i32>} : memref<12288xf32, #tpu.memory_space<vmem>>, vector<16xf32>,
        %add3A_51 = arith.addf %add3A_44, %get3A_50 : vector<16xf32>
        %mul3A_52 = arith.constant 16 : i32
        %mul3A_53 = arith.muli %add3A_17, %mul3A_52 : i32
        %add3A_54 = arith.constant 1920 : i32
        %add3A_55 = arith.addi %add3A_54, %mul3A_53 : i32
        %get3A_56 = arith.index_cast %add3A_55 : i32 to index
        %get3A_57 = tpu.vector_load %arg4[%get3A_56] {strides = array<i32>} : memref<12288xf32, #tpu.memory_space<vmem>>, vector<16xf32>,
        %add3A_58 = arith.addf %add3A_51, %get3A_57 : vector<16xf32>
        %mul3A_59 = arith.constant 16 : i32
        %mul3A_60 = arith.muli %add3A_17, %mul3A_59 : i32
        %add3A_61 = arith.constant 2304 : i32
        %add3A_62 = arith.addi %add3A_61, %mul3A_60 : i32
        %get3A_63 = arith.index_cast %add3A_62 : i32 to index
        %get3A_64 = tpu.vector_load %arg4[%get3A_63] {strides = array<i32>} : memref<12288xf32, #tpu.memory_space<vmem>>, vector<16xf32>,
        %add3A_65 = arith.addf %add3A_58, %get3A_64 : vector<16xf32>
        %mul3A_66 = arith.constant 16 : i32
        %mul3A_67 = arith.muli %add3A_17, %mul3A_66 : i32
        %add3A_68 = arith.constant 2688 : i32
        %add3A_69 = arith.addi %add3A_68, %mul3A_67 : i32
        %get3A_70 = arith.index_cast %add3A_69 : i32 to index
        %get3A_71 = tpu.vector_load %arg4[%get3A_70] {strides = array<i32>} : memref<12288xf32, #tpu.memory_space<vmem>>, vector<16xf32>,
        %add3A_72 = arith.addf %add3A_65, %get3A_71 : vector<16xf32>
        %mul3A_73 = arith.constant 16 : i32
        %mul3A_74 = arith.muli %add3A_17, %mul3A_73 : i32
        %add3A_75 = arith.constant 3072 : i32
        %add3A_76 = arith.addi %add3A_75, %mul3A_74 : i32
        %get3A_77 = arith.index_cast %add3A_76 : i32 to index
        %get3A_78 = tpu.vector_load %arg4[%get3A_77] {strides = array<i32>} : memref<12288xf32, #tpu.memory_space<vmem>>, vector<16xf32>,
        %add3A_79 = arith.addf %add3A_72, %get3A_78 : vector<16xf32>
        %mul3A_80 = arith.constant 16 : i32
        %mul3A_81 = arith.muli %add3A_17, %mul3A_80 : i32
        %add3A_82 = arith.constant 3456 : i32
        %add3A_83 = arith.addi %add3A_82, %mul3A_81 : i32
        %get3A_84 = arith.index_cast %add3A_83 : i32 to index
        %get3A_85 = tpu.vector_load %arg4[%get3A_84] {strides = array<i32>} : memref<12288xf32, #tpu.memory_space<vmem>>, vector<16xf32>,
        %add3A_86 = arith.addf %add3A_79, %get3A_85 : vector<16xf32>
        %mul3A_87 = arith.constant 16 : i32
        %mul3A_88 = arith.muli %add3A_17, %mul3A_87 : i32
        %add3A_89 = arith.constant 3840 : i32
        %add3A_90 = arith.addi %add3A_89, %mul3A_88 : i32
        %get3A_91 = arith.index_cast %add3A_90 : i32 to index
        %get3A_92 = tpu.vector_load %arg4[%get3A_91] {strides = array<i32>} : memref<12288xf32, #tpu.memory_space<vmem>>, vector<16xf32>,
        %add3A_93 = arith.addf %add3A_86, %get3A_92 : vector<16xf32>
        %mul3A_94 = arith.constant 16 : i32
        %mul3A_95 = arith.muli %add3A_17, %mul3A_94 : i32
        %add3A_96 = arith.constant 4224 : i32
        %add3A_97 = arith.addi %add3A_96, %mul3A_95 : i32
        %get3A_98 = arith.index_cast %add3A_97 : i32 to index
        %get3A_99 = tpu.vector_load %arg4[%get3A_98] {strides = array<i32>} : memref<12288xf32, #tpu.memory_space<vmem>>, vector<16xf32>,
        %add3A_100 = arith.addf %add3A_93, %get3A_99 : vector<16xf32>
        %mul3A_101 = arith.constant 16 : i32
        %mul3A_102 = arith.muli %add3A_17, %mul3A_101 : i32
        %add3A_103 = arith.constant 4608 : i32
        %add3A_104 = arith.addi %add3A_103, %mul3A_102 : i32
        %get3A_105 = arith.index_cast %add3A_104 : i32 to index
        %get3A_106 = tpu.vector_load %arg4[%get3A_105] {strides = array<i32>} : memref<12288xf32, #tpu.memory_space<vmem>>, vector<16xf32>,
        %add3A_107 = arith.addf %add3A_100, %get3A_106 : vector<16xf32>
        %mul3A_108 = arith.constant 16 : i32
        %mul3A_109 = arith.muli %add3A_17, %mul3A_108 : i32
        %add3A_110 = arith.constant 4992 : i32
        %add3A_111 = arith.addi %add3A_110, %mul3A_109 : i32
        %get3A_112 = arith.index_cast %add3A_111 : i32 to index
        %get3A_113 = tpu.vector_load %arg4[%get3A_112] {strides = array<i32>} : memref<12288xf32, #tpu.memory_space<vmem>>, vector<16xf32>,
        %add3A_114 = arith.addf %add3A_107, %get3A_113 : vector<16xf32>
        %mul3A_115 = arith.constant 16 : i32
        %mul3A_116 = arith.muli %add3A_17, %mul3A_115 : i32
        %add3A_117 = arith.constant 5376 : i32
        %add3A_118 = arith.addi %add3A_117, %mul3A_116 : i32
        %get3A_119 = arith.index_cast %add3A_118 : i32 to index
        %get3A_120 = tpu.vector_load %arg4[%get3A_119] {strides = array<i32>} : memref<12288xf32, #tpu.memory_space<vmem>>, vector<16xf32>,
        %add3A_121 = arith.addf %add3A_114, %get3A_120 : vector<16xf32>
        %mul3A_122 = arith.constant 16 : i32
        %mul3A_123 = arith.muli %add3A_17, %mul3A_122 : i32
        %add3A_124 = arith.constant 5760 : i32
        %add3A_125 = arith.addi %add3A_124, %mul3A_123 : i32
        %get3A_126 = arith.index_cast %add3A_125 : i32 to index
        %get3A_127 = tpu.vector_load %arg4[%get3A_126] {strides = array<i32>} : memref<12288xf32, #tpu.memory_space<vmem>>, vector<16xf32>,
        %add3A_128 = arith.addf %add3A_121, %get3A_127 : vector<16xf32>
        %mul3A_129 = arith.constant 16 : i32
        %mul3A_130 = arith.muli %add3A_17, %mul3A_129 : i32
        %add3A_131 = arith.constant 6144 : i32
        %add3A_132 = arith.addi %add3A_131, %mul3A_130 : i32
        %get3A_133 = arith.index_cast %add3A_132 : i32 to index
        %get3A_134 = tpu.vector_load %arg4[%get3A_133] {strides = array<i32>} : memref<12288xf32, #tpu.memory_space<vmem>>, vector<16xf32>,
        %add3A_135 = arith.addf %add3A_128, %get3A_134 : vector<16xf32>
        %mul3A_136 = arith.constant 16 : i32
        %mul3A_137 = arith.muli %add3A_17, %mul3A_136 : i32
        %add3A_138 = arith.constant 6528 : i32
        %add3A_139 = arith.addi %add3A_138, %mul3A_137 : i32
        %get3A_140 = arith.index_cast %add3A_139 : i32 to index
        %get3A_141 = tpu.vector_load %arg4[%get3A_140] {strides = array<i32>} : memref<12288xf32, #tpu.memory_space<vmem>>, vector<16xf32>,
        %add3A_142 = arith.addf %add3A_135, %get3A_141 : vector<16xf32>
        %mul3A_143 = arith.constant 16 : i32
        %mul3A_144 = arith.muli %add3A_17, %mul3A_143 : i32
        %add3A_145 = arith.constant 6912 : i32
        %add3A_146 = arith.addi %add3A_145, %mul3A_144 : i32
        %get3A_147 = arith.index_cast %add3A_146 : i32 to index
        %get3A_148 = tpu.vector_load %arg4[%get3A_147] {strides = array<i32>} : memref<12288xf32, #tpu.memory_space<vmem>>, vector<16xf32>,
        %add3A_149 = arith.addf %add3A_142, %get3A_148 : vector<16xf32>
        %mul3A_150 = arith.constant 16 : i32
        %mul3A_151 = arith.muli %add3A_17, %mul3A_150 : i32
        %add3A_152 = arith.constant 7296 : i32
        %add3A_153 = arith.addi %add3A_152, %mul3A_151 : i32
        %get3A_154 = arith.index_cast %add3A_153 : i32 to index
        %get3A_155 = tpu.vector_load %arg4[%get3A_154] {strides = array<i32>} : memref<12288xf32, #tpu.memory_space<vmem>>, vector<16xf32>,
        %add3A_156 = arith.addf %add3A_149, %get3A_155 : vector<16xf32>
        %mul3A_157 = arith.constant 16 : i32
        %mul3A_158 = arith.muli %add3A_17, %mul3A_157 : i32
        %add3A_159 = arith.constant 7680 : i32
        %add3A_160 = arith.addi %add3A_159, %mul3A_158 : i32
        %get3A_161 = arith.index_cast %add3A_160 : i32 to index
        %get3A_162 = tpu.vector_load %arg4[%get3A_161] {strides = array<i32>} : memref<12288xf32, #tpu.memory_space<vmem>>, vector<16xf32>,
        %add3A_163 = arith.addf %add3A_156, %get3A_162 : vector<16xf32>
        %mul3A_164 = arith.constant 16 : i32
        %mul3A_165 = arith.muli %add3A_17, %mul3A_164 : i32
        %add3A_166 = arith.constant 8064 : i32
        %add3A_167 = arith.addi %add3A_166, %mul3A_165 : i32
        %get3A_168 = arith.index_cast %add3A_167 : i32 to index
        %get3A_169 = tpu.vector_load %arg4[%get3A_168] {strides = array<i32>} : memref<12288xf32, #tpu.memory_space<vmem>>, vector<16xf32>,
        %add3A_170 = arith.addf %add3A_163, %get3A_169 : vector<16xf32>
        %mul3A_171 = arith.constant 16 : i32
        %mul3A_172 = arith.muli %add3A_17, %mul3A_171 : i32
        %add3A_173 = arith.constant 8448 : i32
        %add3A_174 = arith.addi %add3A_173, %mul3A_172 : i32
        %get3A_175 = arith.index_cast %add3A_174 : i32 to index
        %get3A_176 = tpu.vector_load %arg4[%get3A_175] {strides = array<i32>} : memref<12288xf32, #tpu.memory_space<vmem>>, vector<16xf32>,
        %add3A_177 = arith.addf %add3A_170, %get3A_176 : vector<16xf32>
        %mul3A_178 = arith.constant 16 : i32
        %mul3A_179 = arith.muli %add3A_17, %mul3A_178 : i32
        %add3A_180 = arith.constant 8832 : i32
        %add3A_181 = arith.addi %add3A_180, %mul3A_179 : i32
        %get3A_182 = arith.index_cast %add3A_181 : i32 to index
        %get3A_183 = tpu.vector_load %arg4[%get3A_182] {strides = array<i32>} : memref<12288xf32, #tpu.memory_space<vmem>>, vector<16xf32>,
        %add3A_184 = arith.addf %add3A_177, %get3A_183 : vector<16xf32>
        %mul3A_185 = arith.constant 16 : i32
        %mul3A_186 = arith.muli %add3A_17, %mul3A_185 : i32
        %add3A_187 = arith.constant 9216 : i32
        %add3A_188 = arith.addi %add3A_187, %mul3A_186 : i32
        %get3A_189 = arith.index_cast %add3A_188 : i32 to index
        %get3A_190 = tpu.vector_load %arg4[%get3A_189] {strides = array<i32>} : memref<12288xf32, #tpu.memory_space<vmem>>, vector<16xf32>,
        %add3A_191 = arith.addf %add3A_184, %get3A_190 : vector<16xf32>
        %mul3A_192 = arith.constant 16 : i32
        %mul3A_193 = arith.muli %add3A_17, %mul3A_192 : i32
        %add3A_194 = arith.constant 9600 : i32
        %add3A_195 = arith.addi %add3A_194, %mul3A_193 : i32
        %get3A_196 = arith.index_cast %add3A_195 : i32 to index
        %get3A_197 = tpu.vector_load %arg4[%get3A_196] {strides = array<i32>} : memref<12288xf32, #tpu.memory_space<vmem>>, vector<16xf32>,
        %add3A_198 = arith.addf %add3A_191, %get3A_197 : vector<16xf32>
        %mul3A_199 = arith.constant 16 : i32
        %mul3A_200 = arith.muli %add3A_17, %mul3A_199 : i32
        %add3A_201 = arith.constant 9984 : i32
        %add3A_202 = arith.addi %add3A_201, %mul3A_200 : i32
        %get3A_203 = arith.index_cast %add3A_202 : i32 to index
        %get3A_204 = tpu.vector_load %arg4[%get3A_203] {strides = array<i32>} : memref<12288xf32, #tpu.memory_space<vmem>>, vector<16xf32>,
        %add3A_205 = arith.addf %add3A_198, %get3A_204 : vector<16xf32>
        %mul3A_206 = arith.constant 16 : i32
        %mul3A_207 = arith.muli %add3A_17, %mul3A_206 : i32
        %add3A_208 = arith.constant 10368 : i32
        %add3A_209 = arith.addi %add3A_208, %mul3A_207 : i32
        %get3A_210 = arith.index_cast %add3A_209 : i32 to index
        %get3A_211 = tpu.vector_load %arg4[%get3A_210] {strides = array<i32>} : memref<12288xf32, #tpu.memory_space<vmem>>, vector<16xf32>,
        %add3A_212 = arith.addf %add3A_205, %get3A_211 : vector<16xf32>
        %mul3A_213 = arith.constant 16 : i32
        %mul3A_214 = arith.muli %add3A_17, %mul3A_213 : i32
        %add3A_215 = arith.constant 10752 : i32
        %add3A_216 = arith.addi %add3A_215, %mul3A_214 : i32
        %get3A_217 = arith.index_cast %add3A_216 : i32 to index
        %get3A_218 = tpu.vector_load %arg4[%get3A_217] {strides = array<i32>} : memref<12288xf32, #tpu.memory_space<vmem>>, vector<16xf32>,
        %add3A_219 = arith.addf %add3A_212, %get3A_218 : vector<16xf32>
        %mul3A_220 = arith.constant 16 : i32
        %mul3A_221 = arith.muli %add3A_17, %mul3A_220 : i32
        %add3A_222 = arith.constant 11136 : i32
        %add3A_223 = arith.addi %add3A_222, %mul3A_221 : i32
        %get3A_224 = arith.index_cast %add3A_223 : i32 to index
        %get3A_225 = tpu.vector_load %arg4[%get3A_224] {strides = array<i32>} : memref<12288xf32, #tpu.memory_space<vmem>>, vector<16xf32>,
        %add3A_226 = arith.addf %add3A_219, %get3A_225 : vector<16xf32>
        %mul3A_227 = arith.constant 16 : i32
        %mul3A_228 = arith.muli %add3A_17, %mul3A_227 : i32
        %add3A_229 = arith.constant 11520 : i32
        %add3A_230 = arith.addi %add3A_229, %mul3A_228 : i32
        %get3A_231 = arith.index_cast %add3A_230 : i32 to index
        %get3A_232 = tpu.vector_load %arg4[%get3A_231] {strides = array<i32>} : memref<12288xf32, #tpu.memory_space<vmem>>, vector<16xf32>,
        %add3A_233 = arith.addf %add3A_226, %get3A_232 : vector<16xf32>
        %mul3A_234 = arith.constant 16 : i32
        %mul3A_235 = arith.muli %add3A_17, %mul3A_234 : i32
        %add3A_236 = arith.constant 11904 : i32
        %add3A_237 = arith.addi %add3A_236, %mul3A_235 : i32
        %get3A_238 = arith.index_cast %add3A_237 : i32 to index
        %get3A_239 = tpu.vector_load %arg4[%get3A_238] {strides = array<i32>} : memref<12288xf32, #tpu.memory_space<vmem>>, vector<16xf32>,
        %add3A_240 = arith.addf %add3A_233, %get3A_239 : vector<16xf32>
        %mul3A_241 = arith.constant 16 : i32
        %mul3A_242 = arith.muli %add3A_17, %mul3A_241 : i32
        %swap3A = arith.index_cast %mul3A_242 : i32 to index
        %swap3A_243 = tpu.vector_load %arg5[%swap3A] {strides = array<i32>} : memref<384xf32, #tpu.memory_space<vmem>>, vector<16xf32>,
        tpu.vector_store %arg5[%swap3A], %add3A_240 {strides = array<i32>} : memref<384xf32, #tpu.memory_space<vmem>>, vector<16xf32>,
      }
      %scan3A_7 = arith.constant 24 : i32
      %scan3A_8 = arith.constant 0 : i32
      %scan3A_9 = arith.constant 8 : i32
      %scan3A_10 = arith.addi %scan3A_8, %scan3A_9 : i32
      %scan3A_11 = arith.constant 1 : i32
      scf.for %scan3A_13 = %scan3A_8 to %scan3A_10 step %scan3A_11  : i32 {
        %mul3A_14 = arith.constant 1 : i32
        %mul3A_15 = arith.muli %scan3A_13, %mul3A_14 : i32
        %add3A_16 = arith.constant 0 : i32
        %add3A_17 = arith.addi %add3A_16, %mul3A_15 : i32
        %mul3A_18 = arith.constant 16 : i32
        %mul3A_19 = arith.muli %add3A_17, %mul3A_18 : i32
        %add3A_20 = arith.constant 256 : i32
        %add3A_21 = arith.addi %add3A_20, %mul3A_19 : i32
        %get3A = arith.index_cast %add3A_21 : i32 to index
        %get3A_22 = tpu.vector_load %arg5[%get3A] {strides = array<i32>} : memref<384xf32, #tpu.memory_space<vmem>>, vector<16xf32>,
        %add3A_23 = arith.constant 1.000000e-03 : f32
        %add3A_24 = vector.broadcast %add3A_23 : f32 to vector<16xf32>
        %add3A_25 = arith.addf %get3A_22, %add3A_24 : vector<16xf32>
        %get3A_26 = arith.index_cast %mul3A_19 : i32 to index
        %get3A_27 = tpu.vector_load %arg5[%get3A_26] {strides = array<i32>} : memref<384xf32, #tpu.memory_space<vmem>>, vector<16xf32>,
        %div3A = arith.divf %get3A_27, %add3A_25 : vector<16xf32>
        %swap3A = arith.index_cast %mul3A_19 : i32 to index
        %swap3A_28 = tpu.vector_load %arg6[%swap3A] {strides = array<i32>} : memref<384xf32, #tpu.memory_space<vmem>>, vector<16xf32>,
        tpu.vector_store %arg6[%swap3A], %div3A {strides = array<i32>} : memref<384xf32, #tpu.memory_space<vmem>>, vector<16xf32>,
        %add3A_29 = arith.constant 128 : i32
        %add3A_30 = arith.addi %add3A_29, %mul3A_19 : i32
        %get3A_31 = arith.index_cast %add3A_30 : i32 to index
        %get3A_32 = tpu.vector_load %arg5[%get3A_31] {strides = array<i32>} : memref<384xf32, #tpu.memory_space<vmem>>, vector<16xf32>,
        %div3A_33 = arith.divf %get3A_32, %add3A_25 : vector<16xf32>
        %add3A_34 = arith.constant 128 : i32
        %add3A_35 = arith.addi %add3A_34, %mul3A_19 : i32
        %swap3A_36 = arith.index_cast %add3A_35 : i32 to index
        %swap3A_37 = tpu.vector_load %arg6[%swap3A_36] {strides = array<i32>} : memref<384xf32, #tpu.memory_space<vmem>>, vector<16xf32>,
        tpu.vector_store %arg6[%swap3A_36], %div3A_33 {strides = array<i32>} : memref<384xf32, #tpu.memory_space<vmem>>, vector<16xf32>,
        %add3A_38 = arith.constant 256 : i32
        %add3A_39 = arith.addi %add3A_38, %mul3A_19 : i32
        %swap3A_40 = arith.index_cast %add3A_39 : i32 to index
        %swap3A_41 = tpu.vector_load %arg6[%swap3A_40] {strides = array<i32>} : memref<384xf32, #tpu.memory_space<vmem>>, vector<16xf32>,
        tpu.vector_store %arg6[%swap3A_40], %add3A_25 {strides = array<i32>} : memref<384xf32, #tpu.memory_space<vmem>>, vector<16xf32>,
      }
      %scan3A_12 = arith.constant 8 : i32
      "tpu.region"() ({
        %run_scoped3A = tpu.sem_alloc : memref<!tpu.dma_semaphore, #tpu.memory_space<semaphore_mem>>
        tpu.enqueue_dma source(%arg6 : memref<384xf32, #tpu.memory_space<vmem>>) target(%arg3 : memref<384xf32, #tpu.memory_space<hbm>>) target_semaphore(%run_scoped3A : memref<!tpu.dma_semaphore, #tpu.memory_space<semaphore_mem>>)
        tpu.wait_dma2 semaphore(%run_scoped3A : memref<!tpu.dma_semaphore, #tpu.memory_space<semaphore_mem>>) src(%arg6 : memref<384xf32, #tpu.memory_space<vmem>>) dst(%arg3 : memref<384xf32, #tpu.memory_space<hbm>>)
        tpu.yield
      }) : () -> ()
    } else {
    }
    return
  }
}

</mosaic_0001>

<sc_bundles>
// kernel: kernel.4.cloned.1.call-start
scs
__scs_entry_jumppad:
0x0: {  	(pc) =	sbr.rel $0x88, $3  }
0x1: {  	(tag) =	ssettag $0x0;
	lr =	simm.s32 $0x1  }
0x2: {  	[smem:$0x3F9F] =	sst lr;
	_ =	strace $0xD0000000  }
0x3: {  	_ = 	snop  }
0x4: {  	_ = 	snop  }
0x5: {  	_ = 	snop  }
0x6: {  	_ = 	snop  }
0x7: {  	_ = 	snop  }
__scs_overlays_trampoline_lowered:
0x8: {  	[smem:$0x3FAE] =	sst s0  }
0x9: {  	[smem:$0x3FAF] =	sst s1  }
0xa: {  	[smem:$0x3FB0] =	sst s2  }
0xb: {  	[smem:$0x3FB1] =	sst s3  }
0xc: {  	[smem:$0x3FB2] =	sst s4  }
0xd: {  	[smem:$0x3FB3] =	sst s5  }
0xe: {  	[smem:$0x3FB4] =	sst s6  }
0xf: {  	[smem:$0x3FB5] =	sst s7  }
0x10: {  	[smem:$0x3FB6] =	sst s8  }
0x11: {  	[smem:$0x3FB7] =	sst s9;
	s0 =	simm.s32 @!p0 $0x0  }
0x12: {  	s1 =	sld [smem:$0x3F9D];
	s0 =	simm.s32 @p0 $0x1  }
0x13: {  	[smem:$0x3FB8] =	sst s0;
	s0 =	simm.s32 @!p1 $0x0  }
0x14: {  	s2 =	sld [smem:$0x3F9C];
	s0 =	simm.s32 @p1 $0x1  }
0x15: {  	[smem:$0x3FB9] =	sst s0;
	s0 =	simm.s32 @!p2 $0x0  }
0x16: {  	s3 =	sld [smem:$0x3FDB];
	s0 =	simm.s32 @p2 $0x1  }
0x17: {  	s4 =	simm.s32 $0x1BF5;
	[smem:$0x3FBB] =	sst s0  }
0x18: {  	s0 =	sld [smem:$0x3F9E];
	_ =	swait.ge [sflag:s4], $0x0  }
0x19: {  	s7 =	sld [smem:$0x3F9F]  }
0x1a: {  	s8 =	sadd.s32 $0xFFFFE003, lr  }
0x1b: {  	s9 =	sadd.s32 $0xFFFFFEF7, lr;
	s5 =	simm.s32 $0xFFFFFFFF;
	p2 =	slt.u32 s8, $0xFFFFF086  }
0x1c: {  	p1 =	slt.u32 s9, $0xF7A;
	s5 =	simm.s32 @!p2 $0x0  }
0x1d: {  	s5 =	simm.s32 @p1 $0x1;
	p0 =	seq.s32 s7, s2  }
0x1e: {  	s7 =	smul.u32 @!p0 $0xF7A, s2;
	p2 =	seq.s32 @!p0 s5, $0x0  }
0x1f: {  	s9 =	smul.u32 $0xF7A, s1;
	s8 =	simm.s32 @!p0 $0x1BF5;
	p2 =	por !p2, p0  }
0x20: {  	[sflag:s8] =	ssyncset.s32 @!p0 $0xFFFFF086;
	s6 =	sadd.s32 @!p0 s3, s7;
	s7 =	simm.s32 @!p0 $0x108  }
0x21: {  	s3 =	sadd.s32 s3, s9;
	s6 =	sadd.s32 @!p0 $0x88, s6;
	s7 =	simm.s32 @p2 $0x1082  }
0x22: {  	[simem:s7], [sflag:s8] =	dma.local @!p0 [hbm:s6], $0xF7A  }
0x23: {  	s9 =	sor.u32 $0xD0000000, s2;
	s6 =	simm.s32 $0x108;
	_ =	swait.ge @!p0 [sflag:s8], $0x0  }
0x24: {  	s3 =	sadd.s32 $0x88, s3;
	s6 =	simm.s32 @!p1 $0x1082;
	[sflag:s4] =	ssyncset.s32 $0xFFFFF086  }
0x25: {  	[simem:s6], [sflag:s4] =	dma.local [hbm:s3], $0xF7A  }
0x26: {  	[smem:$0x3F9F] =	sst s1;
	(tag) =	ssettag s2;
	_ =	strace s9  }
0x27: {  	s1 =	sld [smem:$0x3FAF]  }
0x28: {  	s2 =	sld [smem:$0x3FB0]  }
0x29: {  	s4 =	sld [smem:$0x3FB2]  }
0x2a: {  	p0 =	seq.s32 s5, $0x0;
	s5 =	sld [smem:$0x3FB3]  }
0x2b: {  	s6 =	sld [smem:$0x3FB4]  }
0x2c: {  	s7 =	sld [smem:$0x3FB5]  }
0x2d: {  	s3 =	simm.s32 $0x108;
	s8 =	sld [smem:$0x3FB6]  }
0x2e: {  	s3 =	simm.s32 @!p0 $0x1082;
	s9 =	sld [smem:$0x3FB7]  }
0x2f: {  	lr =	sadd.s32 s0, s3;
	s0 =	sld [smem:$0x3FAE]  }
0x30: {  	s3 =	sld [smem:$0x3FB1]  }
0x31: {  	[smem:$0x3FBA] =	sst s10  }
0x32: {  	s10 =	sld [smem:$0x3FB8];
	_ =	sdelay $0x3  }
0x33: {  	p0 =	seq.s32 s10, $0x1;
	s10 =	sld [smem:$0x3FBA];
	_ =	sdelay $0x3  }
0x34: {  	[smem:$0x3FBA] =	sst s10  }
0x35: {  	s10 =	sld [smem:$0x3FB9];
	_ =	sdelay $0x3  }
0x36: {  	p1 =	seq.s32 s10, $0x1;
	s10 =	sld [smem:$0x3FBA];
	_ =	sdelay $0x3  }
0x37: {  	[smem:$0x3FBA] =	sst s10  }
0x38: {  	s10 =	sld [smem:$0x3FBB]  }
0x39: {  	_ = 	snop;
	(pc) =	sbr.ind lr, $3  }
0x3a: {  	_ = 	snop  }
0x3b: {  	_ = 	snop  }
0x3c: {  	p2 =	seq.s32 s10, $0x1;
	s10 =	sld [smem:$0x3FBA]  }
0x3d: {  	_ =	shalt  }
0x3e: {  	_ =	shalt  }
0x3f: {  	_ =	shalt  }
0x40: {  	_ =	shalt  }
0x41: {  	_ =	shalt  }
0x42: {  	_ =	shalt  }
0x43: {  	_ =	shalt  }
0x44: {  	_ =	shalt  }
0x45: {  	_ =	shalt  }
0x46: {  	_ =	shalt  }
0x47: {  	_ =	shalt  }
0x48: {  	_ =	shalt  }
0x49: {  	_ =	shalt  }
0x4a: {  	_ =	shalt  }
0x4b: {  	_ =	shalt  }
0x4c: {  	_ =	shalt  }
0x4d: {  	_ =	shalt  }
0x4e: {  	_ =	shalt  }
0x4f: {  	_ =	shalt  }
0x50: {  	_ =	shalt  }
0x51: {  	_ =	shalt  }
0x52: {  	_ =	shalt  }
0x53: {  	_ =	shalt  }
0x54: {  	_ =	shalt  }
0x55: {  	_ =	shalt  }
0x56: {  	_ =	shalt  }
0x57: {  	_ =	shalt  }
0x58: {  	_ =	shalt  }
0x59: {  	_ =	shalt  }
0x5a: {  	_ =	shalt  }
0x5b: {  	_ =	shalt  }
0x5c: {  	_ =	shalt  }
0x5d: {  	_ =	shalt  }
0x5e: {  	_ =	shalt  }
0x5f: {  	_ =	shalt  }
0x60: {  	_ =	shalt  }
0x61: {  	_ =	shalt  }
0x62: {  	_ =	shalt  }
0x63: {  	_ =	shalt  }
0x64: {  	_ =	shalt  }
0x65: {  	_ =	shalt  }
0x66: {  	_ =	shalt  }
0x67: {  	_ =	shalt  }
0x68: {  	_ =	shalt  }
0x69: {  	_ =	shalt  }
0x6a: {  	_ =	shalt  }
0x6b: {  	_ =	shalt  }
0x6c: {  	_ =	shalt  }
0x6d: {  	_ =	shalt  }
0x6e: {  	_ =	shalt  }
0x6f: {  	_ =	shalt  }
0x70: {  	_ =	shalt  }
0x71: {  	_ =	shalt  }
0x72: {  	_ =	shalt  }
0x73: {  	_ =	shalt  }
0x74: {  	_ =	shalt  }
0x75: {  	_ =	shalt  }
0x76: {  	_ =	shalt  }
0x77: {  	_ =	shalt  }
0x78: {  	_ =	shalt  }
0x79: {  	_ =	shalt  }
0x7a: {  	_ =	shalt  }
0x7b: {  	_ =	shalt  }
0x7c: {  	_ =	shalt  }
0x7d: {  	_ =	shalt  }
0x7e: {  	_ =	shalt  }
0x7f: {  	_ =	shalt  }
0x80: {  	_ =	shalt  }
0x81: {  	_ =	shalt  }
0x82: {  	_ =	shalt  }
0x83: {  	_ =	shalt  }
0x84: {  	_ =	shalt  }
0x85: {  	_ =	shalt  }
0x86: {  	_ =	shalt  }
0x87: {  	_ =	shalt  }
.Lfunc_end0:
.L_simem_size_0:
called_computation_lowered:
.L_overlay_start_0:
0x88: {  	s2 =	sld [smem:$0x3FD9]  }
0x89: {  	s3 =	sld [smem:$0x3FFE];
	_ =	sdelay $0x1  }
0x8a: {  	s1 =	srdreg.scid  }
0x8b: {  	s0 =	sand.u32 $0x1, s1  }
0x8c: {  	s17 =	sshll.u32 s0, $0xA;
	s2 =	sadd.s32 s3, s2  }
0x8d: {  	s2 =	sadd.s32 s2, s17  }
0x8e: {  	[smem:$0x3FC6] =	sst s2  }
0x8f: {  	_ = 	snop  }
0x90: {  	s2 =	sld [smem:$0x3FC9]  }
0x91: {  	s18 =	sld [smem:$0x3FC8];
	(tm) =	ssettm $0x1  }
0x92: {  	s4 =	sld [smem:$0x3FFB];
	_ =	sdelay $0x3  }
0x93: {  	_ =	strace s4  }
0x94: {  	s4 =	sld [smem:$0x3FFC];
	_ =	sdelay $0x3  }
0x95: {  	_ =	strace s4  }
0x96: {  	s4 =	sld [smem:$0x3FFD];
	_ =	sdelay $0x3  }
0x97: {  	_ =	strace s4  }
0x98: {  	_ =	strace $0x8FFFFFFF  }
0x99: {  	s19 =	sld [smem:$0x3FDB];
	_ =	sdelay $0x1  }
0x9a: {  	s5 =	simm.s32 $_scs_section_size  }
0x9b: {  	s6 =	simm.s32 $_size__tile_overlayer_lowered;
	s7 =	simm.s32 $_tile_overlayer_lowered  }
0x9c: {  	s22 =	simm.s32 $0x1BFF;
	s21 =	sshll.u32 s7, $0x1;
	s4 =	sadd.s32 s5, s19  }
0x9d: {  	s8 =	simm.s32 $0x0;
	s20 =	sshll.u32 s6, $0x1;
	s6 =	sadd.s32 s21, s4  }
0x9e: {  	[timem:s8], [sflag:s22] =	dma.local [hbm:s6], s20  }
0x9f: {  	_ =	swait.ge [sflag:s22], s20  }
0xa0: {  	s5 =	ssub.s32 $0x0, s20;
	[sflag:s22] =	ssyncset.done $0x0  }
0xa1: {  	[sflag:s22] =	ssyncadd.s32 s5;
	_ =	sdelay $0x1  }
0xa2: {  	s23 =	simm.s32 $0x1B8B  }
0xa3: {  	_ =	swait.ge [sflag:s23], $0x1  }
0xa4: {  	[sflag:s23] =	ssyncset.done $0x0  }
0xa5: {  	s25 =	simm.s32 $0x1B8E;
	s24 =	sld [smem:$0x3FFE];
	[sflag:s23] =	ssyncadd.s32 $0xFFFFFFFF  }
0xa6: {  	s26 =	simm.s32 $execute0_lowered;
	[smem:$0x3FD2] =	sst s25  }
0xa7: {  	s6 =	sshll.u32 s26, $0x1;
	_ =	strace $0x80000046;
	[dreg:$0x1] =	wrdreg $0xFFFFFFFF  }
0xa8: {  	s28 =	simm.s32 $_size_execute0_lowered;
	s4 =	sadd.s32 s4, s6;
	[dreg:$0x0] =	wrdreg $0x0  }
0xa9: {  	s6 =	sshll.u32 s28, $0x1;
	[dreg:$0x2] =	wrdreg s4  }
0xaa: {  	[dreg:$0x3] =	wrdreg s6  }
0xab: {  	[dreg:$0x4] =	wrdreg $0xC0  }
0xac: {  	_ =	task [dreg:s8], $0x5FFFF  }
0xad: {  	[dreg:$0x1] =	wrdreg $0xFFFFFFFF  }
0xae: {  	[dreg:$0x0] =	wrdreg $0x60  }
0xaf: {  	[dreg:$0x2] =	wrdreg s2  }
0xb0: {  	[dreg:$0x3] =	wrdreg s18  }
0xb1: {  	[dreg:$0x4] =	wrdreg s24  }
0xb2: {  	[dreg:$0x5] =	wrdreg $0x9  }
0xb3: {  	_ =	task.clear_ibuf [dreg:s8], $0x6FFFF;
	_ =	strace $0x90000046  }
0xb4: {  	s29 =	simm.s32 $0x9;
	_ =	strace $0x80000048  }
0xb5: {  	_ =	swait.ge [sflag:s29], $0x1  }
0xb6: {  	[sflag:s29] =	ssyncadd.s32 $0xFFFFFFFF  }
0xb7: {  	_ =	strace $0x90000048  }
0xb8: {  	_ =	sfence  }
0xb9: {  	s30 =	sld [smem:$0x0];
	_ =	sdelay $0x2  }
0xba: {  	s31 =	sshll.u32 s1, $0xD;
	s1 =	sshrl.u32 s1, $0x2  }
0xbb: {  	s3 =	sand.u32 $0x4000, s31;
	s1 =	sadd.s32 s1, s30  }
0xbc: {  	s0 =	sor.u32 s3, s0;
	s1 =	sshll.u32 s1, $0x11  }
0xbd: {  	s0 =	sor.u32 s1, s0  }
0xbe: {  	s0 =	sadd.s32 $0x8F2B, s0  }
0xbf: {  	[sflag:s0] =	ssyncadd.remote.s32 $0x1  }
0xc0: {  	_ =	sfence.sel $0xFFFF  }
0xc1: {  	[dreg:$0x0] =	wrdreg $0xFFFFFFFF;
	(pc) =	sbr.abs _section_cstart, $3  }
0xc2: {  	[dreg:$0x1] =	wrdreg $0xFFFFFFFF  }
0xc3: {  	_ =	task.clear_ibuf [dreg:s8], $0x2FFFF;
	_ =	strace $0x9FFFFFFF  }
0xc4: {  	(tm) =	ssettm $0x7FFFFFFF  }
0xc5: {  	_ =	shalt  }
tec
execute0_lowered:
.L_overlay_start_1:
0x0: {  	(tag) =	ssettag $0x1  }
0x1: {  	s1 =	rddreg [dreg:$0x0]  }
0x2: {  	s3 =	rddreg [dreg:$0x1];
	s0 =	srdreg.scid  }
0x3: {  	s4 =	stileid.u32;
	s2 =	rddreg [dreg:$0x2]  }
0x4: {  	s14 =	simm.s32 $0x4000;
	s15 =	simm.s32 $0xC000;
	s16 =	simm.s32 $0x1  }
0x5: {  	s17 =	simm.s32 $0x3;
	s18 =	simm.s32 $0x10E00;
	s19 =	simm.s32 $0x10700  }
0x6: {  	s20 =	simm.s32 $0x10000;
	s21 =	simm.s32 $0x12300;
	s22 =	simm.s32 $0x11C00  }
0x7: {  	s23 =	simm.s32 $0x11500;
	s24 =	simm.s32 $0x2;
	s25 =	simm.s32 $0x4  }
0x8: {  	s28 =	simm.s32 $0x5;
	s0 =	sand.u32 $0x1, s0;
	s5 =	sshll.u32 s4, $0x1  }
0x9: {  	s29 =	simm.s32 $0x0;
	s4 =	simm.s32 $0x0;
	s5 =	sor.u32 s0, s5  }
0xa: {  	[smem:$0x7FF] =	sst s4;
	s0 =	ssub.s32 $0x2, s0;
	s6 =	smul.u32 $0x30, s5  }
0xb: {  	_ =	strace $0x80000047;
	s26 =	sshrl.u32 s0, $0x1;
	s7 =	sshll.u32 s5, $0x10  }
0xc: {  	s5 =	sshll.u32 s5, $0x13;
	s0 =	ssub.s32 s0, s26;
	s30 =	sor.u32 $0x800, s7  }
0xd: {  	s8 =	sadd.s32 s1, s7;
	s7 =	sadd.s32 s3, s7;
	s9 =	sor.u32 $0x8000, s5  }
0xe: {  	s10 =	sor.u32 $0xC000, s5;
	s2 =	sadd.s32 s6, s2;
	[dreg:$0x4] =	wrdreg s8  }
0xf: {  	v0 =	vimm.f32 $0.0e+00;
	[dreg:$0x5] =	wrdreg s7;
	s31 =	sadd.s32 s1, s30;
	s8 =	sadd.s32 s3, s30  }
0x10: {  	v1 =	vimm.s32 $0x0;
	v2 =	vimm.f32 $1.000000000e+00;
	v3 =	vlaneseq.u32;
	s12 =	smax.u32 s0, $0x1;
	[dreg:$0x6] =	wrdreg s31;
	s11 =	sadd.s32 $0xA00, s2  }
.LBB2_1:
0x11: {  	s0 =	rddreg [dreg:$0x4]  }
0x12: {  	[tilespmem:s4], [sflag:$0x1] =	stream.linear.gather [hbm4b:s0+s4], $0x4000, $0x38;
	[tilespmem:$0x12B80] =	vst v63  }
0x13: {  	s30 =	rddreg [dreg:$0x5];
	s2 =	simm.s32 $0x8000  }
0x14: {  	[tilespmem:s2], [sflag:$0x3] =	stream.linear.gather [hbm4b:s30+s4], $0x4000, $0x38;
	[tilespmem:$0x12B80] =	vst v63  }
0x15: {  	s31 =	rddreg [dreg:$0x6]  }
0x16: {  	[tilespmem:s14], [sflag:$0x2] =	stream.linear.gather [hbm4b:s31+s4], $0x4000, $0x38;
	[tilespmem:$0x12B80] =	vst v63  }
0x17: {  	s0 =	simm.s32 $0x0  }
0x18: {  	[tilespmem:s15], [sflag:$0x4] =	stream.linear.gather [hbm4b:s8+s4], $0x4000, $0x38;
	[tilespmem:$0x12B80] =	vst v63  }
0x19: {  	[tilespmem:s0+$0x12300] =	vst v0  }
0x1a: {  	[tilespmem:s0+$0x10000] =	vst v0  }
0x1b: {  	[tilespmem:s0+$0x10700] =	vst v0  }
0x1c: {  	[tilespmem:s0+$0x10E00] =	vst v0  }
0x1d: {  	s2 =	simm.s32 $0x40;
	[tilespmem:s0+$0x11500] =	vst v0  }
.LBB2_2:
0x1e: {  	p0 =	sne.s32 s2, $0x1BC0;
	[tilespmem:s0+$0x11C00] =	vst v0;
	s0 =	sshra.s32 s2, $0x2;
	s2 =	sadd.s32 $0x40, s2  }
.Ltmp0:
0x1f: {  	[tilespmem:s0+$0x12300] =	vst v0;
	(pc) =	sbr.rel @p0 .LBB2_2-.Ltmp0, $4  }
0x20: {  	[tilespmem:s0+$0x10000] =	vst v0  }
0x21: {  	[tilespmem:s0+$0x10700] =	vst v0  }
0x22: {  	[tilespmem:s0+$0x10E00] =	vst v0  }
0x23: {  	[tilespmem:s0+$0x11500] =	vst v0  }
0x24: {  	[tilespmem:s0+$0x11C00] =	vst v0;
	s30 =	simm.s32 $0x0  }
.LBB2_4:
0x25: {  	_ =	swait.ge [sflag:s16], $0x4000  }
0x26: {  	[sflag:s16] =	ssyncset.done $0x0  }
0x27: {  	[sflag:s16] =	ssyncadd.s32 $0xFFFFC000  }
0x28: {  	_ =	swait.ge [sflag:s17], $0x4000  }
0x29: {  	[sflag:s17] =	ssyncset.done $0x0  }
0x2a: {  	s0 =	simm.s32 $0x40;
	[sflag:s17] =	ssyncadd.s32 $0xFFFFC000  }
0x2b: {  	v4 =	vld [tilespmem:s0+$0xFFFFFFE0];
	_ =	sdelay $0x4  }
0x2c: {  	v5 =	vmul.f32 $1.000000000e+02, v4;
	_ =	sdelay $0x1  }
0x2d: {  	v5 =	vtrunc.f32 v5  }
0x2e: {  	v5 =	vcvt.f32.s32 v5  }
0x2f: {  	v7 =	vld [tilespmem:s0+$0x0]  }
0x30: {  	v6 =	vcvt.s32.f32 v5;
	_ =	sdelay $0x1  }
0x31: {  	v8 =	vadd.f32 $1.000000000e+00, v6  }
0x32: {  	v9 =	vld [tilespmem:s0+$0x20];
	v6 =	vmul.f32 $9.999999770e-03, v6  }
0x33: {  	v10 =	vmul.f32 $1.000000000e+02, v7;
	v8 =	vmul.f32 $9.999999770e-03, v8  }
0x34: {  	vm0 =	vlt.f32 v6, v4  }
0x35: {  	v6 =	vtrunc.f32 v10;
	v10 =	vsel vm0, $0x1, v1;
	vm0 =	vlt.f32 v8, v4  }
0x36: {  	v6 =	vcvt.f32.s32 v6;
	v5 =	vadd.s32 v5, v10;
	v8 =	vsel vm0, $0x1, v1  }
0x37: {  	v5 =	vadd.s32 v8, v5;
	v8 =	vmul.f32 $1.000000000e+02, v9  }
0x38: {  	v10 =	vcvt.s32.f32 v6;
	v5 =	vshll.u32 v5, $0x4  }
0x39: {  	s31 =	simm.s32 $0x8040;
	v5 =	vor.u32 v3, v5;
	v8 =	vtrunc.f32 v8  }
0x3a: {  	s2 =	simm.s32 $0xC0;
	v12 =	vld [tilespmem:s31+$0xFFFFFFE0];
	v11 =	vadd.f32 $1.000000000e+00, v10;
	v8 =	vcvt.f32.s32 v8  }
0x3b: {  	v16 =	vld [tilespmem:s2+$0xFFFFFFE0];
	v13 =	vmul.f32 $9.999999770e-03, v10  }
0x3c: {  	v18 =	vld [tilespmem:s2+$0x0];
	v11 =	vmul.f32 $9.999999770e-03, v11;
	v14 =	vcvt.s32.f32 v8  }
0x3d: {  	v10 =	vld [tilespmem:s0+$0xFFFFFFC0];
	vm0 =	vlt.f32 v13, v7  }
0x3e: {  	v13 =	vsel vm0, $0x1, v1;
	vm0 =	vlt.f32 v11, v7;
	[tilespmem:v5+s18+$0x0] =	vst.idx.add.f32.msk $0xffff, v2;
	v11 =	vadd.f32 $1.000000000e+00, v14  }
0x3f: {  	v6 =	vadd.s32 v6, v13;
	v13 =	vmul.f32 $9.999999770e-03, v14;
	[tilespmem:v5+s19+$0x0] =	vst.idx.add.f32.msk $0xffff, v4;
	v4 =	vsel vm0, $0x1, v1  }
0x40: {  	[tilespmem:v5+s20+$0x0] =	vst.idx.add.f32.msk $0xffff, v12;
	v4 =	vadd.s32 v4, v6;
	v5 =	vmul.f32 $9.999999770e-03, v11  }
0x41: {  	v14 =	vld [tilespmem:s2+$0x20];
	vm0 =	vlt.f32 v13, v9;
	v13 =	vmul.f32 $1.000000000e+02, v16;
	v4 =	vshll.u32 v4, $0x4  }
0x42: {  	v6 =	vld [tilespmem:s0+$0xFFFFFFF0];
	v12 =	vsel vm0, $0x1, v1;
	v4 =	vor.u32 v3, v4;
	vm0 =	vlt.f32 v5, v9  }
0x43: {  	v11 =	vmul.f32 $1.000000000e+02, v10;
	v5 =	vld [tilespmem:s2+$0xFFFFFFC0];
	v8 =	vadd.s32 v8, v12;
	v15 =	vsel vm0, $0x1, v1  }
0x44: {  	v20 =	vmul.f32 $1.000000000e+02, v18;
	v12 =	vld [tilespmem:s31+$0x0];
	v13 =	vtrunc.f32 v13;
	v8 =	vadd.s32 v15, v8  }
0x45: {  	v11 =	vtrunc.f32 v11;
	v13 =	vcvt.f32.s32 v13;
	v8 =	vshll.u32 v8, $0x4  }
0x46: {  	v17 =	vld [tilespmem:s31+$0x20];
	v20 =	vtrunc.f32 v20;
	v11 =	vcvt.f32.s32 v11;
	v8 =	vor.u32 v3, v8  }
0x47: {  	v21 =	vcvt.s32.f32 v13;
	v15 =	vmul.f32 $1.000000000e+02, v6;
	[tilespmem:v4+s18+$0x0] =	vst.idx.add.f32.msk $0xffff, v2  }
0x48: {  	v23 =	vmul.f32 $1.000000000e+02, v14;
	v19 =	vcvt.s32.f32 v11;
	[tilespmem:v4+s19+$0x0] =	vst.idx.add.f32.msk $0xffff, v7  }
0x49: {  	v22 =	vmul.f32 $1.000000000e+02, v5;
	v7 =	vtrunc.f32 v15;
	[tilespmem:v4+s20+$0x0] =	vst.idx.add.f32.msk $0xffff, v12;
	v4 =	vadd.f32 $1.000000000e+00, v21  }
0x4a: {  	v12 =	vcvt.f32.s32 v7;
	v7 =	vmul.f32 $9.999999770e-03, v21  }
0x4b: {  	v21 =	vtrunc.f32 v23;
	[tilespmem:v8+s18+$0x0] =	vst.idx.add.f32.msk $0xffff, v2;
	v4 =	vmul.f32 $9.999999770e-03, v4  }
0x4c: {  	v26 =	vadd.f32 $1.000000000e+00, v19;
	v21 =	vcvt.f32.s32 v21;
	vm0 =	vlt.f32 v7, v16;
	[tilespmem:v8+s19+$0x0] =	vst.idx.add.f32.msk $0xffff, v9  }
0x4d: {  	v7 =	vcvt.f32.s32 v20;
	[tilespmem:v8+s20+$0x0] =	vst.idx.add.f32.msk $0xffff, v17;
	v8 =	vsel vm0, $0x1, v1;
	vm0 =	vlt.f32 v4, v16  }
0x4e: {  	v22 =	vtrunc.f32 v22;
	v4 =	vsel vm0, $0x1, v1;
	v8 =	vadd.s32 v13, v8;
	v13 =	vld [tilespmem:s0+$0x30]  }
0x4f: {  	v15 =	vld [tilespmem:s0+$0x10];
	v20 =	vcvt.s32.f32 v21;
	v4 =	vadd.s32 v4, v8;
	v8 =	vcvt.s32.f32 v7  }
0x50: {  	v19 =	vmul.f32 $9.999999770e-03, v19;
	v9 =	vcvt.f32.s32 v22;
	v4 =	vshll.u32 v4, $0x4  }
0x51: {  	v22 =	vmul.f32 $9.999999770e-03, v20;
	v4 =	vor.u32 v3, v4;
	v23 =	vadd.f32 $1.000000000e+00, v8  }
0x52: {  	s26 =	simm.s32 $0x80C0;
	v24 =	vcvt.s32.f32 v12;
	v20 =	vadd.f32 $1.000000000e+00, v20;
	v8 =	vmul.f32 $9.999999770e-03, v8  }
0x53: {  	v25 =	vld [tilespmem:s26+$0xFFFFFFE0];
	vm0 =	vlt.f32 v22, v14;
	v22 =	vmul.f32 $1.000000000e+02, v13;
	v23 =	vmul.f32 $9.999999770e-03, v23  }
0x54: {  	v17 =	vmul.f32 $1.000000000e+02, v15;
	v20 =	vmul.f32 $9.999999770e-03, v20;
	vm1 =	vlt.f32 v8, v18  }
0x55: {  	v8 =	vtrunc.f32 v22;
	v22 =	vsel vm1, $0x1, v1;
	vm1 =	vlt.f32 v23, v18  }
0x56: {  	v17 =	vtrunc.f32 v17;
	v23 =	vmul.f32 $9.999999770e-03, v26;
	[tilespmem:v4+s18+$0x0] =	vst.idx.add.f32.msk $0xffff, v2;
	v26 =	vsel vm1, $0x1, v1  }
0x57: {  	v7 =	vadd.s32 v7, v22;
	vm1 =	vlt.f32 v19, v10;
	v19 =	vcvt.f32.s32 v17;
	[tilespmem:v4+s19+$0x0] =	vst.idx.add.f32.msk $0xffff, v16  }
0x58: {  	v16 =	vsel vm1, $0x1, v1;
	vm1 =	vlt.f32 v23, v10;
	v23 =	vcvt.f32.s32 v8;
	[tilespmem:v4+s20+$0x0] =	vst.idx.add.f32.msk $0xffff, v25  }
0x59: {  	s5 =	simm.s32 $0x140;
	v7 =	vadd.s32 v26, v7;
	v22 =	vsel vm1, $0x1, v1;
	v8 =	vadd.s32 v11, v16;
	v25 =	vld [tilespmem:s31+$0xFFFFFFC0]  }
0x5a: {  	v7 =	vshll.u32 v7, $0x4;
	v11 =	vcvt.s32.f32 v19;
	v16 =	vld [tilespmem:s5+$0xFFFFFFE0];
	v26 =	vcvt.s32.f32 v23  }
0x5b: {  	v17 =	vcvt.s32.f32 v9;
	v4 =	vld [tilespmem:s2+$0xFFFFFFF0];
	v8 =	vadd.s32 v22, v8;
	v27 =	vor.u32 v3, v7  }
0x5c: {  	v7 =	vld [tilespmem:s5+$0xFFFFFFC0];
	v8 =	vshll.u32 v8, $0x4;
	v29 =	vmul.f32 $9.999999770e-03, v11;
	v30 =	vadd.f32 $1.000000000e+00, v26  }
0x5d: {  	v31 =	vadd.f32 $1.000000000e+00, v11;
	v11 =	vld [tilespmem:s5+$0x0];
	v28 =	vor.u32 v3, v8;
	v26 =	vmul.f32 $9.999999770e-03, v26  }
0x5e: {  	v22 =	vmul.f32 $9.999999770e-03, v24;
	v8 =	vld [tilespmem:s5+$0x20];
	v33 =	vmul.f32 $9.999999770e-03, v30  }
0x5f: {  	v30 =	vsel vm0, $0x1, v1;
	vm0 =	vlt.f32 v20, v14;
	v20 =	vld [tilespmem:s26+$0x0];
	vm1 =	vlt.f32 v26, v13  }
0x60: {  	v32 =	vmul.f32 $1.000000000e+02, v4;
	v26 =	vsel vm0, $0x1, v1;
	v21 =	vadd.s32 v21, v30;
	[tilespmem:v27+s18+$0x0] =	vst.idx.add.f32.msk $0xffff, v2  }
0x61: {  	vm0 =	vlt.f32 v29, v15;
	v34 =	vsel vm1, $0x1, v1;
	v21 =	vadd.s32 v26, v21;
	[tilespmem:v27+s19+$0x0] =	vst.idx.add.f32.msk $0xffff, v18  }
0x62: {  	v26 =	vmul.f32 $9.999999770e-03, v31;
	v29 =	vsel vm0, $0x1, v1;
	v31 =	vmul.f32 $1.000000000e+02, v7;
	[tilespmem:v28+s18+$0x0] =	vst.idx.add.f32.msk $0xffff, v2  }
0x63: {  	v18 =	vadd.s32 v23, v34;
	v35 =	vmul.f32 $1.000000000e+02, v8;
	v32 =	vtrunc.f32 v32;
	[tilespmem:v28+s19+$0x0] =	vst.idx.add.f32.msk $0xffff, v10  }
0x64: {  	v19 =	vadd.s32 v19, v29;
	v21 =	vshll.u32 v21, $0x4;
	vm0 =	vlt.f32 v26, v15;
	[tilespmem:v28+s20+$0x0] =	vst.idx.add.f32.msk $0xffff, v25  }
0x65: {  	v21 =	vor.u32 v3, v21;
	v25 =	vmul.f32 $1.000000000e+02, v11;
	v28 =	vmul.f32 $1.000000000e+02, v16;
	[tilespmem:v27+s20+$0x0] =	vst.idx.add.f32.msk $0xffff, v20  }
0x66: {  	v26 =	vsel vm0, $0x1, v1;
	vm0 =	vlt.f32 v33, v13;
	v20 =	vtrunc.f32 v31;
	v10 =	vld [tilespmem:s0+$0xFFFFFFD0]  }
0x67: {  	v61 =	vtrunc.f32 v35;
	v19 =	vadd.s32 v26, v19;
	v29 =	vtrunc.f32 v28  }
0x68: {  	v36 =	vld [tilespmem:s26+$0x20];
	v27 =	vsel vm0, $0x1, v1;
	v30 =	vtrunc.f32 v25;
	v29 =	vcvt.f32.s32 v29  }
0x69: {  	v26 =	vld [tilespmem:s31+$0x10];
	v25 =	vshll.u32 v19, $0x4;
	v19 =	vcvt.f32.s32 v32;
	v27 =	vadd.s32 v27, v18  }
0x6a: {  	v23 =	vld [tilespmem:s2+$0x10];
	v18 =	vcvt.f32.s32 v20;
	v28 =	vor.u32 v3, v25;
	v31 =	vcvt.s32.f32 v29  }
0x6b: {  	v20 =	vcvt.f32.s32 v61;
	v32 =	vshll.u32 v27, $0x4;
	[tilespmem:v21+s18+$0x0] =	vst.idx.add.f32.msk $0xffff, v2;
	v25 =	vmul.f32 $1.000000000e+02, v10  }
0x6c: {  	[tilespmem:v21+s19+$0x0] =	vst.idx.add.f32.msk $0xffff, v14;
	v14 =	vcvt.s32.f32 v19;
	v27 =	vmul.f32 $9.999999770e-03, v31;
	v62 =	vadd.f32 $1.000000000e+00, v31  }
0x6d: {  	[tilespmem:v21+s20+$0x0] =	vst.idx.add.f32.msk $0xffff, v36;
	v31 =	vadd.f32 $1.000000000e+00, v24;
	v63 =	vtrunc.f32 v25;
	v25 =	vcvt.s32.f32 v20  }
0x6e: {  	s6 =	simm.s32 $0x10;
	s13 =	simm.s32 $0x140;
	s0 =	simm.s32 $0x80C0;
	v21 =	vld [tilespmem:s26+$0xFFFFFFC0];
	vm0 =	vlt.f32 v27, v16;
	v27 =	vmul.f32 $9.999999770e-03, v62;
	v24 =	vcvt.f32.s32 v63  }
.LBB2_5:
0x6f: {  	s6 =	sadd.s32 $0x8, s6;
	v30 =	vcvt.f32.s32 v30;
	v33 =	vmul.f32 $1.000000000e+02, v23;
	s26 =	sadd.s32 $0x80, s26;
	[tilespmem:v28+s21+$0x0] =	vst.idx.add.f32.msk $0xffff, v2;
	v32 =	vor.u32 v3, v32  }
0x70: {  	v34 =	vsel vm0, $0x1, v1;
	p0 =	slt.u32 s6, $0x3F8;
	vm0 =	vlt.f32 v27, v16;
	v27 =	vcvt.s32.f32 v24;
	[tilespmem:v28+s22+$0x0] =	vst.idx.add.f32.msk $0xffff, v15;
	v15 =	vmovc v23  }
0x71: {  	v29 =	vadd.s32 v29, v34;
	v23 =	vsel vm0, $0x1, v1;
	v33 =	vtrunc.f32 v33;
	v34 =	vld [tilespmem:s2+$0x30]  }
0x72: {  	s5 =	sadd.s32 $0x80, s5;
	v23 =	vadd.s32 v23, v29;
	v29 =	vmul.f32 $9.999999770e-03, v25;
	v35 =	vadd.f32 $1.000000000e+00, v27;
	[tilespmem:v28+s23+$0x0] =	vst.idx.add.f32.msk $0xffff, v26  }
0x73: {  	vm1 =	vlt.f32 v22, v6;
	v27 =	vmul.f32 $9.999999770e-03, v27;
	v26 =	vld [tilespmem:s5+$0xFFFFFFE0];
	v23 =	vshll.u32 v23, $0x4  }
0x74: {  	v28 =	vsel vm1, $0x1, v1;
	v22 =	vor.u32 v3, v23;
	vm0 =	vlt.f32 v29, v8;
	v23 =	vld [tilespmem:s31+$0xFFFFFFF0]  }
0x75: {  	v31 =	vmul.f32 $9.999999770e-03, v31;
	v28 =	vadd.s32 v12, v28;
	v12 =	vmovc v19;
	v29 =	vcvt.s32.f32 v30;
	v36 =	vld [tilespmem:s31+$0x30]  }
0x76: {  	vm1 =	vlt.f32 v27, v10;
	v27 =	vmul.f32 $9.999999770e-03, v35;
	v19 =	vmul.f32 $1.000000000e+02, v34;
	[tilespmem:v32+s21+$0x0] =	vst.idx.add.f32.msk $0xffff, v2  }
0x77: {  	v38 =	vadd.f32 $1.000000000e+00, v17;
	vm2 =	vlt.f32 v31, v6;
	v37 =	vadd.f32 $1.000000000e+00, v29;
	v35 =	vld [tilespmem:s26+$0xFFFFFFE0]  }
0x78: {  	v17 =	vmul.f32 $9.999999770e-03, v17;
	v31 =	vsel vm2, $0x1, v1;
	v29 =	vmul.f32 $9.999999770e-03, v29;
	[tilespmem:v32+s22+$0x0] =	vst.idx.add.f32.msk $0xffff, v13;
	v13 =	vmovc v34  }
0x79: {  	v28 =	vadd.s32 v31, v28;
	v34 =	vmul.f32 $9.999999770e-03, v37;
	v19 =	vtrunc.f32 v19;
	[tilespmem:v22+s18+$0x0] =	vst.idx.add.f32.msk $0xffff, v2  }
0x7a: {  	v31 =	vsel vm1, $0x1, v1;
	vm2 =	vlt.f32 v29, v11;
	v29 =	vmul.f32 $9.999999770e-03, v38;
	[tilespmem:v32+s23+$0x0] =	vst.idx.add.f32.msk $0xffff, v36  }
0x7b: {  	v28 =	vshll.u32 v28, $0x4;
	v32 =	vsel vm2, $0x1, v1;
	vm1 =	vlt.f32 v34, v11;
	[tilespmem:v22+s19+$0x0] =	vst.idx.add.f32.msk $0xffff, v16;
	v16 =	vmovc v26  }
0x7c: {  	v26 =	vadd.s32 v30, v32;
	[tilespmem:v22+s20+$0x0] =	vst.idx.add.f32.msk $0xffff, v35;
	v22 =	vsel vm1, $0x1, v1;
	vm1 =	vlt.f32 v27, v10  }
0x7d: {  	vm2 =	vlt.f32 v17, v5;
	v30 =	vcvt.f32.s32 v33;
	v22 =	vadd.s32 v22, v26;
	v27 =	vld [tilespmem:s26+$0x20]  }
0x7e: {  	v17 =	vcvt.s32.f32 v18;
	v26 =	vsel vm2, $0x1, v1;
	v32 =	vld [tilespmem:s5+$0x0];
	v22 =	vshll.u32 v22, $0x4  }
0x7f: {  	v28 =	vor.u32 v3, v28;
	vm2 =	vlt.f32 v29, v5;
	v33 =	vld [tilespmem:s13+$0xFFFFFFF0];
	v34 =	vor.u32 v3, v22  }
0x80: {  	v37 =	vcvt.f32.s32 v19;
	v36 =	vcvt.s32.f32 v30;
	v29 =	vsel vm2, $0x1, v1;
	v35 =	vld [tilespmem:s5+$0x20]  }
0x81: {  	v38 =	vsel vm1, $0x1, v1;
	v26 =	vadd.s32 v9, v26;
	v9 =	vmovc v18;
	v22 =	vmul.f32 $9.999999770e-03, v14;
	v19 =	vld [tilespmem:s5+$0xFFFFFFC0]  }
0x82: {  	v39 =	vcvt.s32.f32 v37;
	v26 =	vadd.s32 v29, v26;
	v29 =	vadd.f32 $1.000000000e+00, v36;
	v18 =	vld [tilespmem:s26+$0x0]  }
0x83: {  	v25 =	vadd.f32 $1.000000000e+00, v25;
	v36 =	vmul.f32 $9.999999770e-03, v36;
	v40 =	vshll.u32 v26, $0x4;
	v26 =	vld [tilespmem:s0+$0x10]  }
0x84: {  	v24 =	vadd.s32 v24, v31;
	v41 =	vadd.f32 $1.000000000e+00, v39;
	v40 =	vor.u32 v3, v40;
	[tilespmem:v28+s21+$0x0] =	vst.idx.add.f32.msk $0xffff, v2  }
0x85: {  	v25 =	vmul.f32 $9.999999770e-03, v25;
	v31 =	vmul.f32 $9.999999770e-03, v39;
	v24 =	vadd.s32 v38, v24;
	[tilespmem:v28+s22+$0x0] =	vst.idx.add.f32.msk $0xffff, v6;
	v6 =	vmovc v4  }
0x86: {  	v39 =	vmul.f32 $9.999999770e-03, v41;
	v24 =	vshll.u32 v24, $0x4;
	v38 =	vmul.f32 $1.000000000e+02, v33;
	v4 =	vmovc v33;
	[tilespmem:v28+s23+$0x0] =	vst.idx.add.f32.msk $0xffff, v23  }
0x87: {  	vm1 =	vlt.f32 v31, v13;
	v23 =	vsel vm0, $0x1, v1;
	vm0 =	vlt.f32 v25, v8;
	[tilespmem:v34+s18+$0x0] =	vst.idx.add.f32.msk $0xffff, v2  }
0x88: {  	v25 =	vsel vm0, $0x1, v1;
	v20 =	vadd.s32 v20, v23;
	vm0 =	vlt.f32 v36, v15;
	v23 =	vld [tilespmem:s31+$0xFFFFFFD0];
	s31 =	smov.u32 s0;
	s0 =	smov.u32 s26  }
0x89: {  	v28 =	vmul.f32 $9.999999770e-03, v29;
	v20 =	vadd.s32 v25, v20;
	v25 =	vsel vm0, $0x1, v1;
	[tilespmem:v40+s18+$0x0] =	vst.idx.add.f32.msk $0xffff, v2  }
0x8a: {  	v24 =	vor.u32 v3, v24;
	v33 =	vsel vm1, $0x1, v1;
	v31 =	vmul.f32 $1.000000000e+02, v19;
	[tilespmem:v40+s19+$0x0] =	vst.idx.add.f32.msk $0xffff, v5;
	v5 =	vmovc v7  }
0x8b: {  	v29 =	vtrunc.f32 v38;
	v36 =	vmul.f32 $1.000000000e+02, v35;
	vm0 =	vlt.f32 v28, v15;
	v7 =	vmovc v19;
	[tilespmem:v40+s20+$0x0] =	vst.idx.add.f32.msk $0xffff, v21  }
0x8c: {  	v28 =	vsel vm0, $0x1, v1;
	v25 =	vadd.s32 v30, v25;
	v19 =	vmul.f32 $1.000000000e+02, v32;
	v21 =	vld [tilespmem:s2+$0xFFFFFFD0];
	s2 =	smov.u32 s13;
	s13 =	smov.u32 s5  }
0x8d: {  	v38 =	vmul.f32 $1.000000000e+02, v16;
	v20 =	vshll.u32 v20, $0x4;
	v25 =	vadd.s32 v28, v25;
	[tilespmem:v34+s19+$0x0] =	vst.idx.add.f32.msk $0xffff, v11;
	v11 =	vmovc v32  }
0x8e: {  	v30 =	vtrunc.f32 v19;
	[tilespmem:v34+s20+$0x0] =	vst.idx.add.f32.msk $0xffff, v18;
	v34 =	vor.u32 v3, v20;
	v18 =	vshll.u32 v25, $0x4  }
0x8f: {  	v19 =	vcvt.f32.s32 v29;
	v20 =	vtrunc.f32 v38;
	v28 =	vor.u32 v3, v18;
	[tilespmem:v24+s21+$0x0] =	vst.idx.add.f32.msk $0xffff, v2  }
0x90: {  	vm0 =	vlt.f32 v39, v13;
	v29 =	vcvt.f32.s32 v20;
	v18 =	vadd.s32 v37, v33;
	[tilespmem:v24+s22+$0x0] =	vst.idx.add.f32.msk $0xffff, v10  }
0x91: {  	v20 =	vtrunc.f32 v31;
	v31 =	vsel vm0, $0x1, v1;
	v25 =	vmul.f32 $1.000000000e+02, v21;
	[tilespmem:v24+s23+$0x0] =	vst.idx.add.f32.msk $0xffff, v23;
	v10 =	vmovc v21  }
.Ltmp1:
0x92: {  	v31 =	vadd.s32 v31, v18;
	v21 =	vcvt.s32.f32 v29;
	v24 =	vtrunc.f32 v36;
	v23 =	vld [tilespmem:s2+$0x10];
	(pc) =	sbr.rel @p0 .LBB2_5-.Ltmp1, $4  }
0x93: {  	v18 =	vcvt.f32.s32 v20;
	v32 =	vshll.u32 v31, $0x4;
	v20 =	vcvt.f32.s32 v24;
	[tilespmem:v34+s18+$0x0] =	vst.idx.add.f32.msk $0xffff, v2  }
0x94: {  	v24 =	vmul.f32 $9.999999770e-03, v21;
	v21 =	vadd.f32 $1.000000000e+00, v21;
	v33 =	vtrunc.f32 v25;
	[tilespmem:v34+s19+$0x0] =	vst.idx.add.f32.msk $0xffff, v8;
	v8 =	vmovc v35  }
0x95: {  	v31 =	vadd.f32 $1.000000000e+00, v14;
	v14 =	vcvt.s32.f32 v19;
	v25 =	vcvt.s32.f32 v20;
	[tilespmem:v34+s20+$0x0] =	vst.idx.add.f32.msk $0xffff, v27  }
0x96: {  	vm0 =	vlt.f32 v24, v16;
	v27 =	vmul.f32 $9.999999770e-03, v21;
	v24 =	vcvt.f32.s32 v33;
	v21 =	vld [tilespmem:s26+$0xFFFFFFC0]  }
0x97: {  	_ =	sdelay $0x2  }
0x98: {  	v30 =	vcvt.f32.s32 v30;
	v33 =	vmul.f32 $1.000000000e+02, v23;
	v32 =	vor.u32 v3, v32  }
0x99: {  	v34 =	vsel vm0, $0x1, v1;
	[tilespmem:v28+s21+$0x0] =	vst.idx.add.f32.msk $0xffff, v2;
	v47 =	vmul.f32 $9.999999770e-03, v25;
	vm1 =	vlt.f32 v22, v6  }
0x9a: {  	v49 =	vadd.f32 $1.000000000e+00, v17;
	vm0 =	vlt.f32 v27, v16;
	v35 =	vcvt.s32.f32 v24;
	[tilespmem:v28+s22+$0x0] =	vst.idx.add.f32.msk $0xffff, v15  }
0x9b: {  	v29 =	vadd.s32 v29, v34;
	v36 =	vsel vm0, $0x1, v1;
	[tilespmem:v28+s23+$0x0] =	vst.idx.add.f32.msk $0xffff, v26;
	v26 =	vsel vm1, $0x1, v1  }
0x9c: {  	v28 =	vcvt.s32.f32 v30;
	v29 =	vadd.s32 v36, v29;
	v15 =	vadd.f32 $1.000000000e+00, v35  }
0x9d: {  	v35 =	vmul.f32 $9.999999770e-03, v35;
	v12 =	vadd.s32 v12, v26;
	v26 =	vld [tilespmem:s31+$0x30];
	v29 =	vshll.u32 v29, $0x4  }
0x9e: {  	v27 =	vld [tilespmem:s2+$0x30];
	v48 =	vadd.f32 $1.000000000e+00, v28;
	v22 =	vor.u32 v3, v29;
	v29 =	vmul.f32 $9.999999770e-03, v31  }
0x9f: {  	v17 =	vmul.f32 $9.999999770e-03, v17;
	v28 =	vmul.f32 $9.999999770e-03, v28;
	vm1 =	vlt.f32 v35, v10;
	[tilespmem:v32+s21+$0x0] =	vst.idx.add.f32.msk $0xffff, v2  }
0xa0: {  	s5 =	sadd.s32 $0x80, s26;
	v15 =	vmul.f32 $9.999999770e-03, v15;
	[tilespmem:v32+s22+$0x0] =	vst.idx.add.f32.msk $0xffff, v13;
	v13 =	vmul.f32 $9.999999770e-03, v48;
	vm2 =	vlt.f32 v29, v6  }
0xa1: {  	v50 =	vld [tilespmem:s5+$0xFFFFFFE0];
	v29 =	vsel vm2, $0x1, v1;
	vm2 =	vlt.f32 v28, v11;
	v28 =	vmul.f32 $9.999999770e-03, v49  }
0xa2: {  	[tilespmem:v32+s23+$0x0] =	vst.idx.add.f32.msk $0xffff, v26;
	v12 =	vadd.s32 v29, v12;
	v29 =	vsel vm1, $0x1, v1;
	v26 =	vsel vm2, $0x1, v1  }
0xa3: {  	vm1 =	vlt.f32 v13, v11;
	vm2 =	vlt.f32 v17, v5;
	[tilespmem:v22+s18+$0x0] =	vst.idx.add.f32.msk $0xffff, v2;
	v12 =	vshll.u32 v12, $0x4  }
0xa4: {  	v13 =	vsel vm1, $0x1, v1;
	vm1 =	vlt.f32 v15, v10;
	v15 =	vsel vm2, $0x1, v1;
	[tilespmem:v22+s19+$0x0] =	vst.idx.add.f32.msk $0xffff, v16  }
0xa5: {  	vm2 =	vlt.f32 v28, v5;
	v16 =	vadd.s32 v30, v26;
	v26 =	vld [tilespmem:s31+$0xFFFFFFF0];
	v12 =	vor.u32 v3, v12  }
0xa6: {  	v15 =	vadd.s32 v9, v15;
	v13 =	vadd.s32 v13, v16;
	[tilespmem:v22+s20+$0x0] =	vst.idx.add.f32.msk $0xffff, v50;
	v22 =	vsel vm2, $0x1, v1  }
0xa7: {  	v25 =	vadd.f32 $1.000000000e+00, v25;
	v30 =	vld [tilespmem:s5+$0x0];
	v13 =	vshll.u32 v13, $0x4;
	v15 =	vadd.s32 v22, v15  }
0xa8: {  	v52 =	vmul.f32 $9.999999770e-03, v14;
	v16 =	vld [tilespmem:s5+$0x20];
	v13 =	vor.u32 v3, v13;
	v15 =	vshll.u32 v15, $0x4  }
0xa9: {  	v33 =	vtrunc.f32 v33;
	v31 =	vmul.f32 $1.000000000e+02, v27;
	v9 =	vld [tilespmem:s13+$0xFFFFFFF0];
	v15 =	vor.u32 v3, v15  }
0xaa: {  	vm0 =	vlt.f32 v47, v8;
	v25 =	vmul.f32 $9.999999770e-03, v25;
	v17 =	vcvt.f32.s32 v33;
	[tilespmem:v12+s21+$0x0] =	vst.idx.add.f32.msk $0xffff, v2  }
0xab: {  	v31 =	vtrunc.f32 v31;
	v28 =	vcvt.s32.f32 v18;
	v24 =	vadd.s32 v24, v29;
	[tilespmem:v12+s22+$0x0] =	vst.idx.add.f32.msk $0xffff, v6  }
0xac: {  	v53 =	vsel vm1, $0x1, v1;
	v22 =	vcvt.f32.s32 v31;
	v31 =	vcvt.s32.f32 v17;
	[tilespmem:v12+s23+$0x0] =	vst.idx.add.f32.msk $0xffff, v26  }
0xad: {  	v12 =	vadd.s32 v53, v24;
	v24 =	vsel vm0, $0x1, v1;
	vm0 =	vlt.f32 v25, v8;
	[tilespmem:v13+s18+$0x0] =	vst.idx.add.f32.msk $0xffff, v2  }
0xae: {  	v54 =	vcvt.s32.f32 v22;
	v26 =	vsel vm0, $0x1, v1;
	v20 =	vadd.s32 v20, v24;
	[tilespmem:v15+s18+$0x0] =	vst.idx.add.f32.msk $0xffff, v2  }
0xaf: {  	v55 =	vadd.f32 $1.000000000e+00, v31;
	v31 =	vmul.f32 $9.999999770e-03, v31;
	v20 =	vadd.s32 v26, v20;
	[tilespmem:v13+s19+$0x0] =	vst.idx.add.f32.msk $0xffff, v11  }
0xb0: {  	v6 =	vadd.f32 $1.000000000e+00, v54;
	[tilespmem:v15+s19+$0x0] =	vst.idx.add.f32.msk $0xffff, v5;
	v5 =	vshll.u32 v12, $0x4;
	v12 =	vshll.u32 v20, $0x4  }
0xb1: {  	v29 =	vmul.f32 $9.999999770e-03, v54;
	v24 =	vmul.f32 $9.999999770e-03, v55;
	[tilespmem:v13+s20+$0x0] =	vst.idx.add.f32.msk $0xffff, v30;
	v12 =	vor.u32 v3, v12  }
0xb2: {  	v25 =	vmul.f32 $1.000000000e+02, v9;
	vm0 =	vlt.f32 v31, v23;
	[tilespmem:v15+s20+$0x0] =	vst.idx.add.f32.msk $0xffff, v21;
	v5 =	vor.u32 v3, v5  }
0xb3: {  	v6 =	vmul.f32 $9.999999770e-03, v6;
	v15 =	vsel vm0, $0x1, v1;
	vm0 =	vlt.f32 v24, v23;
	v20 =	vld [tilespmem:s2+$0xFFFFFFD0]  }
0xb4: {  	v25 =	vtrunc.f32 v25;
	v21 =	vld [tilespmem:s31+$0xFFFFFFD0];
	v24 =	vsel vm0, $0x1, v1;
	v15 =	vadd.s32 v17, v15  }
0xb5: {  	vm1 =	vlt.f32 v29, v27;
	v13 =	vcvt.f32.s32 v25;
	v11 =	vadd.s32 v24, v15;
	v15 =	vld [tilespmem:s13+$0x10]  }
0xb6: {  	v25 =	vmul.f32 $9.999999770e-03, v28;
	v17 =	vsel vm1, $0x1, v1;
	vm0 =	vlt.f32 v6, v27;
	[tilespmem:v12+s18+$0x0] =	vst.idx.add.f32.msk $0xffff, v2  }
0xb7: {  	v6 =	vadd.s32 v22, v17;
	v17 =	vadd.f32 $1.000000000e+00, v28;
	v24 =	vsel vm0, $0x1, v1;
	[tilespmem:v5+s21+$0x0] =	vst.idx.add.f32.msk $0xffff, v2  }
0xb8: {  	vm0 =	vlt.f32 v25, v7;
	v11 =	vshll.u32 v11, $0x4;
	v22 =	vmul.f32 $1.000000000e+02, v20;
	[tilespmem:v12+s19+$0x0] =	vst.idx.add.f32.msk $0xffff, v8  }
0xb9: {  	v6 =	vadd.s32 v24, v6;
	v11 =	vor.u32 v3, v11;
	v8 =	vmul.f32 $9.999999770e-03, v17;
	[tilespmem:v5+s22+$0x0] =	vst.idx.add.f32.msk $0xffff, v10  }
0xba: {  	v6 =	vshll.u32 v6, $0x4;
	v10 =	vadd.f32 $1.000000000e+00, v14;
	[tilespmem:v12+s20+$0x0] =	vst.idx.add.f32.msk $0xffff, v16;
	v17 =	vtrunc.f32 v22  }
0xbb: {  	v16 =	vld [tilespmem:s13+$0x30];
	v12 =	vcvt.f32.s32 v17;
	v17 =	vsel vm0, $0x1, v1;
	vm0 =	vlt.f32 v8, v7  }
0xbc: {  	v51 =	vld [tilespmem:s0+$0x10];
	v8 =	vmul.f32 $1.000000000e+02, v15;
	v22 =	vsel vm0, $0x1, v1;
	v17 =	vadd.s32 v18, v17  }
0xbd: {  	[tilespmem:v5+s23+$0x0] =	vst.idx.add.f32.msk $0xffff, v21;
	v5 =	vor.u32 v3, v6;
	v10 =	vmul.f32 $9.999999770e-03, v10;
	v17 =	vadd.s32 v22, v17  }
0xbe: {  	v14 =	vcvt.s32.f32 v12;
	v6 =	vtrunc.f32 v8;
	v8 =	vshll.u32 v17, $0x4  }
0xbf: {  	[tilespmem:v11+s21+$0x0] =	vst.idx.add.f32.msk $0xffff, v2;
	vm0 =	vlt.f32 v52, v4;
	v6 =	vcvt.f32.s32 v6;
	v8 =	vor.u32 v3, v8  }
0xc0: {  	[tilespmem:v11+s22+$0x0] =	vst.idx.add.f32.msk $0xffff, v23;
	v21 =	vsel vm0, $0x1, v1;
	v18 =	vmul.f32 $9.999999770e-03, v14;
	v22 =	vmul.f32 $1.000000000e+02, v16  }
0xc1: {  	vm1 =	vlt.f32 v10, v4;
	v17 =	vld [tilespmem:s5+$0xFFFFFFC0];
	v19 =	vadd.s32 v19, v21;
	v14 =	vadd.f32 $1.000000000e+00, v14  }
0xc2: {  	[tilespmem:v11+s23+$0x0] =	vst.idx.add.f32.msk $0xffff, v51;
	v21 =	vcvt.s32.f32 v6;
	vm0 =	vlt.f32 v18, v20;
	v10 =	vtrunc.f32 v22  }
0xc3: {  	v11 =	vld [tilespmem:s0+$0x30];
	v18 =	vsel vm1, $0x1, v1;
	v14 =	vmul.f32 $9.999999770e-03, v14;
	v10 =	vcvt.f32.s32 v10  }
0xc4: {  	v18 =	vadd.s32 v18, v19;
	v19 =	vsel vm0, $0x1, v1;
	v22 =	vadd.f32 $1.000000000e+00, v21;
	[tilespmem:v8+s18+$0x0] =	vst.idx.add.f32.msk $0xffff, v2  }
0xc5: {  	v18 =	vshll.u32 v18, $0x4;
	vm0 =	vlt.f32 v14, v20;
	v23 =	vcvt.s32.f32 v10;
	[tilespmem:v8+s19+$0x0] =	vst.idx.add.f32.msk $0xffff, v7  }
0xc6: {  	v14 =	vmul.f32 $9.999999770e-03, v21;
	v12 =	vadd.s32 v12, v19;
	v7 =	vor.u32 v3, v18;
	[tilespmem:v8+s20+$0x0] =	vst.idx.add.f32.msk $0xffff, v17  }
0xc7: {  	v18 =	vmul.f32 $9.999999770e-03, v22;
	v8 =	vsel vm0, $0x1, v1;
	v17 =	vadd.f32 $1.000000000e+00, v23;
	v21 =	vld [tilespmem:s13+$0xFFFFFFD0]  }
0xc8: {  	[tilespmem:v5+s21+$0x0] =	vst.idx.add.f32.msk $0xffff, v2;
	v19 =	vmul.f32 $9.999999770e-03, v23;
	vm0 =	vlt.f32 v14, v15;
	v8 =	vadd.s32 v8, v12  }
0xc9: {  	[tilespmem:v5+s22+$0x0] =	vst.idx.add.f32.msk $0xffff, v27;
	v12 =	vsel vm0, $0x1, v1;
	vm0 =	vlt.f32 v18, v15;
	v14 =	vmul.f32 $9.999999770e-03, v17  }
0xca: {  	[tilespmem:v5+s23+$0x0] =	vst.idx.add.f32.msk $0xffff, v11;
	v17 =	vsel vm0, $0x1, v1;
	v6 =	vadd.s32 v6, v12;
	v5 =	vshll.u32 v8, $0x4  }
0xcb: {  	v22 =	vld [tilespmem:s0+$0xFFFFFFF0];
	vm0 =	vlt.f32 v19, v16;
	v12 =	vcvt.s32.f32 v13;
	v6 =	vadd.s32 v17, v6  }
0xcc: {  	v18 =	vld [tilespmem:s0+$0xFFFFFFD0];
	v5 =	vor.u32 v3, v5;
	v17 =	vsel vm0, $0x1, v1;
	v11 =	vmul.f32 $1.000000000e+02, v21  }
0xcd: {  	v8 =	vld [tilespmem:s5+$0x10];
	v6 =	vshll.u32 v6, $0x4;
	vm0 =	vlt.f32 v14, v16;
	v10 =	vadd.s32 v10, v17  }
0xce: {  	[tilespmem:v7+s21+$0x0] =	vst.idx.add.f32.msk $0xffff, v2;
	v14 =	vadd.f32 $1.000000000e+00, v12;
	v12 =	vmul.f32 $9.999999770e-03, v12;
	v11 =	vtrunc.f32 v11  }
0xcf: {  	v6 =	vor.u32 v3, v6;
	[tilespmem:v7+s22+$0x0] =	vst.idx.add.f32.msk $0xffff, v4;
	v4 =	vsel vm0, $0x1, v1;
	v11 =	vcvt.f32.s32 v11  }
0xd0: {  	[tilespmem:v7+s23+$0x0] =	vst.idx.add.f32.msk $0xffff, v22;
	v4 =	vadd.s32 v4, v10  }
0xd1: {  	v10 =	vmul.f32 $9.999999770e-03, v14;
	vm0 =	vlt.f32 v12, v9;
	[tilespmem:v5+s21+$0x0] =	vst.idx.add.f32.msk $0xffff, v2;
	v7 =	vcvt.s32.f32 v11  }
0xd2: {  	v4 =	vshll.u32 v4, $0x4;
	v12 =	vsel vm0, $0x1, v1;
	[tilespmem:v5+s22+$0x0] =	vst.idx.add.f32.msk $0xffff, v20  }
0xd3: {  	v4 =	vor.u32 v3, v4;
	vm0 =	vlt.f32 v10, v9;
	[tilespmem:v5+s23+$0x0] =	vst.idx.add.f32.msk $0xffff, v18;
	v5 =	vadd.f32 $1.000000000e+00, v7  }
0xd4: {  	v10 =	vadd.s32 v13, v12;
	v12 =	vsel vm0, $0x1, v1;
	[tilespmem:v6+s21+$0x0] =	vst.idx.add.f32.msk $0xffff, v2;
	v7 =	vmul.f32 $9.999999770e-03, v7  }
0xd5: {  	v10 =	vadd.s32 v12, v10;
	v12 =	vld [tilespmem:s5+$0x30];
	v5 =	vmul.f32 $9.999999770e-03, v5  }
0xd6: {  	[tilespmem:v6+s22+$0x0] =	vst.idx.add.f32.msk $0xffff, v15;
	vm0 =	vlt.f32 v7, v21  }
0xd7: {  	[tilespmem:v6+s23+$0x0] =	vst.idx.add.f32.msk $0xffff, v8;
	v7 =	vshll.u32 v10, $0x4;
	v6 =	vsel vm0, $0x1, v1;
	vm0 =	vlt.f32 v5, v21  }
0xd8: {  	[tilespmem:v4+s21+$0x0] =	vst.idx.add.f32.msk $0xffff, v2;
	v5 =	vor.u32 v3, v7;
	v6 =	vadd.s32 v11, v6;
	v8 =	vsel vm0, $0x1, v1  }
0xd9: {  	[tilespmem:v4+s22+$0x0] =	vst.idx.add.f32.msk $0xffff, v16;
	v6 =	vadd.s32 v8, v6  }
0xda: {  	v7 =	vld [tilespmem:s5+$0xFFFFFFF0];
	v6 =	vshll.u32 v6, $0x4  }
0xdb: {  	[tilespmem:v4+s23+$0x0] =	vst.idx.add.f32.msk $0xffff, v12;
	v4 =	vor.u32 v3, v6  }
0xdc: {  	v6 =	vld [tilespmem:s5+$0xFFFFFFD0]  }
0xdd: {  	[tilespmem:v5+s21+$0x0] =	vst.idx.add.f32.msk $0xffff, v2  }
0xde: {  	[tilespmem:v5+s22+$0x0] =	vst.idx.add.f32.msk $0xffff, v9  }
0xdf: {  	p0 =	seq.s32 s30, $0xF;
	s31 =	sshll.u32 s30, $0xF;
	[tilespmem:v5+s23+$0x0] =	vst.idx.add.f32.msk $0xffff, v7  }
0xe0: {  	s0 =	sadd.s32 @!p0 s31, s9;
	[tilespmem:v4+s21+$0x0] =	vst.idx.add.f32.msk $0xffff, v2  }
0xe1: {  	s0 =	sshrl.u32 @!p0 s0, $0x3;
	[tilespmem:v4+s22+$0x0] =	vst.idx.add.f32.msk $0xffff, v21  }
0xe2: {  	s2 =	sadd.s32 @!p0 s1, s0;
	s5 =	simm.s32 @!p0 $0x0;
	[tilespmem:v4+s23+$0x0] =	vst.idx.add.f32.msk $0xffff, v6  }
0xe3: {  	[tilespmem:s5], [sflag:$0x1] =	stream.linear.gather @!p0 [hbm4b:s2+s5], $0x4000, $0x38;
	[tilespmem:$0x12B80] =	vst v63  }
0xe4: {  	s0 =	sadd.s32 @!p0 s3, s0;
	s2 =	simm.s32 @!p0 $0x8000  }
0xe5: {  	[tilespmem:s2], [sflag:$0x3] =	stream.linear.gather @!p0 [hbm4b:s0+s5], $0x4000, $0x38;
	[tilespmem:$0x12B80] =	vst v63  }
0xe6: {  	_ =	swait.ge [sflag:s24], $0x4000  }
0xe7: {  	[sflag:s24] =	ssyncset.done $0x0  }
0xe8: {  	[sflag:s24] =	ssyncadd.s32 $0xFFFFC000  }
0xe9: {  	_ =	swait.ge [sflag:s25], $0x4000  }
0xea: {  	[sflag:s25] =	ssyncset.done $0x0  }
0xeb: {  	s7 =	simm.s32 $0x4040;
	[sflag:s25] =	ssyncadd.s32 $0xFFFFC000  }
0xec: {  	v4 =	vld [tilespmem:s7+$0xFFFFFFE0];
	_ =	sdelay $0x4  }
0xed: {  	v5 =	vmul.f32 $1.000000000e+02, v4;
	_ =	sdelay $0x1  }
0xee: {  	v5 =	vtrunc.f32 v5  }
0xef: {  	v5 =	vcvt.f32.s32 v5  }
0xf0: {  	v7 =	vld [tilespmem:s7+$0x0]  }
0xf1: {  	v6 =	vcvt.s32.f32 v5;
	_ =	sdelay $0x1  }
0xf2: {  	v8 =	vadd.f32 $1.000000000e+00, v6  }
0xf3: {  	v9 =	vld [tilespmem:s7+$0x20];
	v6 =	vmul.f32 $9.999999770e-03, v6  }
0xf4: {  	v10 =	vmul.f32 $1.000000000e+02, v7;
	v8 =	vmul.f32 $9.999999770e-03, v8  }
0xf5: {  	vm0 =	vlt.f32 v6, v4  }
0xf6: {  	v6 =	vtrunc.f32 v10;
	v10 =	vsel vm0, $0x1, v1;
	vm0 =	vlt.f32 v8, v4  }
0xf7: {  	v6 =	vcvt.f32.s32 v6;
	v5 =	vadd.s32 v5, v10;
	v8 =	vsel vm0, $0x1, v1  }
0xf8: {  	v5 =	vadd.s32 v8, v5;
	v8 =	vmul.f32 $1.000000000e+02, v9  }
0xf9: {  	v10 =	vcvt.s32.f32 v6;
	v5 =	vshll.u32 v5, $0x4  }
0xfa: {  	s2 =	simm.s32 $0xC040;
	v5 =	vor.u32 v3, v5;
	v8 =	vtrunc.f32 v8  }
0xfb: {  	s0 =	simm.s32 $0x40C0;
	v12 =	vld [tilespmem:s2+$0xFFFFFFE0];
	v11 =	vadd.f32 $1.000000000e+00, v10;
	v8 =	vcvt.f32.s32 v8  }
0xfc: {  	v16 =	vld [tilespmem:s0+$0xFFFFFFE0];
	v13 =	vmul.f32 $9.999999770e-03, v10  }
0xfd: {  	v18 =	vld [tilespmem:s0+$0x0];
	v11 =	vmul.f32 $9.999999770e-03, v11;
	v14 =	vcvt.s32.f32 v8  }
0xfe: {  	v10 =	vld [tilespmem:s7+$0xFFFFFFC0];
	vm0 =	vlt.f32 v13, v7  }
0xff: {  	v13 =	vsel vm0, $0x1, v1;
	vm0 =	vlt.f32 v11, v7;
	[tilespmem:v5+s18+$0x0] =	vst.idx.add.f32.msk $0xffff, v2;
	v11 =	vadd.f32 $1.000000000e+00, v14  }
0x100: {  	v6 =	vadd.s32 v6, v13;
	v13 =	vmul.f32 $9.999999770e-03, v14;
	[tilespmem:v5+s19+$0x0] =	vst.idx.add.f32.msk $0xffff, v4;
	v4 =	vsel vm0, $0x1, v1  }
0x101: {  	[tilespmem:v5+s20+$0x0] =	vst.idx.add.f32.msk $0xffff, v12;
	v4 =	vadd.s32 v4, v6;
	v5 =	vmul.f32 $9.999999770e-03, v11  }
0x102: {  	v14 =	vld [tilespmem:s0+$0x20];
	vm0 =	vlt.f32 v13, v9;
	v13 =	vmul.f32 $1.000000000e+02, v16;
	v4 =	vshll.u32 v4, $0x4  }
0x103: {  	v6 =	vld [tilespmem:s7+$0xFFFFFFF0];
	v12 =	vsel vm0, $0x1, v1;
	v4 =	vor.u32 v3, v4;
	vm0 =	vlt.f32 v5, v9  }
0x104: {  	v11 =	vmul.f32 $1.000000000e+02, v10;
	v5 =	vld [tilespmem:s0+$0xFFFFFFC0];
	v8 =	vadd.s32 v8, v12;
	v15 =	vsel vm0, $0x1, v1  }
0x105: {  	v20 =	vmul.f32 $1.000000000e+02, v18;
	v12 =	vld [tilespmem:s2+$0x0];
	v13 =	vtrunc.f32 v13;
	v8 =	vadd.s32 v15, v8  }
0x106: {  	v11 =	vtrunc.f32 v11;
	v13 =	vcvt.f32.s32 v13;
	v8 =	vshll.u32 v8, $0x4  }
0x107: {  	v17 =	vld [tilespmem:s2+$0x20];
	v20 =	vtrunc.f32 v20;
	v11 =	vcvt.f32.s32 v11;
	v8 =	vor.u32 v3, v8  }
0x108: {  	v21 =	vcvt.s32.f32 v13;
	v15 =	vmul.f32 $1.000000000e+02, v6;
	[tilespmem:v4+s18+$0x0] =	vst.idx.add.f32.msk $0xffff, v2  }
0x109: {  	v23 =	vmul.f32 $1.000000000e+02, v14;
	v19 =	vcvt.s32.f32 v11;
	[tilespmem:v4+s19+$0x0] =	vst.idx.add.f32.msk $0xffff, v7  }
0x10a: {  	v22 =	vmul.f32 $1.000000000e+02, v5;
	v7 =	vtrunc.f32 v15;
	[tilespmem:v4+s20+$0x0] =	vst.idx.add.f32.msk $0xffff, v12;
	v4 =	vadd.f32 $1.000000000e+00, v21  }
0x10b: {  	v12 =	vcvt.f32.s32 v7;
	v7 =	vmul.f32 $9.999999770e-03, v21  }
0x10c: {  	v21 =	vtrunc.f32 v23;
	[tilespmem:v8+s18+$0x0] =	vst.idx.add.f32.msk $0xffff, v2;
	v4 =	vmul.f32 $9.999999770e-03, v4  }
0x10d: {  	v26 =	vadd.f32 $1.000000000e+00, v19;
	v21 =	vcvt.f32.s32 v21;
	vm0 =	vlt.f32 v7, v16;
	[tilespmem:v8+s19+$0x0] =	vst.idx.add.f32.msk $0xffff, v9  }
0x10e: {  	v7 =	vcvt.f32.s32 v20;
	[tilespmem:v8+s20+$0x0] =	vst.idx.add.f32.msk $0xffff, v17;
	v8 =	vsel vm0, $0x1, v1;
	vm0 =	vlt.f32 v4, v16  }
0x10f: {  	v22 =	vtrunc.f32 v22;
	v4 =	vsel vm0, $0x1, v1;
	v8 =	vadd.s32 v13, v8;
	v13 =	vld [tilespmem:s7+$0x30]  }
0x110: {  	v15 =	vld [tilespmem:s7+$0x10];
	v20 =	vcvt.s32.f32 v21;
	v4 =	vadd.s32 v4, v8;
	v8 =	vcvt.s32.f32 v7  }
0x111: {  	v19 =	vmul.f32 $9.999999770e-03, v19;
	v9 =	vcvt.f32.s32 v22;
	v4 =	vshll.u32 v4, $0x4  }
0x112: {  	v22 =	vmul.f32 $9.999999770e-03, v20;
	v4 =	vor.u32 v3, v4;
	v23 =	vadd.f32 $1.000000000e+00, v8  }
0x113: {  	s5 =	simm.s32 $0xC0C0;
	v24 =	vcvt.s32.f32 v12;
	v20 =	vadd.f32 $1.000000000e+00, v20;
	v8 =	vmul.f32 $9.999999770e-03, v8  }
0x114: {  	v25 =	vld [tilespmem:s5+$0xFFFFFFE0];
	vm0 =	vlt.f32 v22, v14;
	v22 =	vmul.f32 $1.000000000e+02, v13;
	v23 =	vmul.f32 $9.999999770e-03, v23  }
0x115: {  	v17 =	vmul.f32 $1.000000000e+02, v15;
	v20 =	vmul.f32 $9.999999770e-03, v20;
	vm1 =	vlt.f32 v8, v18  }
0x116: {  	v8 =	vtrunc.f32 v22;
	v22 =	vsel vm1, $0x1, v1;
	vm1 =	vlt.f32 v23, v18  }
0x117: {  	v17 =	vtrunc.f32 v17;
	v23 =	vmul.f32 $9.999999770e-03, v26;
	[tilespmem:v4+s18+$0x0] =	vst.idx.add.f32.msk $0xffff, v2;
	v26 =	vsel vm1, $0x1, v1  }
0x118: {  	v7 =	vadd.s32 v7, v22;
	vm1 =	vlt.f32 v19, v10;
	v19 =	vcvt.f32.s32 v17;
	[tilespmem:v4+s19+$0x0] =	vst.idx.add.f32.msk $0xffff, v16  }
0x119: {  	v16 =	vsel vm1, $0x1, v1;
	vm1 =	vlt.f32 v23, v10;
	v23 =	vcvt.f32.s32 v8;
	[tilespmem:v4+s20+$0x0] =	vst.idx.add.f32.msk $0xffff, v25  }
0x11a: {  	s6 =	simm.s32 $0x4140;
	v7 =	vadd.s32 v26, v7;
	v22 =	vsel vm1, $0x1, v1;
	v8 =	vadd.s32 v11, v16;
	v25 =	vld [tilespmem:s2+$0xFFFFFFC0]  }
0x11b: {  	v7 =	vshll.u32 v7, $0x4;
	v11 =	vcvt.s32.f32 v19;
	v16 =	vld [tilespmem:s6+$0xFFFFFFE0];
	v26 =	vcvt.s32.f32 v23  }
0x11c: {  	v17 =	vcvt.s32.f32 v9;
	v4 =	vld [tilespmem:s0+$0xFFFFFFF0];
	v8 =	vadd.s32 v22, v8;
	v27 =	vor.u32 v3, v7  }
0x11d: {  	v7 =	vld [tilespmem:s6+$0xFFFFFFC0];
	v8 =	vshll.u32 v8, $0x4;
	v29 =	vmul.f32 $9.999999770e-03, v11;
	v30 =	vadd.f32 $1.000000000e+00, v26  }
0x11e: {  	v31 =	vadd.f32 $1.000000000e+00, v11;
	v11 =	vld [tilespmem:s6+$0x0];
	v28 =	vor.u32 v3, v8;
	v26 =	vmul.f32 $9.999999770e-03, v26  }
0x11f: {  	v22 =	vmul.f32 $9.999999770e-03, v24;
	v8 =	vld [tilespmem:s6+$0x20];
	v57 =	vmul.f32 $9.999999770e-03, v30  }
0x120: {  	v30 =	vsel vm0, $0x1, v1;
	vm0 =	vlt.f32 v20, v14;
	v20 =	vld [tilespmem:s5+$0x0];
	vm1 =	vlt.f32 v26, v13  }
0x121: {  	v56 =	vmul.f32 $1.000000000e+02, v4;
	v26 =	vsel vm0, $0x1, v1;
	v21 =	vadd.s32 v21, v30;
	[tilespmem:v27+s18+$0x0] =	vst.idx.add.f32.msk $0xffff, v2  }
0x122: {  	vm0 =	vlt.f32 v29, v15;
	v58 =	vsel vm1, $0x1, v1;
	v21 =	vadd.s32 v26, v21;
	[tilespmem:v27+s19+$0x0] =	vst.idx.add.f32.msk $0xffff, v18  }
0x123: {  	v26 =	vmul.f32 $9.999999770e-03, v31;
	v29 =	vsel vm0, $0x1, v1;
	v31 =	vmul.f32 $1.000000000e+02, v7;
	[tilespmem:v28+s18+$0x0] =	vst.idx.add.f32.msk $0xffff, v2  }
0x124: {  	v18 =	vadd.s32 v23, v58;
	v59 =	vmul.f32 $1.000000000e+02, v8;
	v32 =	vtrunc.f32 v56;
	[tilespmem:v28+s19+$0x0] =	vst.idx.add.f32.msk $0xffff, v10  }
0x125: {  	v19 =	vadd.s32 v19, v29;
	v21 =	vshll.u32 v21, $0x4;
	vm0 =	vlt.f32 v26, v15;
	[tilespmem:v28+s20+$0x0] =	vst.idx.add.f32.msk $0xffff, v25  }
0x126: {  	v21 =	vor.u32 v3, v21;
	v25 =	vmul.f32 $1.000000000e+02, v11;
	v28 =	vmul.f32 $1.000000000e+02, v16;
	[tilespmem:v27+s20+$0x0] =	vst.idx.add.f32.msk $0xffff, v20  }
0x127: {  	v26 =	vsel vm0, $0x1, v1;
	vm0 =	vlt.f32 v57, v13;
	v20 =	vtrunc.f32 v31;
	v10 =	vld [tilespmem:s7+$0xFFFFFFD0]  }
0x128: {  	v61 =	vtrunc.f32 v59;
	v19 =	vadd.s32 v26, v19;
	v29 =	vtrunc.f32 v28  }
0x129: {  	v60 =	vld [tilespmem:s5+$0x20];
	v27 =	vsel vm0, $0x1, v1;
	v30 =	vtrunc.f32 v25;
	v29 =	vcvt.f32.s32 v29  }
0x12a: {  	v26 =	vld [tilespmem:s2+$0x10];
	v25 =	vshll.u32 v19, $0x4;
	v19 =	vcvt.f32.s32 v32;
	v27 =	vadd.s32 v27, v18  }
0x12b: {  	v23 =	vld [tilespmem:s0+$0x10];
	v18 =	vcvt.f32.s32 v20;
	v28 =	vor.u32 v3, v25;
	v31 =	vcvt.s32.f32 v29  }
0x12c: {  	v20 =	vcvt.f32.s32 v61;
	v32 =	vshll.u32 v27, $0x4;
	[tilespmem:v21+s18+$0x0] =	vst.idx.add.f32.msk $0xffff, v2;
	v25 =	vmul.f32 $1.000000000e+02, v10  }
0x12d: {  	[tilespmem:v21+s19+$0x0] =	vst.idx.add.f32.msk $0xffff, v14;
	v14 =	vcvt.s32.f32 v19;
	v27 =	vmul.f32 $9.999999770e-03, v31;
	v62 =	vadd.f32 $1.000000000e+00, v31  }
0x12e: {  	[tilespmem:v21+s20+$0x0] =	vst.idx.add.f32.msk $0xffff, v60;
	v31 =	vadd.f32 $1.000000000e+00, v24;
	v63 =	vtrunc.f32 v25;
	v25 =	vcvt.s32.f32 v20  }
0x12f: {  	s26 =	simm.s32 $0x4140;
	s13 =	simm.s32 $0xC0C0;
	s7 =	simm.s32 $0x10;
	v21 =	vld [tilespmem:s5+$0xFFFFFFC0];
	vm0 =	vlt.f32 v27, v16;
	v27 =	vmul.f32 $9.999999770e-03, v62;
	v24 =	vcvt.f32.s32 v63  }
.LBB2_7:
0x130: {  	s7 =	sadd.s32 $0x8, s7;
	v30 =	vcvt.f32.s32 v30;
	v33 =	vmul.f32 $1.000000000e+02, v23;
	s5 =	sadd.s32 $0x80, s5;
	[tilespmem:v28+s21+$0x0] =	vst.idx.add.f32.msk $0xffff, v2;
	v32 =	vor.u32 v3, v32  }
0x131: {  	v34 =	vsel vm0, $0x1, v1;
	p1 =	slt.u32 s7, $0x3F8;
	vm0 =	vlt.f32 v27, v16;
	v27 =	vcvt.s32.f32 v24;
	[tilespmem:v28+s22+$0x0] =	vst.idx.add.f32.msk $0xffff, v15;
	v15 =	vmovc v23  }
0x132: {  	v29 =	vadd.s32 v29, v34;
	v23 =	vsel vm0, $0x1, v1;
	v33 =	vtrunc.f32 v33;
	v34 =	vld [tilespmem:s0+$0x30]  }
0x133: {  	s6 =	sadd.s32 $0x80, s6;
	v23 =	vadd.s32 v23, v29;
	v29 =	vmul.f32 $9.999999770e-03, v25;
	v35 =	vadd.f32 $1.000000000e+00, v27;
	[tilespmem:v28+s23+$0x0] =	vst.idx.add.f32.msk $0xffff, v26  }
0x134: {  	vm1 =	vlt.f32 v22, v6;
	v27 =	vmul.f32 $9.999999770e-03, v27;
	v26 =	vld [tilespmem:s6+$0xFFFFFFE0];
	v23 =	vshll.u32 v23, $0x4  }
0x135: {  	v28 =	vsel vm1, $0x1, v1;
	v22 =	vor.u32 v3, v23;
	vm0 =	vlt.f32 v29, v8;
	v23 =	vld [tilespmem:s2+$0xFFFFFFF0]  }
0x136: {  	v31 =	vmul.f32 $9.999999770e-03, v31;
	v28 =	vadd.s32 v12, v28;
	v12 =	vmovc v19;
	v29 =	vcvt.s32.f32 v30;
	v36 =	vld [tilespmem:s2+$0x30]  }
0x137: {  	vm1 =	vlt.f32 v27, v10;
	v27 =	vmul.f32 $9.999999770e-03, v35;
	v19 =	vmul.f32 $1.000000000e+02, v34;
	[tilespmem:v32+s21+$0x0] =	vst.idx.add.f32.msk $0xffff, v2  }
0x138: {  	v38 =	vadd.f32 $1.000000000e+00, v17;
	vm2 =	vlt.f32 v31, v6;
	v37 =	vadd.f32 $1.000000000e+00, v29;
	v35 =	vld [tilespmem:s5+$0xFFFFFFE0]  }
0x139: {  	v17 =	vmul.f32 $9.999999770e-03, v17;
	v31 =	vsel vm2, $0x1, v1;
	v29 =	vmul.f32 $9.999999770e-03, v29;
	[tilespmem:v32+s22+$0x0] =	vst.idx.add.f32.msk $0xffff, v13;
	v13 =	vmovc v34  }
0x13a: {  	v28 =	vadd.s32 v31, v28;
	v34 =	vmul.f32 $9.999999770e-03, v37;
	v19 =	vtrunc.f32 v19;
	[tilespmem:v22+s18+$0x0] =	vst.idx.add.f32.msk $0xffff, v2  }
0x13b: {  	v31 =	vsel vm1, $0x1, v1;
	vm2 =	vlt.f32 v29, v11;
	v29 =	vmul.f32 $9.999999770e-03, v38;
	[tilespmem:v32+s23+$0x0] =	vst.idx.add.f32.msk $0xffff, v36  }
0x13c: {  	v28 =	vshll.u32 v28, $0x4;
	v32 =	vsel vm2, $0x1, v1;
	vm1 =	vlt.f32 v34, v11;
	[tilespmem:v22+s19+$0x0] =	vst.idx.add.f32.msk $0xffff, v16;
	v16 =	vmovc v26  }
0x13d: {  	v26 =	vadd.s32 v30, v32;
	[tilespmem:v22+s20+$0x0] =	vst.idx.add.f32.msk $0xffff, v35;
	v22 =	vsel vm1, $0x1, v1;
	vm1 =	vlt.f32 v27, v10  }
0x13e: {  	vm2 =	vlt.f32 v17, v5;
	v30 =	vcvt.f32.s32 v33;
	v22 =	vadd.s32 v22, v26;
	v27 =	vld [tilespmem:s5+$0x20]  }
0x13f: {  	v17 =	vcvt.s32.f32 v18;
	v26 =	vsel vm2, $0x1, v1;
	v32 =	vld [tilespmem:s6+$0x0];
	v22 =	vshll.u32 v22, $0x4  }
0x140: {  	v28 =	vor.u32 v3, v28;
	vm2 =	vlt.f32 v29, v5;
	v33 =	vld [tilespmem:s26+$0xFFFFFFF0];
	v34 =	vor.u32 v3, v22  }
0x141: {  	v37 =	vcvt.f32.s32 v19;
	v36 =	vcvt.s32.f32 v30;
	v29 =	vsel vm2, $0x1, v1;
	v35 =	vld [tilespmem:s6+$0x20]  }
0x142: {  	v38 =	vsel vm1, $0x1, v1;
	v26 =	vadd.s32 v9, v26;
	v9 =	vmovc v18;
	v22 =	vmul.f32 $9.999999770e-03, v14;
	v19 =	vld [tilespmem:s6+$0xFFFFFFC0]  }
0x143: {  	v39 =	vcvt.s32.f32 v37;
	v26 =	vadd.s32 v29, v26;
	v29 =	vadd.f32 $1.000000000e+00, v36;
	v18 =	vld [tilespmem:s5+$0x0]  }
0x144: {  	v25 =	vadd.f32 $1.000000000e+00, v25;
	v36 =	vmul.f32 $9.999999770e-03, v36;
	v40 =	vshll.u32 v26, $0x4;
	v26 =	vld [tilespmem:s13+$0x10]  }
0x145: {  	v24 =	vadd.s32 v24, v31;
	v41 =	vadd.f32 $1.000000000e+00, v39;
	v40 =	vor.u32 v3, v40;
	[tilespmem:v28+s21+$0x0] =	vst.idx.add.f32.msk $0xffff, v2  }
0x146: {  	v25 =	vmul.f32 $9.999999770e-03, v25;
	v31 =	vmul.f32 $9.999999770e-03, v39;
	v24 =	vadd.s32 v38, v24;
	[tilespmem:v28+s22+$0x0] =	vst.idx.add.f32.msk $0xffff, v6;
	v6 =	vmovc v4  }
0x147: {  	v39 =	vmul.f32 $9.999999770e-03, v41;
	v24 =	vshll.u32 v24, $0x4;
	v38 =	vmul.f32 $1.000000000e+02, v33;
	v4 =	vmovc v33;
	[tilespmem:v28+s23+$0x0] =	vst.idx.add.f32.msk $0xffff, v23  }
0x148: {  	vm1 =	vlt.f32 v31, v13;
	v23 =	vsel vm0, $0x1, v1;
	vm0 =	vlt.f32 v25, v8;
	[tilespmem:v34+s18+$0x0] =	vst.idx.add.f32.msk $0xffff, v2  }
0x149: {  	v25 =	vsel vm0, $0x1, v1;
	v20 =	vadd.s32 v20, v23;
	vm0 =	vlt.f32 v36, v15;
	v23 =	vld [tilespmem:s2+$0xFFFFFFD0];
	s2 =	smov.u32 s13;
	s13 =	smov.u32 s5  }
0x14a: {  	v28 =	vmul.f32 $9.999999770e-03, v29;
	v20 =	vadd.s32 v25, v20;
	v25 =	vsel vm0, $0x1, v1;
	[tilespmem:v40+s18+$0x0] =	vst.idx.add.f32.msk $0xffff, v2  }
0x14b: {  	v24 =	vor.u32 v3, v24;
	v33 =	vsel vm1, $0x1, v1;
	v31 =	vmul.f32 $1.000000000e+02, v19;
	[tilespmem:v40+s19+$0x0] =	vst.idx.add.f32.msk $0xffff, v5;
	v5 =	vmovc v7  }
0x14c: {  	v29 =	vtrunc.f32 v38;
	v36 =	vmul.f32 $1.000000000e+02, v35;
	vm0 =	vlt.f32 v28, v15;
	v7 =	vmovc v19;
	[tilespmem:v40+s20+$0x0] =	vst.idx.add.f32.msk $0xffff, v21  }
0x14d: {  	v28 =	vsel vm0, $0x1, v1;
	v25 =	vadd.s32 v30, v25;
	v19 =	vmul.f32 $1.000000000e+02, v32;
	v21 =	vld [tilespmem:s0+$0xFFFFFFD0];
	s0 =	smov.u32 s26;
	s26 =	smov.u32 s6  }
0x14e: {  	v38 =	vmul.f32 $1.000000000e+02, v16;
	v20 =	vshll.u32 v20, $0x4;
	v25 =	vadd.s32 v28, v25;
	[tilespmem:v34+s19+$0x0] =	vst.idx.add.f32.msk $0xffff, v11;
	v11 =	vmovc v32  }
0x14f: {  	v30 =	vtrunc.f32 v19;
	[tilespmem:v34+s20+$0x0] =	vst.idx.add.f32.msk $0xffff, v18;
	v34 =	vor.u32 v3, v20;
	v18 =	vshll.u32 v25, $0x4  }
0x150: {  	v19 =	vcvt.f32.s32 v29;
	v20 =	vtrunc.f32 v38;
	v28 =	vor.u32 v3, v18;
	[tilespmem:v24+s21+$0x0] =	vst.idx.add.f32.msk $0xffff, v2  }
0x151: {  	vm0 =	vlt.f32 v39, v13;
	v29 =	vcvt.f32.s32 v20;
	v18 =	vadd.s32 v37, v33;
	[tilespmem:v24+s22+$0x0] =	vst.idx.add.f32.msk $0xffff, v10  }
0x152: {  	v20 =	vtrunc.f32 v31;
	v31 =	vsel vm0, $0x1, v1;
	v25 =	vmul.f32 $1.000000000e+02, v21;
	[tilespmem:v24+s23+$0x0] =	vst.idx.add.f32.msk $0xffff, v23;
	v10 =	vmovc v21  }
.Ltmp2:
0x153: {  	v31 =	vadd.s32 v31, v18;
	v21 =	vcvt.s32.f32 v29;
	v24 =	vtrunc.f32 v36;
	v23 =	vld [tilespmem:s0+$0x10];
	(pc) =	sbr.rel @p1 .LBB2_7-.Ltmp2, $4  }
0x154: {  	v18 =	vcvt.f32.s32 v20;
	v32 =	vshll.u32 v31, $0x4;
	v20 =	vcvt.f32.s32 v24;
	[tilespmem:v34+s18+$0x0] =	vst.idx.add.f32.msk $0xffff, v2  }
0x155: {  	v24 =	vmul.f32 $9.999999770e-03, v21;
	v21 =	vadd.f32 $1.000000000e+00, v21;
	v33 =	vtrunc.f32 v25;
	[tilespmem:v34+s19+$0x0] =	vst.idx.add.f32.msk $0xffff, v8;
	v8 =	vmovc v35  }
0x156: {  	v31 =	vadd.f32 $1.000000000e+00, v14;
	v14 =	vcvt.s32.f32 v19;
	v25 =	vcvt.s32.f32 v20;
	[tilespmem:v34+s20+$0x0] =	vst.idx.add.f32.msk $0xffff, v27  }
0x157: {  	vm0 =	vlt.f32 v24, v16;
	v27 =	vmul.f32 $9.999999770e-03, v21;
	v24 =	vcvt.f32.s32 v33;
	v21 =	vld [tilespmem:s5+$0xFFFFFFC0]  }
0x158: {  	_ =	sdelay $0x1  }
0x159: {  	v30 =	vcvt.f32.s32 v30;
	v33 =	vmul.f32 $1.000000000e+02, v23  }
0x15a: {  	v32 =	vor.u32 v3, v32;
	v34 =	vsel vm0, $0x1, v1;
	v59 =	vmul.f32 $9.999999770e-03, v25  }
0x15b: {  	[tilespmem:v28+s21+$0x0] =	vst.idx.add.f32.msk $0xffff, v2;
	vm1 =	vlt.f32 v22, v6;
	v40 =	vmul.f32 $9.999999770e-03, v31;
	v44 =	vadd.f32 $1.000000000e+00, v17  }
0x15c: {  	v41 =	vld [tilespmem:s2+$0x30];
	v46 =	vmul.f32 $9.999999770e-03, v17;
	vm13 =	vlt.f32 v27, v16;
	v35 =	vcvt.s32.f32 v24  }
0x15d: {  	v52 =	vld [tilespmem:s2+$0xFFFFFFF0];
	v29 =	vadd.s32 v29, v34;
	v62 =	vsel vm1, $0x1, v1;
	v36 =	vsel vm13, $0x1, v1  }
0x15e: {  	v27 =	vld [tilespmem:s0+$0x30];
	v33 =	vtrunc.f32 v33;
	vm14 =	vlt.f32 v59, v8;
	v63 =	vcvt.s32.f32 v30  }
0x15f: {  	s5 =	sadd.s32 $0x80, s5;
	[tilespmem:v28+s22+$0x0] =	vst.idx.add.f32.msk $0xffff, v15;
	v12 =	vadd.s32 v12, v62;
	vm2 =	vlt.f32 v40, v6;
	v48 =	vmul.f32 $9.999999770e-03, v44  }
0x160: {  	v45 =	vld [tilespmem:s5+$0xFFFFFFE0];
	vm7 =	vlt.f32 v46, v5;
	v29 =	vadd.s32 v36, v29;
	v60 =	vadd.f32 $1.000000000e+00, v35  }
0x161: {  	v58 =	vld [tilespmem:s5+$0x0];
	v35 =	vmul.f32 $9.999999770e-03, v35;
	v53 =	vsel vm7, $0x1, v1;
	v54 =	vcvt.f32.s32 v33  }
0x162: {  	[tilespmem:v28+s23+$0x0] =	vst.idx.add.f32.msk $0xffff, v26;
	v33 =	vmul.f32 $9.999999770e-03, v14;
	v29 =	vshll.u32 v29, $0x4;
	v43 =	vadd.f32 $1.000000000e+00, v63  }
0x163: {  	v28 =	vmul.f32 $9.999999770e-03, v63;
	vm8 =	vlt.f32 v48, v5;
	v61 =	vor.u32 v3, v29;
	[tilespmem:v32+s21+$0x0] =	vst.idx.add.f32.msk $0xffff, v2  }
0x164: {  	vm15 =	vlt.f32 v35, v10;
	v15 =	vmul.f32 $9.999999770e-03, v60;
	v29 =	vsel vm2, $0x1, v1;
	[tilespmem:v32+s22+$0x0] =	vst.idx.add.f32.msk $0xffff, v13  }
0x165: {  	v55 =	vsel vm8, $0x1, v1;
	v59 =	vcvt.s32.f32 v54;
	v47 =	vmul.f32 $9.999999770e-03, v43;
	[tilespmem:v32+s23+$0x0] =	vst.idx.add.f32.msk $0xffff, v41  }
0x166: {  	v42 =	vmul.f32 $1.000000000e+02, v27;
	v12 =	vadd.s32 v29, v12;
	vm4 =	vlt.f32 v28, v11;
	v32 =	vld [tilespmem:s13+$0x10]  }
0x167: {  	v50 =	vsel vm4, $0x1, v1;
	v12 =	vshll.u32 v12, $0x4;
	vm5 =	vlt.f32 v47, v11;
	v47 =	vld [tilespmem:s2+$0xFFFFFFD0]  }
0x168: {  	vm6 =	vlt.f32 v15, v10;
	v15 =	vadd.s32 v9, v53;
	v31 =	vtrunc.f32 v42;
	[tilespmem:v61+s18+$0x0] =	vst.idx.add.f32.msk $0xffff, v2  }
0x169: {  	v12 =	vor.u32 v3, v12;
	v57 =	vcvt.f32.s32 v31;
	v31 =	vmul.f32 $9.999999770e-03, v59;
	[tilespmem:v61+s19+$0x0] =	vst.idx.add.f32.msk $0xffff, v16  }
0x16a: {  	v60 =	vadd.f32 $1.000000000e+00, v25;
	v51 =	vadd.s32 v30, v50;
	v15 =	vadd.s32 v55, v15;
	v16 =	vld [tilespmem:s5+$0x20]  }
0x16b: {  	v13 =	vsel vm5, $0x1, v1;
	v15 =	vshll.u32 v15, $0x4;
	vm10 =	vlt.f32 v31, v23;
	v31 =	vld [tilespmem:s13+$0x30]  }
0x16c: {  	v49 =	vsel vm15, $0x1, v1;
	v13 =	vadd.s32 v13, v51;
	v15 =	vor.u32 v3, v15;
	[tilespmem:v61+s20+$0x0] =	vst.idx.add.f32.msk $0xffff, v45  }
0x16d: {  	v63 =	vadd.f32 $1.000000000e+00, v59;
	v25 =	vmul.f32 $9.999999770e-03, v60;
	v13 =	vshll.u32 v13, $0x4;
	v9 =	vld [tilespmem:s26+$0xFFFFFFF0]  }
0x16e: {  	v38 =	vadd.s32 v24, v49;
	v41 =	vsel vm14, $0x1, v1;
	v13 =	vor.u32 v3, v13;
	[tilespmem:v12+s21+$0x0] =	vst.idx.add.f32.msk $0xffff, v2  }
0x16f: {  	v56 =	vcvt.s32.f32 v18;
	vm4 =	vlt.f32 v33, v4;
	v20 =	vadd.s32 v20, v41;
	[tilespmem:v12+s22+$0x0] =	vst.idx.add.f32.msk $0xffff, v6  }
0x170: {  	v28 =	vsel vm4, $0x1, v1;
	vm9 =	vlt.f32 v25, v8;
	v44 =	vmul.f32 $9.999999770e-03, v63;
	[tilespmem:v12+s23+$0x0] =	vst.idx.add.f32.msk $0xffff, v52  }
0x171: {  	v43 =	vsel vm9, $0x1, v1;
	v51 =	vadd.f32 $1.000000000e+00, v56;
	v62 =	vcvt.s32.f32 v57;
	[tilespmem:v15+s18+$0x0] =	vst.idx.add.f32.msk $0xffff, v2  }
0x172: {  	v20 =	vadd.s32 v43, v20;
	vm11 =	vlt.f32 v44, v23;
	v61 =	vsel vm6, $0x1, v1;
	[tilespmem:v15+s19+$0x0] =	vst.idx.add.f32.msk $0xffff, v5  }
0x173: {  	v45 =	vshll.u32 v20, $0x4;
	v46 =	vsel vm10, $0x1, v1;
	v24 =	vsel vm11, $0x1, v1;
	[tilespmem:v13+s18+$0x0] =	vst.idx.add.f32.msk $0xffff, v2  }
0x174: {  	v55 =	vmul.f32 $9.999999770e-03, v51;
	v39 =	vmul.f32 $9.999999770e-03, v62;
	v12 =	vor.u32 v3, v45;
	[tilespmem:v15+s20+$0x0] =	vst.idx.add.f32.msk $0xffff, v21  }
0x175: {  	v37 =	vadd.f32 $1.000000000e+00, v62;
	v40 =	vadd.s32 v61, v38;
	v61 =	vadd.f32 $1.000000000e+00, v14;
	v20 =	vld [tilespmem:s0+$0xFFFFFFD0]  }
0x176: {  	vm15 =	vlt.f32 v55, v7;
	vm12 =	vlt.f32 v39, v27;
	v5 =	vshll.u32 v40, $0x4;
	[tilespmem:v13+s19+$0x0] =	vst.idx.add.f32.msk $0xffff, v11  }
0x177: {  	v6 =	vmul.f32 $9.999999770e-03, v37;
	v15 =	vadd.s32 v54, v46;
	v5 =	vor.u32 v3, v5;
	[tilespmem:v13+s20+$0x0] =	vst.idx.add.f32.msk $0xffff, v58  }
0x178: {  	v54 =	vmul.f32 $9.999999770e-03, v56;
	v42 =	vmul.f32 $1.000000000e+02, v9;
	v49 =	vadd.s32 v24, v15;
	v15 =	vld [tilespmem:s26+$0x10]  }
0x179: {  	v60 =	vsel vm15, $0x1, v1;
	v48 =	vsel vm12, $0x1, v1;
	vm13 =	vlt.f32 v6, v27;
	[tilespmem:v12+s18+$0x0] =	vst.idx.add.f32.msk $0xffff, v2  }
0x17a: {  	v50 =	vadd.s32 v57, v48;
	vm14 =	vlt.f32 v54, v7;
	v25 =	vtrunc.f32 v42;
	[tilespmem:v12+s19+$0x0] =	vst.idx.add.f32.msk $0xffff, v8  }
0x17b: {  	v11 =	vshll.u32 v49, $0x4;
	v58 =	vsel vm14, $0x1, v1;
	v13 =	vcvt.f32.s32 v25;
	v25 =	vld [tilespmem:s5+$0xFFFFFFC0]  }
0x17c: {  	v53 =	vsel vm13, $0x1, v1;
	v11 =	vor.u32 v3, v11;
	v17 =	vadd.s32 v18, v58;
	[tilespmem:v12+s20+$0x0] =	vst.idx.add.f32.msk $0xffff, v16  }
0x17d: {  	v6 =	vadd.s32 v53, v50;
	[tilespmem:v5+s21+$0x0] =	vst.idx.add.f32.msk $0xffff, v2;
	v17 =	vadd.s32 v60, v17;
	v52 =	vmul.f32 $1.000000000e+02, v20  }
0x17e: {  	v6 =	vshll.u32 v6, $0x4;
	v16 =	vld [tilespmem:s26+$0x30];
	v24 =	vshll.u32 v17, $0x4;
	v50 =	vcvt.s32.f32 v13  }
0x17f: {  	[tilespmem:v5+s22+$0x0] =	vst.idx.add.f32.msk $0xffff, v10;
	v8 =	vor.u32 v3, v24;
	v56 =	vtrunc.f32 v52;
	v59 =	vmul.f32 $1.000000000e+02, v15  }
0x180: {  	v10 =	vmul.f32 $9.999999770e-03, v61;
	[tilespmem:v5+s23+$0x0] =	vst.idx.add.f32.msk $0xffff, v47;
	v53 =	vadd.f32 $1.000000000e+00, v50;
	v57 =	vcvt.f32.s32 v56  }
0x181: {  	v19 =	vadd.s32 v19, v28;
	v5 =	vor.u32 v3, v6;
	[tilespmem:v11+s21+$0x0] =	vst.idx.add.f32.msk $0xffff, v2;
	v63 =	vtrunc.f32 v59  }
0x182: {  	vm6 =	vlt.f32 v10, v4;
	[tilespmem:v11+s22+$0x0] =	vst.idx.add.f32.msk $0xffff, v23;
	v55 =	vmul.f32 $9.999999770e-03, v53;
	v62 =	vcvt.s32.f32 v57  }
0x183: {  	[tilespmem:v11+s23+$0x0] =	vst.idx.add.f32.msk $0xffff, v32;
	v32 =	vsel vm6, $0x1, v1;
	v29 =	vmul.f32 $1.000000000e+02, v16;
	v6 =	vcvt.f32.s32 v63  }
0x184: {  	v18 =	vadd.s32 v32, v19;
	[tilespmem:v8+s18+$0x0] =	vst.idx.add.f32.msk $0xffff, v2;
	v26 =	vmul.f32 $9.999999770e-03, v62;
	v14 =	vadd.f32 $1.000000000e+00, v62  }
0x185: {  	v18 =	vshll.u32 v18, $0x4;
	v30 =	vtrunc.f32 v29;
	v33 =	vcvt.s32.f32 v6;
	[tilespmem:v8+s19+$0x0] =	vst.idx.add.f32.msk $0xffff, v7  }
0x186: {  	v37 =	vor.u32 v3, v18;
	v10 =	vcvt.f32.s32 v30;
	[tilespmem:v8+s20+$0x0] =	vst.idx.add.f32.msk $0xffff, v25;
	v14 =	vmul.f32 $9.999999770e-03, v14  }
0x187: {  	vm5 =	vlt.f32 v26, v20;
	v35 =	vadd.f32 $1.000000000e+00, v33;
	v38 =	vmul.f32 $9.999999770e-03, v33;
	v42 =	vld [tilespmem:s26+$0xFFFFFFD0]  }
0x188: {  	v43 =	vld [tilespmem:s13+$0xFFFFFFF0];
	v34 =	vsel vm5, $0x1, v1;
	v36 =	vcvt.s32.f32 v10;
	vm7 =	vlt.f32 v14, v20  }
0x189: {  	[tilespmem:v5+s21+$0x0] =	vst.idx.add.f32.msk $0xffff, v2;
	v41 =	vmul.f32 $9.999999770e-03, v35;
	v12 =	vadd.s32 v57, v34;
	v39 =	vsel vm7, $0x1, v1  }
0x18a: {  	[tilespmem:v5+s22+$0x0] =	vst.idx.add.f32.msk $0xffff, v27;
	vm8 =	vlt.f32 v38, v15;
	v40 =	vadd.f32 $1.000000000e+00, v36;
	v8 =	vadd.s32 v39, v12  }
0x18b: {  	[tilespmem:v5+s23+$0x0] =	vst.idx.add.f32.msk $0xffff, v31;
	v44 =	vmul.f32 $9.999999770e-03, v36;
	v45 =	vsel vm8, $0x1, v1;
	v5 =	vshll.u32 v8, $0x4  }
0x18c: {  	v48 =	vld [tilespmem:s5+$0x10];
	vm9 =	vlt.f32 v41, v15;
	v49 =	vmul.f32 $1.000000000e+02, v42;
	v5 =	vor.u32 v3, v5  }
0x18d: {  	v58 =	vld [tilespmem:s5+$0x30];
	v6 =	vadd.s32 v6, v45;
	v12 =	vmul.f32 $9.999999770e-03, v50;
	v46 =	vmul.f32 $9.999999770e-03, v40  }
0x18e: {  	v52 =	vld [tilespmem:s13+$0xFFFFFFD0];
	v47 =	vsel vm9, $0x1, v1;
	vm10 =	vlt.f32 v44, v16;
	v11 =	vtrunc.f32 v49  }
0x18f: {  	[tilespmem:v37+s21+$0x0] =	vst.idx.add.f32.msk $0xffff, v2;
	v6 =	vadd.s32 v47, v6;
	v51 =	vsel vm10, $0x1, v1;
	v11 =	vcvt.f32.s32 v11  }
0x190: {  	[tilespmem:v37+s22+$0x0] =	vst.idx.add.f32.msk $0xffff, v4;
	v6 =	vshll.u32 v6, $0x4;
	vm11 =	vlt.f32 v46, v16;
	v10 =	vadd.s32 v10, v51  }
0x191: {  	v6 =	vor.u32 v3, v6;
	v4 =	vsel vm11, $0x1, v1;
	v54 =	vcvt.s32.f32 v11;
	[tilespmem:v5+s21+$0x0] =	vst.idx.add.f32.msk $0xffff, v2  }
0x192: {  	vm13 =	vlt.f32 v55, v9;
	v4 =	vadd.s32 v4, v10;
	[tilespmem:v5+s22+$0x0] =	vst.idx.add.f32.msk $0xffff, v20  }
0x193: {  	vm12 =	vlt.f32 v12, v9;
	v4 =	vshll.u32 v4, $0x4;
	[tilespmem:v5+s23+$0x0] =	vst.idx.add.f32.msk $0xffff, v52;
	v5 =	vadd.f32 $1.000000000e+00, v54  }
0x194: {  	v61 =	vld [tilespmem:s5+$0xFFFFFFF0];
	v12 =	vsel vm12, $0x1, v1;
	v4 =	vor.u32 v3, v4;
	v7 =	vmul.f32 $9.999999770e-03, v54  }
0x195: {  	v63 =	vld [tilespmem:s5+$0xFFFFFFD0];
	v57 =	vsel vm13, $0x1, v1;
	v56 =	vadd.s32 v13, v12;
	v5 =	vmul.f32 $9.999999770e-03, v5  }
0x196: {  	v10 =	vadd.s32 v57, v56;
	[tilespmem:v6+s21+$0x0] =	vst.idx.add.f32.msk $0xffff, v2;
	vm14 =	vlt.f32 v7, v42  }
0x197: {  	v59 =	vshll.u32 v10, $0x4;
	[tilespmem:v6+s22+$0x0] =	vst.idx.add.f32.msk $0xffff, v15;
	v60 =	vsel vm14, $0x1, v1;
	vm15 =	vlt.f32 v5, v42  }
0x198: {  	[tilespmem:v6+s23+$0x0] =	vst.idx.add.f32.msk $0xffff, v48;
	v6 =	vadd.s32 v11, v60;
	v5 =	vor.u32 v3, v59;
	v62 =	vsel vm15, $0x1, v1  }
0x199: {  	[tilespmem:v4+s21+$0x0] =	vst.idx.add.f32.msk $0xffff, v2;
	v6 =	vadd.s32 v62, v6  }
0x19a: {  	[tilespmem:v4+s22+$0x0] =	vst.idx.add.f32.msk $0xffff, v16;
	v6 =	vshll.u32 v6, $0x4  }
0x19b: {  	[tilespmem:v4+s23+$0x0] =	vst.idx.add.f32.msk $0xffff, v58;
	v4 =	vor.u32 v3, v6  }
0x19c: {  	[tilespmem:v37+s23+$0x0] =	vst.idx.add.f32.msk $0xffff, v43  }
0x19d: {  	[tilespmem:v5+s21+$0x0] =	vst.idx.add.f32.msk $0xffff, v2  }
.Ltmp3:
0x19e: {  	[tilespmem:v5+s22+$0x0] =	vst.idx.add.f32.msk $0xffff, v9;
	(pc) =	sbr.rel @p0 .LBB2_10-.Ltmp3, $4  }
0x19f: {  	[tilespmem:v5+s23+$0x0] =	vst.idx.add.f32.msk $0xffff, v61  }
0x1a0: {  	[tilespmem:v4+s21+$0x0] =	vst.idx.add.f32.msk $0xffff, v2  }
0x1a1: {  	[tilespmem:v4+s22+$0x0] =	vst.idx.add.f32.msk $0xffff, v42  }
0x1a2: {  	[tilespmem:v4+s23+$0x0] =	vst.idx.add.f32.msk $0xffff, v63  }
0x1a3: {  	s0 =	sadd.s32 s31, s10  }
.Ltmp4:
0x1a4: {  	s0 =	sshrl.u32 s0, $0x3;
	(pc) =	sbr.rel .LBB2_4-.Ltmp4, $4  }
0x1a5: {  	s2 =	sadd.s32 s1, s0  }
0x1a6: {  	[tilespmem:s14], [sflag:$0x2] =	stream.linear.gather [hbm4b:s2+s4], $0x4000, $0x38;
	[tilespmem:$0x12B80] =	vst v63  }
0x1a7: {  	s30 =	sadd.s32 $0x1, s30;
	s0 =	sadd.s32 s3, s0  }
0x1a8: {  	[tilespmem:s15], [sflag:$0x4] =	stream.linear.gather [hbm4b:s0+s4], $0x4000, $0x38;
	[tilespmem:$0x12B80] =	vst v63  }
.LBB2_10:
0x1a9: {  	s0 =	simm.s32 $0x0  }
0x1aa: {  	v5 =	vld [tilespmem:s0+$0x11500]  }
0x1ab: {  	v6 =	vld [tilespmem:s0+$0x11C00]  }
0x1ac: {  	v4 =	vld [tilespmem:s0+$0x12300]  }
0x1ad: {  	v7 =	vld [tilespmem:s0+$0x10000]  }
0x1ae: {  	s2 =	simm.s32 $0x40;
	v8 =	vld [tilespmem:s0+$0x10700]  }
.LBB2_11:
0x1af: {  	p0 =	sne.s32 s2, $0x1BC0;
	v9 =	vld [tilespmem:s0+$0x10E00];
	_ =	sdelay $0x1  }
0x1b0: {  	s5 =	sshra.s32 s2, $0x2  }
.Ltmp5:
0x1b1: {  	v7 =	vadd.f32 v5, v7;
	v5 =	vld [tilespmem:s5+$0x11500];
	(pc) =	sbr.rel @p0 .LBB2_11-.Ltmp5, $4  }
0x1b2: {  	v8 =	vadd.f32 v6, v8;
	v6 =	vld [tilespmem:s5+$0x11C00]  }
0x1b3: {  	[tilespmem:s0+$0x10000] =	vst v7;
	v9 =	vadd.f32 v4, v9;
	v4 =	vld [tilespmem:s5+$0x12300]  }
0x1b4: {  	v7 =	vld [tilespmem:s5+$0x10000];
	[tilespmem:s0+$0x10700] =	vst v8  }
0x1b5: {  	s2 =	sadd.s32 $0x40, s2;
	v8 =	vld [tilespmem:s5+$0x10700];
	[tilespmem:s0+$0x10E00] =	vst v9;
	s0 =	smov.u32 s5  }
0x1b6: {  	v9 =	vld [tilespmem:s0+$0x10E00];
	_ =	sdelay $0x2  }
0x1b7: {  	v5 =	vadd.f32 v5, v7  }
0x1b8: {  	v6 =	vadd.f32 v6, v8  }
0x1b9: {  	[tilespmem:s0+$0x10000] =	vst v5;
	v4 =	vadd.f32 v4, v9  }
0x1ba: {  	[tilespmem:s0+$0x10700] =	vst v6  }
0x1bb: {  	[tilespmem:s0+$0x10E00] =	vst v4  }
0x1bc: {  	[tilespmem:$0x12A00] =	vst v0  }
0x1bd: {  	[tilespmem:$0x12A10] =	vst v0  }
0x1be: {  	[tilespmem:$0x12A20] =	vst v0  }
0x1bf: {  	[tilespmem:$0x12A30] =	vst v0  }
0x1c0: {  	[tilespmem:$0x12A40] =	vst v0  }
0x1c1: {  	[tilespmem:$0x12A50] =	vst v0  }
0x1c2: {  	[tilespmem:$0x12A60] =	vst v0  }
0x1c3: {  	[tilespmem:$0x12A70] =	vst v0  }
0x1c4: {  	[tilespmem:$0x12A80] =	vst v0  }
0x1c5: {  	[tilespmem:$0x12A90] =	vst v0  }
0x1c6: {  	[tilespmem:$0x12AA0] =	vst v0  }
0x1c7: {  	[tilespmem:$0x12AB0] =	vst v0  }
0x1c8: {  	[tilespmem:$0x12AC0] =	vst v0  }
0x1c9: {  	[tilespmem:$0x12AD0] =	vst v0  }
0x1ca: {  	[tilespmem:$0x12AE0] =	vst v0  }
0x1cb: {  	[tilespmem:$0x12AF0] =	vst v0  }
0x1cc: {  	[tilespmem:$0x12B00] =	vst v0  }
0x1cd: {  	v4 =	vmul.u32 $0x10, v3;
	[tilespmem:$0x12B10] =	vst v0  }
0x1ce: {  	s2 =	simm.s32 $0x0;
	[tilespmem:$0x12B20] =	vst v0  }
0x1cf: {  	[tilespmem:$0x12B30] =	vst v0;
	v5 =	vor.u32 s2, v4  }
0x1d0: {  	s5 =	simm.s32 $0x1;
	[tilespmem:$0x12B40] =	vst v0  }
0x1d1: {  	[tilespmem:$0x12B50] =	vst v0;
	v6 =	vor.u32 s5, v4  }
0x1d2: {  	s6 =	simm.s32 $0x2;
	[tilespmem:$0x12B60] =	vst v0  }
0x1d3: {  	[tilespmem:$0x12B70] =	vst v0;
	v7 =	vor.u32 s6, v4  }
0x1d4: {  	s7 =	simm.s32 $0x3;
	v11 =	vld.idx.msk [tilespmem:v5+s20+$0x0], $0xffff  }
0x1d5: {  	v8 =	vor.u32 s7, v4  }
0x1d6: {  	s13 =	simm.s32 $0x4;
	v12 =	vld.idx.msk [tilespmem:v6+s20+$0x0], $0xffff  }
0x1d7: {  	v9 =	vor.u32 s13, v4  }
0x1d8: {  	s26 =	simm.s32 $0x5;
	v13 =	vld.idx.msk [tilespmem:v7+s20+$0x0], $0xffff  }
0x1d9: {  	v10 =	vor.u32 s26, v4;
	v14 =	vadd.f32 $0.0e+00, v11  }
0x1da: {  	s30 =	simm.s32 $0x6;
	v15 =	vld.idx.msk [tilespmem:v8+s20+$0x0], $0xffff  }
0x1db: {  	v11 =	vor.u32 s30, v4;
	v14 =	vadd.f32 v12, v14  }
0x1dc: {  	s31 =	simm.s32 $0x7;
	v16 =	vld.idx.msk [tilespmem:v9+s20+$0x0], $0xffff  }
0x1dd: {  	v12 =	vor.u32 s31, v4;
	v14 =	vadd.f32 v13, v14  }
0x1de: {  	s2 =	simm.s32 $0x8;
	v17 =	vld.idx.msk [tilespmem:v10+s20+$0x0], $0xffff  }
0x1df: {  	v13 =	vor.u32 s2, v4;
	v15 =	vadd.f32 v15, v14  }
0x1e0: {  	s5 =	simm.s32 $0x9;
	v18 =	vld.idx.msk [tilespmem:v11+s20+$0x0], $0xffff  }
0x1e1: {  	v14 =	vor.u32 s5, v4;
	v16 =	vadd.f32 v16, v15  }
0x1e2: {  	s6 =	simm.s32 $0xA;
	v19 =	vld.idx.msk [tilespmem:v12+s20+$0x0], $0xffff  }
0x1e3: {  	v15 =	vor.u32 s6, v4;
	v17 =	vadd.f32 v17, v16  }
0x1e4: {  	s7 =	simm.s32 $0xB;
	v20 =	vld.idx.msk [tilespmem:v13+s20+$0x0], $0xffff  }
0x1e5: {  	v16 =	vor.u32 s7, v4;
	v18 =	vadd.f32 v18, v17  }
0x1e6: {  	s13 =	simm.s32 $0xC;
	v21 =	vld.idx.msk [tilespmem:v14+s20+$0x0], $0xffff  }
0x1e7: {  	v17 =	vor.u32 s13, v4;
	v19 =	vadd.f32 v19, v18  }
0x1e8: {  	s26 =	simm.s32 $0xD;
	v22 =	vld.idx.msk [tilespmem:v15+s20+$0x0], $0xffff  }
0x1e9: {  	v18 =	vor.u32 s26, v4;
	v20 =	vadd.f32 v20, v19  }
0x1ea: {  	s30 =	simm.s32 $0xE;
	v23 =	vld.idx.msk [tilespmem:v16+s20+$0x0], $0xffff  }
0x1eb: {  	v19 =	vor.u32 s30, v4;
	v21 =	vadd.f32 v21, v20  }
0x1ec: {  	s31 =	simm.s32 $0xF;
	v24 =	vld.idx.msk [tilespmem:v17+s20+$0x0], $0xffff  }
0x1ed: {  	v20 =	vor.u32 s31, v4;
	v21 =	vadd.f32 v22, v21  }
0x1ee: {  	v22 =	vld.idx.msk [tilespmem:v18+s20+$0x0], $0xffff  }
0x1ef: {  	v21 =	vadd.f32 v23, v21  }
0x1f0: {  	v23 =	vld.idx.msk [tilespmem:v19+s20+$0x0], $0xffff  }
0x1f1: {  	v21 =	vadd.f32 v24, v21  }
0x1f2: {  	v24 =	vld.idx.msk [tilespmem:v20+s20+$0x0], $0xffff  }
0x1f3: {  	v22 =	vadd.f32 v22, v21  }
0x1f4: {  	s2 =	simm.s32 $0x100  }
0x1f5: {  	v21 =	vor.u32 s2, v4;
	v23 =	vadd.f32 v23, v22  }
0x1f6: {  	s5 =	simm.s32 $0x101  }
0x1f7: {  	v22 =	vor.u32 s5, v4;
	v24 =	vadd.f32 v24, v23  }
0x1f8: {  	s6 =	simm.s32 $0x102;
	s2 =	simm.s32 $0x12A00  }
0x1f9: {  	v23 =	vor.u32 s6, v4;
	[tilespmem:s2+$0x0] =	vst v24  }
0x1fa: {  	s7 =	simm.s32 $0x103;
	v27 =	vld.idx.msk [tilespmem:v21+s20+$0x0], $0xffff  }
0x1fb: {  	v24 =	vor.u32 s7, v4  }
0x1fc: {  	s13 =	simm.s32 $0x104;
	v28 =	vld.idx.msk [tilespmem:v22+s20+$0x0], $0xffff  }
0x1fd: {  	v25 =	vor.u32 s13, v4  }
0x1fe: {  	s26 =	simm.s32 $0x105;
	v29 =	vld.idx.msk [tilespmem:v23+s20+$0x0], $0xffff  }
0x1ff: {  	v26 =	vor.u32 s26, v4;
	v30 =	vadd.f32 $0.0e+00, v27  }
0x200: {  	s30 =	simm.s32 $0x106;
	v31 =	vld.idx.msk [tilespmem:v24+s20+$0x0], $0xffff  }
0x201: {  	v27 =	vor.u32 s30, v4;
	v30 =	vadd.f32 v28, v30  }
0x202: {  	s31 =	simm.s32 $0x107;
	v32 =	vld.idx.msk [tilespmem:v25+s20+$0x0], $0xffff  }
0x203: {  	v28 =	vor.u32 s31, v4;
	v30 =	vadd.f32 v29, v30  }
0x204: {  	s5 =	simm.s32 $0x108;
	v33 =	vld.idx.msk [tilespmem:v26+s20+$0x0], $0xffff  }
0x205: {  	v29 =	vor.u32 s5, v4;
	v31 =	vadd.f32 v31, v30  }
0x206: {  	s6 =	simm.s32 $0x109;
	v34 =	vld.idx.msk [tilespmem:v27+s20+$0x0], $0xffff  }
0x207: {  	v30 =	vor.u32 s6, v4;
	v32 =	vadd.f32 v32, v31  }
0x208: {  	s7 =	simm.s32 $0x10A;
	v35 =	vld.idx.msk [tilespmem:v28+s20+$0x0], $0xffff  }
0x209: {  	v31 =	vor.u32 s7, v4;
	v33 =	vadd.f32 v33, v32  }
0x20a: {  	s13 =	simm.s32 $0x10B;
	v36 =	vld.idx.msk [tilespmem:v29+s20+$0x0], $0xffff  }
0x20b: {  	v32 =	vor.u32 s13, v4;
	v34 =	vadd.f32 v34, v33  }
0x20c: {  	s26 =	simm.s32 $0x10C;
	v37 =	vld.idx.msk [tilespmem:v30+s20+$0x0], $0xffff  }
0x20d: {  	v33 =	vor.u32 s26, v4;
	v35 =	vadd.f32 v35, v34  }
0x20e: {  	v38 =	vld.idx.msk [tilespmem:v31+s20+$0x0], $0xffff  }
0x20f: {  	s30 =	simm.s32 $0x10D;
	v35 =	vadd.f32 v36, v35  }
0x210: {  	v34 =	vor.u32 s30, v4;
	v39 =	vld.idx.msk [tilespmem:v32+s20+$0x0], $0xffff  }
0x211: {  	s31 =	simm.s32 $0x10E;
	v36 =	vadd.f32 v37, v35  }
0x212: {  	v63 =	vld.idx.msk [tilespmem:v33+s20+$0x0], $0xffff;
	v35 =	vor.u32 s31, v4  }
0x213: {  	s5 =	simm.s32 $0x10F;
	v38 =	vadd.f32 v38, v36  }
0x214: {  	v36 =	vor.u32 s5, v4  }
0x215: {  	v40 =	vld.idx.msk [tilespmem:v34+s20+$0x0], $0xffff;
	v38 =	vadd.f32 v39, v38;
	_ =	sdelay $0x1  }
0x216: {  	v39 =	vadd.f32 v63, v38;
	v38 =	vld.idx.msk [tilespmem:v35+s20+$0x0], $0xffff;
	_ =	sdelay $0x1  }
0x217: {  	v37 =	vld.idx.msk [tilespmem:v36+s20+$0x0], $0xffff  }
0x218: {  	s0 =	simm.s32 $0x20F;
	s6 =	simm.s32 $0x30F;
	s5 =	simm.s32 $0x20F;
	v39 =	vadd.f32 v40, v39  }
.LBB2_13:
0x219: {  	p0 =	sne.s32 s6, $0x60F;
	s7 =	sadd.s32 $0xFFFFFFF1, s5  }
0x21a: {  	v40 =	vor.u32 s7, v4;
	v38 =	vadd.f32 v38, v39  }
0x21b: {  	s7 =	sadd.s32 $0xFFFFFFF2, s5  }
0x21c: {  	v39 =	vor.u32 s7, v4;
	v37 =	vadd.f32 v37, v38  }
0x21d: {  	s2 =	sadd.s32 $0x10, s2;
	s7 =	sadd.s32 $0xFFFFFFF3, s5  }
0x21e: {  	v38 =	vor.u32 s7, v4;
	[tilespmem:s2+$0x0] =	vst v37  }
0x21f: {  	s7 =	sadd.s32 $0xFFFFFFF4, s5;
	v37 =	vld.idx.msk [tilespmem:v40+s20+$0x0], $0xffff  }
0x220: {  	v40 =	vor.u32 s7, v4  }
0x221: {  	s7 =	sadd.s32 $0xFFFFFFF5, s5;
	v39 =	vld.idx.msk [tilespmem:v39+s20+$0x0], $0xffff  }
0x222: {  	v41 =	vor.u32 s7, v4  }
0x223: {  	s7 =	sadd.s32 $0xFFFFFFF6, s5;
	v38 =	vld.idx.msk [tilespmem:v38+s20+$0x0], $0xffff  }
0x224: {  	v42 =	vor.u32 s7, v4  }
0x225: {  	s7 =	sadd.s32 $0xFFFFFFF7, s5;
	v37 =	vadd.f32 $0.0e+00, v37;
	v40 =	vld.idx.msk [tilespmem:v40+s20+$0x0], $0xffff  }
0x226: {  	v43 =	vor.u32 s7, v4  }
0x227: {  	s7 =	sadd.s32 $0xFFFFFFF8, s5;
	v37 =	vadd.f32 v39, v37;
	v39 =	vld.idx.msk [tilespmem:v41+s20+$0x0], $0xffff  }
0x228: {  	v41 =	vor.u32 s7, v4  }
0x229: {  	s7 =	sadd.s32 $0xFFFFFFF9, s5;
	v37 =	vadd.f32 v38, v37;
	v38 =	vld.idx.msk [tilespmem:v42+s20+$0x0], $0xffff  }
0x22a: {  	v42 =	vor.u32 s7, v4  }
0x22b: {  	s7 =	sadd.s32 $0xFFFFFFFA, s5;
	v37 =	vadd.f32 v40, v37;
	v40 =	vld.idx.msk [tilespmem:v43+s20+$0x0], $0xffff  }
0x22c: {  	v43 =	vor.u32 s7, v4  }
0x22d: {  	s7 =	sadd.s32 $0xFFFFFFFB, s5;
	v37 =	vadd.f32 v39, v37;
	v39 =	vld.idx.msk [tilespmem:v41+s20+$0x0], $0xffff  }
0x22e: {  	v41 =	vor.u32 s7, v4  }
0x22f: {  	s7 =	sadd.s32 $0xFFFFFFFC, s5;
	v37 =	vadd.f32 v38, v37;
	v38 =	vld.idx.msk [tilespmem:v42+s20+$0x0], $0xffff  }
0x230: {  	v42 =	vor.u32 s7, v4  }
0x231: {  	s7 =	sadd.s32 $0xFFFFFFFD, s5;
	v37 =	vadd.f32 v40, v37;
	v40 =	vld.idx.msk [tilespmem:v43+s20+$0x0], $0xffff  }
0x232: {  	v43 =	vor.u32 s7, v4  }
0x233: {  	s7 =	sadd.s32 $0xFFFFFFFE, s5;
	v37 =	vadd.f32 v39, v37;
	v39 =	vld.idx.msk [tilespmem:v41+s20+$0x0], $0xffff  }
0x234: {  	v41 =	vor.u32 s7, v4  }
0x235: {  	s7 =	sadd.s32 $0xFFFFFFFF, s5;
	v37 =	vadd.f32 v38, v37;
	v38 =	vld.idx.msk [tilespmem:v42+s20+$0x0], $0xffff  }
0x236: {  	v42 =	vor.u32 s7, v4  }
0x237: {  	v37 =	vadd.f32 v40, v37;
	v40 =	vld.idx.msk [tilespmem:v43+s20+$0x0], $0xffff  }
0x238: {  	v43 =	vor.u32 s5, v4;
	s5 =	smov.u32 s6  }
0x239: {  	v37 =	vadd.f32 v39, v37;
	v39 =	vld.idx.msk [tilespmem:v41+s20+$0x0], $0xffff;
	_ =	sdelay $0x1  }
.Ltmp6:
0x23a: {  	v37 =	vadd.f32 v38, v37;
	v38 =	vld.idx.msk [tilespmem:v42+s20+$0x0], $0xffff;
	(pc) =	sbr.rel @p0 .LBB2_13-.Ltmp6, $3  }
0x23b: {  	_ = 	snop  }
0x23c: {  	v40 =	vadd.f32 v40, v37;
	v37 =	vld.idx.msk [tilespmem:v43+s20+$0x0], $0xffff;
	_ =	sdelay $0x1  }
0x23d: {  	s6 =	sadd.s32 $0x100, s6;
	v39 =	vadd.f32 v39, v40  }
0x23e: {  	s6 =	sadd.s32 $0xFFFFFFF1, s5  }
0x23f: {  	v40 =	vor.u32 s6, v4;
	v38 =	vadd.f32 v38, v39  }
0x240: {  	s13 =	sadd.s32 $0xFFFFFFF2, s5  }
0x241: {  	v58 =	vor.u32 s13, v4;
	v37 =	vadd.f32 v37, v38  }
0x242: {  	s26 =	sadd.s32 $0xFFFFFFF3, s5;
	s2 =	sadd.s32 $0x10, s2  }
0x243: {  	v59 =	vor.u32 s26, v4;
	[tilespmem:s2+$0x0] =	vst v37  }
0x244: {  	s30 =	sadd.s32 $0xFFFFFFF4, s5;
	v37 =	vld.idx.msk [tilespmem:v40+s20+$0x0], $0xffff  }
0x245: {  	v60 =	vor.u32 s30, v4  }
0x246: {  	s31 =	sadd.s32 $0xFFFFFFF5, s5;
	v39 =	vld.idx.msk [tilespmem:v58+s20+$0x0], $0xffff  }
0x247: {  	v41 =	vor.u32 s31, v4  }
0x248: {  	s7 =	sadd.s32 $0xFFFFFFF6, s5;
	v38 =	vld.idx.msk [tilespmem:v59+s20+$0x0], $0xffff  }
0x249: {  	v42 =	vor.u32 s7, v4;
	v37 =	vadd.f32 $0.0e+00, v37  }
0x24a: {  	s13 =	sadd.s32 $0xFFFFFFF7, s5;
	v40 =	vld.idx.msk [tilespmem:v60+s20+$0x0], $0xffff  }
0x24b: {  	v43 =	vor.u32 s13, v4;
	v37 =	vadd.f32 v39, v37  }
0x24c: {  	s26 =	sadd.s32 $0xFFFFFFF8, s5;
	v61 =	vld.idx.msk [tilespmem:v41+s20+$0x0], $0xffff  }
0x24d: {  	v62 =	vor.u32 s26, v4;
	v37 =	vadd.f32 v38, v37  }
0x24e: {  	s30 =	sadd.s32 $0xFFFFFFF9, s5;
	v63 =	vld.idx.msk [tilespmem:v42+s20+$0x0], $0xffff  }
0x24f: {  	v45 =	vor.u32 s30, v4;
	v37 =	vadd.f32 v40, v37  }
0x250: {  	s31 =	sadd.s32 $0xFFFFFFFA, s5;
	v46 =	vld.idx.msk [tilespmem:v43+s20+$0x0], $0xffff  }
0x251: {  	v47 =	vor.u32 s31, v4;
	v37 =	vadd.f32 v61, v37  }
0x252: {  	s7 =	sadd.s32 $0xFFFFFFFB, s5;
	v48 =	vld.idx.msk [tilespmem:v62+s20+$0x0], $0xffff  }
0x253: {  	v49 =	vor.u32 s7, v4;
	v37 =	vadd.f32 v63, v37  }
0x254: {  	s13 =	sadd.s32 $0xFFFFFFFC, s5;
	v50 =	vld.idx.msk [tilespmem:v45+s20+$0x0], $0xffff  }
0x255: {  	v51 =	vor.u32 s13, v4;
	v37 =	vadd.f32 v46, v37  }
0x256: {  	s26 =	sadd.s32 $0xFFFFFFFD, s5;
	v52 =	vld.idx.msk [tilespmem:v47+s20+$0x0], $0xffff  }
0x257: {  	v53 =	vor.u32 s26, v4;
	v37 =	vadd.f32 v48, v37  }
0x258: {  	s30 =	sadd.s32 $0xFFFFFFFE, s5;
	v54 =	vld.idx.msk [tilespmem:v49+s20+$0x0], $0xffff  }
0x259: {  	v55 =	vor.u32 s30, v4;
	v37 =	vadd.f32 v50, v37  }
0x25a: {  	s31 =	sadd.s32 $0xFFFFFFFF, s5;
	v56 =	vld.idx.msk [tilespmem:v51+s20+$0x0], $0xffff  }
0x25b: {  	v57 =	vor.u32 s31, v4;
	v37 =	vadd.f32 v52, v37  }
0x25c: {  	v58 =	vld.idx.msk [tilespmem:v53+s20+$0x0], $0xffff  }
0x25d: {  	v59 =	vor.u32 s5, v4;
	v37 =	vadd.f32 v54, v37  }
0x25e: {  	v60 =	vld.idx.msk [tilespmem:v55+s20+$0x0], $0xffff  }
0x25f: {  	v37 =	vadd.f32 v56, v37  }
0x260: {  	v61 =	vld.idx.msk [tilespmem:v57+s20+$0x0], $0xffff  }
0x261: {  	v37 =	vadd.f32 v58, v37  }
0x262: {  	v62 =	vld.idx.msk [tilespmem:v59+s20+$0x0], $0xffff  }
0x263: {  	v37 =	vadd.f32 v60, v37;
	_ =	sdelay $0x1  }
0x264: {  	v37 =	vadd.f32 v61, v37;
	_ =	sdelay $0x1  }
0x265: {  	v37 =	vadd.f32 v62, v37  }
0x266: {  	s2 =	sadd.s32 $0x10, s2  }
0x267: {  	[tilespmem:s2+$0x0] =	vst v37  }
0x268: {  	v5 =	vld.idx.msk [tilespmem:v5+s19+$0x0], $0xffff;
	_ =	sdelay $0x1  }
0x269: {  	v6 =	vld.idx.msk [tilespmem:v6+s19+$0x0], $0xffff;
	_ =	sdelay $0x1  }
0x26a: {  	v7 =	vld.idx.msk [tilespmem:v7+s19+$0x0], $0xffff  }
0x26b: {  	v5 =	vadd.f32 $0.0e+00, v5  }
0x26c: {  	v8 =	vld.idx.msk [tilespmem:v8+s19+$0x0], $0xffff  }
0x26d: {  	v5 =	vadd.f32 v6, v5  }
0x26e: {  	v6 =	vld.idx.msk [tilespmem:v9+s19+$0x0], $0xffff  }
0x26f: {  	v5 =	vadd.f32 v7, v5  }
0x270: {  	v7 =	vld.idx.msk [tilespmem:v10+s19+$0x0], $0xffff  }
0x271: {  	v5 =	vadd.f32 v8, v5  }
0x272: {  	v8 =	vld.idx.msk [tilespmem:v11+s19+$0x0], $0xffff  }
0x273: {  	v5 =	vadd.f32 v6, v5  }
0x274: {  	v6 =	vld.idx.msk [tilespmem:v12+s19+$0x0], $0xffff  }
0x275: {  	v5 =	vadd.f32 v7, v5  }
0x276: {  	v7 =	vld.idx.msk [tilespmem:v13+s19+$0x0], $0xffff  }
0x277: {  	v5 =	vadd.f32 v8, v5  }
0x278: {  	v8 =	vld.idx.msk [tilespmem:v14+s19+$0x0], $0xffff  }
0x279: {  	v5 =	vadd.f32 v6, v5  }
0x27a: {  	v6 =	vld.idx.msk [tilespmem:v15+s19+$0x0], $0xffff  }
0x27b: {  	v5 =	vadd.f32 v7, v5  }
0x27c: {  	v7 =	vld.idx.msk [tilespmem:v16+s19+$0x0], $0xffff  }
0x27d: {  	v5 =	vadd.f32 v8, v5  }
0x27e: {  	v8 =	vld.idx.msk [tilespmem:v17+s19+$0x0], $0xffff  }
0x27f: {  	v5 =	vadd.f32 v6, v5  }
0x280: {  	v6 =	vld.idx.msk [tilespmem:v18+s19+$0x0], $0xffff  }
0x281: {  	v5 =	vadd.f32 v7, v5  }
0x282: {  	v7 =	vld.idx.msk [tilespmem:v19+s19+$0x0], $0xffff  }
0x283: {  	v5 =	vadd.f32 v8, v5  }
0x284: {  	v8 =	vld.idx.msk [tilespmem:v20+s19+$0x0], $0xffff  }
0x285: {  	v5 =	vadd.f32 v6, v5;
	_ =	sdelay $0x1  }
0x286: {  	v5 =	vadd.f32 v7, v5;
	_ =	sdelay $0x1  }
0x287: {  	v5 =	vadd.f32 v8, v5  }
0x288: {  	s2 =	simm.s32 $0x12A80  }
0x289: {  	[tilespmem:s2+$0x0] =	vst v5  }
0x28a: {  	v5 =	vld.idx.msk [tilespmem:v21+s19+$0x0], $0xffff;
	_ =	sdelay $0x1  }
0x28b: {  	v6 =	vld.idx.msk [tilespmem:v22+s19+$0x0], $0xffff;
	_ =	sdelay $0x1  }
0x28c: {  	v7 =	vld.idx.msk [tilespmem:v23+s19+$0x0], $0xffff  }
0x28d: {  	v5 =	vadd.f32 $0.0e+00, v5  }
0x28e: {  	v8 =	vld.idx.msk [tilespmem:v24+s19+$0x0], $0xffff  }
0x28f: {  	v5 =	vadd.f32 v6, v5  }
0x290: {  	v6 =	vld.idx.msk [tilespmem:v25+s19+$0x0], $0xffff  }
0x291: {  	v5 =	vadd.f32 v7, v5  }
0x292: {  	v7 =	vld.idx.msk [tilespmem:v26+s19+$0x0], $0xffff  }
0x293: {  	v5 =	vadd.f32 v8, v5  }
0x294: {  	v8 =	vld.idx.msk [tilespmem:v27+s19+$0x0], $0xffff  }
0x295: {  	v5 =	vadd.f32 v6, v5  }
0x296: {  	v6 =	vld.idx.msk [tilespmem:v28+s19+$0x0], $0xffff  }
0x297: {  	v5 =	vadd.f32 v7, v5  }
0x298: {  	v7 =	vld.idx.msk [tilespmem:v29+s19+$0x0], $0xffff  }
0x299: {  	v5 =	vadd.f32 v8, v5  }
0x29a: {  	v8 =	vld.idx.msk [tilespmem:v30+s19+$0x0], $0xffff  }
0x29b: {  	v5 =	vadd.f32 v6, v5  }
0x29c: {  	v6 =	vld.idx.msk [tilespmem:v31+s19+$0x0], $0xffff  }
0x29d: {  	v5 =	vadd.f32 v7, v5  }
0x29e: {  	v7 =	vld.idx.msk [tilespmem:v32+s19+$0x0], $0xffff  }
0x29f: {  	v5 =	vadd.f32 v8, v5  }
0x2a0: {  	v8 =	vld.idx.msk [tilespmem:v33+s19+$0x0], $0xffff  }
0x2a1: {  	v5 =	vadd.f32 v6, v5  }
0x2a2: {  	v63 =	vld.idx.msk [tilespmem:v34+s19+$0x0], $0xffff  }
0x2a3: {  	v5 =	vadd.f32 v7, v5  }
0x2a4: {  	v6 =	vld.idx.msk [tilespmem:v35+s19+$0x0], $0xffff  }
0x2a5: {  	v7 =	vadd.f32 v8, v5  }
0x2a6: {  	v5 =	vld.idx.msk [tilespmem:v36+s19+$0x0], $0xffff  }
0x2a7: {  	v7 =	vadd.f32 v63, v7  }
0x2a8: {  	s6 =	simm.s32 $0x200;
	s5 =	simm.s32 $0x30F  }
.LBB2_15:
0x2a9: {  	p0 =	sne.s32 s5, $0x60F;
	v8 =	vor.u32 s6, v4;
	v6 =	vadd.f32 v6, v7  }
0x2aa: {  	s6 =	sadd.s32 $0xFFFFFFF2, s0  }
0x2ab: {  	v7 =	vor.u32 s6, v4;
	v5 =	vadd.f32 v5, v6  }
0x2ac: {  	s2 =	sadd.s32 $0x10, s2;
	s6 =	sadd.s32 $0xFFFFFFF3, s0  }
0x2ad: {  	v6 =	vor.u32 s6, v4;
	[tilespmem:s2+$0x0] =	vst v5  }
0x2ae: {  	s6 =	sadd.s32 $0xFFFFFFF4, s0;
	v5 =	vld.idx.msk [tilespmem:v8+s19+$0x0], $0xffff  }
0x2af: {  	v8 =	vor.u32 s6, v4  }
0x2b0: {  	s6 =	sadd.s32 $0xFFFFFFF5, s0;
	v7 =	vld.idx.msk [tilespmem:v7+s19+$0x0], $0xffff  }
0x2b1: {  	v9 =	vor.u32 s6, v4  }
0x2b2: {  	s6 =	sadd.s32 $0xFFFFFFF6, s0;
	v6 =	vld.idx.msk [tilespmem:v6+s19+$0x0], $0xffff  }
0x2b3: {  	v10 =	vor.u32 s6, v4  }
0x2b4: {  	s6 =	sadd.s32 $0xFFFFFFF7, s0;
	v5 =	vadd.f32 $0.0e+00, v5;
	v8 =	vld.idx.msk [tilespmem:v8+s19+$0x0], $0xffff  }
0x2b5: {  	v11 =	vor.u32 s6, v4  }
0x2b6: {  	s6 =	sadd.s32 $0xFFFFFFF8, s0;
	v5 =	vadd.f32 v7, v5;
	v7 =	vld.idx.msk [tilespmem:v9+s19+$0x0], $0xffff  }
0x2b7: {  	v9 =	vor.u32 s6, v4  }
0x2b8: {  	s6 =	sadd.s32 $0xFFFFFFF9, s0;
	v5 =	vadd.f32 v6, v5;
	v6 =	vld.idx.msk [tilespmem:v10+s19+$0x0], $0xffff  }
0x2b9: {  	v10 =	vor.u32 s6, v4  }
0x2ba: {  	s6 =	sadd.s32 $0xFFFFFFFA, s0;
	v5 =	vadd.f32 v8, v5;
	v8 =	vld.idx.msk [tilespmem:v11+s19+$0x0], $0xffff  }
0x2bb: {  	v11 =	vor.u32 s6, v4  }
0x2bc: {  	s6 =	sadd.s32 $0xFFFFFFFB, s0;
	v5 =	vadd.f32 v7, v5;
	v7 =	vld.idx.msk [tilespmem:v9+s19+$0x0], $0xffff  }
0x2bd: {  	v9 =	vor.u32 s6, v4  }
0x2be: {  	s6 =	sadd.s32 $0xFFFFFFFC, s0;
	v5 =	vadd.f32 v6, v5;
	v6 =	vld.idx.msk [tilespmem:v10+s19+$0x0], $0xffff  }
0x2bf: {  	v10 =	vor.u32 s6, v4  }
0x2c0: {  	s6 =	sadd.s32 $0xFFFFFFFD, s0;
	v5 =	vadd.f32 v8, v5;
	v8 =	vld.idx.msk [tilespmem:v11+s19+$0x0], $0xffff  }
0x2c1: {  	v11 =	vor.u32 s6, v4  }
0x2c2: {  	s6 =	sadd.s32 $0xFFFFFFFE, s0;
	v5 =	vadd.f32 v7, v5;
	v7 =	vld.idx.msk [tilespmem:v9+s19+$0x0], $0xffff  }
0x2c3: {  	v9 =	vor.u32 s6, v4  }
0x2c4: {  	s6 =	sadd.s32 $0xFFFFFFFF, s0;
	v5 =	vadd.f32 v6, v5;
	v6 =	vld.idx.msk [tilespmem:v10+s19+$0x0], $0xffff  }
0x2c5: {  	v10 =	vor.u32 s6, v4  }
0x2c6: {  	v5 =	vadd.f32 v8, v5;
	v8 =	vld.idx.msk [tilespmem:v11+s19+$0x0], $0xffff  }
0x2c7: {  	v11 =	vor.u32 s0, v4;
	s0 =	smov.u32 s5  }
0x2c8: {  	v5 =	vadd.f32 v7, v5;
	v7 =	vld.idx.msk [tilespmem:v9+s19+$0x0], $0xffff;
	_ =	sdelay $0x1  }
0x2c9: {  	v5 =	vadd.f32 v6, v5;
	v6 =	vld.idx.msk [tilespmem:v10+s19+$0x0], $0xffff  }
.Ltmp7:
0x2ca: {  	(pc) =	sbr.rel @p0 .LBB2_15-.Ltmp7, $3  }
0x2cb: {  	v8 =	vadd.f32 v8, v5;
	v5 =	vld.idx.msk [tilespmem:v11+s19+$0x0], $0xffff;
	_ =	sdelay $0x1  }
0x2cc: {  	v7 =	vadd.f32 v7, v8  }
0x2cd: {  	s5 =	sadd.s32 $0x100, s5;
	s6 =	sadd.s32 $0xFFFFFFF1, s0  }
0x2ce: {  	v8 =	vor.u32 s6, v4;
	v6 =	vadd.f32 v6, v7  }
0x2cf: {  	s5 =	sadd.s32 $0xFFFFFFF2, s0  }
0x2d0: {  	v7 =	vor.u32 s5, v4;
	v5 =	vadd.f32 v5, v6  }
0x2d1: {  	s26 =	sadd.s32 $0xFFFFFFF3, s0;
	s2 =	sadd.s32 $0x10, s2  }
0x2d2: {  	v6 =	vor.u32 s26, v4;
	[tilespmem:s2+$0x0] =	vst v5  }
0x2d3: {  	s30 =	sadd.s32 $0xFFFFFFF4, s0;
	v5 =	vld.idx.msk [tilespmem:v8+s19+$0x0], $0xffff  }
0x2d4: {  	v8 =	vor.u32 s30, v4  }
0x2d5: {  	s31 =	sadd.s32 $0xFFFFFFF5, s0;
	v7 =	vld.idx.msk [tilespmem:v7+s19+$0x0], $0xffff  }
0x2d6: {  	v9 =	vor.u32 s31, v4  }
0x2d7: {  	s6 =	sadd.s32 $0xFFFFFFF6, s0;
	v6 =	vld.idx.msk [tilespmem:v6+s19+$0x0], $0xffff  }
0x2d8: {  	v10 =	vor.u32 s6, v4;
	v5 =	vadd.f32 $0.0e+00, v5  }
0x2d9: {  	s7 =	sadd.s32 $0xFFFFFFF7, s0;
	v8 =	vld.idx.msk [tilespmem:v8+s19+$0x0], $0xffff  }
0x2da: {  	v11 =	vor.u32 s7, v4;
	v5 =	vadd.f32 v7, v5  }
0x2db: {  	s13 =	sadd.s32 $0xFFFFFFF8, s0;
	v7 =	vld.idx.msk [tilespmem:v9+s19+$0x0], $0xffff  }
0x2dc: {  	v31 =	vor.u32 s13, v4;
	v5 =	vadd.f32 v6, v5  }
0x2dd: {  	s26 =	sadd.s32 $0xFFFFFFF9, s0;
	v6 =	vld.idx.msk [tilespmem:v10+s19+$0x0], $0xffff  }
0x2de: {  	v32 =	vor.u32 s26, v4;
	v5 =	vadd.f32 v8, v5  }
0x2df: {  	s30 =	sadd.s32 $0xFFFFFFFA, s0;
	v8 =	vld.idx.msk [tilespmem:v11+s19+$0x0], $0xffff  }
0x2e0: {  	v33 =	vor.u32 s30, v4;
	v5 =	vadd.f32 v7, v5  }
0x2e1: {  	s31 =	sadd.s32 $0xFFFFFFFB, s0;
	v7 =	vld.idx.msk [tilespmem:v31+s19+$0x0], $0xffff  }
0x2e2: {  	v34 =	vor.u32 s31, v4;
	v5 =	vadd.f32 v6, v5  }
0x2e3: {  	s6 =	sadd.s32 $0xFFFFFFFC, s0;
	v6 =	vld.idx.msk [tilespmem:v32+s19+$0x0], $0xffff  }
0x2e4: {  	v35 =	vor.u32 s6, v4;
	v5 =	vadd.f32 v8, v5  }
0x2e5: {  	s7 =	sadd.s32 $0xFFFFFFFD, s0;
	v8 =	vld.idx.msk [tilespmem:v33+s19+$0x0], $0xffff  }
0x2e6: {  	v36 =	vor.u32 s7, v4;
	v5 =	vadd.f32 v7, v5  }
0x2e7: {  	s13 =	sadd.s32 $0xFFFFFFFE, s0;
	v7 =	vld.idx.msk [tilespmem:v34+s19+$0x0], $0xffff  }
0x2e8: {  	v37 =	vor.u32 s13, v4;
	v5 =	vadd.f32 v6, v5  }
0x2e9: {  	s26 =	sadd.s32 $0xFFFFFFFF, s0;
	v6 =	vld.idx.msk [tilespmem:v35+s19+$0x0], $0xffff  }
0x2ea: {  	v38 =	vor.u32 s26, v4;
	v5 =	vadd.f32 v8, v5  }
0x2eb: {  	v8 =	vld.idx.msk [tilespmem:v36+s19+$0x0], $0xffff  }
0x2ec: {  	v39 =	vor.u32 s0, v4;
	v5 =	vadd.f32 v7, v5  }
0x2ed: {  	v7 =	vld.idx.msk [tilespmem:v37+s19+$0x0], $0xffff  }
0x2ee: {  	v5 =	vadd.f32 v6, v5  }
0x2ef: {  	v6 =	vld.idx.msk [tilespmem:v38+s19+$0x0], $0xffff  }
0x2f0: {  	v5 =	vadd.f32 v8, v5  }
0x2f1: {  	v8 =	vld.idx.msk [tilespmem:v39+s19+$0x0], $0xffff  }
0x2f2: {  	v5 =	vadd.f32 v7, v5  }
0x2f3: {  	s30 =	simm.s32 $0x0  }
0x2f4: {  	v5 =	vadd.f32 v6, v5;
	v6 =	vor.u32 s30, v4  }
0x2f5: {  	s31 =	simm.s32 $0x1  }
0x2f6: {  	v7 =	vor.u32 s31, v4;
	v5 =	vadd.f32 v8, v5  }
0x2f7: {  	s5 =	simm.s32 $0x2;
	s2 =	sadd.s32 $0x10, s2  }
0x2f8: {  	[tilespmem:s2+$0x0] =	vst v5;
	v5 =	vor.u32 s5, v4  }
0x2f9: {  	s6 =	simm.s32 $0x3;
	v6 =	vld.idx.msk [tilespmem:v6+s18+$0x0], $0xffff  }
0x2fa: {  	v8 =	vor.u32 s6, v4  }
0x2fb: {  	s7 =	simm.s32 $0x4;
	v7 =	vld.idx.msk [tilespmem:v7+s18+$0x0], $0xffff  }
0x2fc: {  	v40 =	vor.u32 s7, v4  }
0x2fd: {  	s13 =	simm.s32 $0x5;
	v5 =	vld.idx.msk [tilespmem:v5+s18+$0x0], $0xffff  }
0x2fe: {  	v41 =	vor.u32 s13, v4;
	v6 =	vadd.f32 $0.0e+00, v6  }
0x2ff: {  	s26 =	simm.s32 $0x6;
	v8 =	vld.idx.msk [tilespmem:v8+s18+$0x0], $0xffff  }
0x300: {  	v42 =	vor.u32 s26, v4;
	v6 =	vadd.f32 v7, v6  }
0x301: {  	s30 =	simm.s32 $0x7;
	v7 =	vld.idx.msk [tilespmem:v40+s18+$0x0], $0xffff  }
0x302: {  	v43 =	vor.u32 s30, v4;
	v5 =	vadd.f32 v5, v6  }
0x303: {  	s31 =	simm.s32 $0x8;
	v6 =	vld.idx.msk [tilespmem:v41+s18+$0x0], $0xffff  }
0x304: {  	v44 =	vor.u32 s31, v4;
	v5 =	vadd.f32 v8, v5  }
0x305: {  	s2 =	simm.s32 $0x9;
	v8 =	vld.idx.msk [tilespmem:v42+s18+$0x0], $0xffff  }
0x306: {  	v45 =	vor.u32 s2, v4;
	v5 =	vadd.f32 v7, v5  }
0x307: {  	s5 =	simm.s32 $0xA;
	v7 =	vld.idx.msk [tilespmem:v43+s18+$0x0], $0xffff  }
0x308: {  	v46 =	vor.u32 s5, v4;
	v5 =	vadd.f32 v6, v5  }
0x309: {  	s6 =	simm.s32 $0xB;
	v6 =	vld.idx.msk [tilespmem:v44+s18+$0x0], $0xffff  }
0x30a: {  	v47 =	vor.u32 s6, v4;
	v5 =	vadd.f32 v8, v5  }
0x30b: {  	s7 =	simm.s32 $0xC;
	v8 =	vld.idx.msk [tilespmem:v45+s18+$0x0], $0xffff  }
0x30c: {  	v48 =	vor.u32 s7, v4;
	v5 =	vadd.f32 v7, v5  }
0x30d: {  	s13 =	simm.s32 $0xD;
	v7 =	vld.idx.msk [tilespmem:v46+s18+$0x0], $0xffff  }
0x30e: {  	v49 =	vor.u32 s13, v4;
	v5 =	vadd.f32 v6, v5  }
0x30f: {  	s26 =	simm.s32 $0xE;
	v6 =	vld.idx.msk [tilespmem:v47+s18+$0x0], $0xffff  }
0x310: {  	v50 =	vor.u32 s26, v4;
	v5 =	vadd.f32 v8, v5  }
0x311: {  	s30 =	simm.s32 $0xF;
	v8 =	vld.idx.msk [tilespmem:v48+s18+$0x0], $0xffff  }
0x312: {  	v51 =	vor.u32 s30, v4;
	v5 =	vadd.f32 v7, v5  }
0x313: {  	v7 =	vld.idx.msk [tilespmem:v49+s18+$0x0], $0xffff  }
0x314: {  	v5 =	vadd.f32 v6, v5  }
0x315: {  	v6 =	vld.idx.msk [tilespmem:v50+s18+$0x0], $0xffff  }
0x316: {  	v5 =	vadd.f32 v8, v5  }
0x317: {  	v8 =	vld.idx.msk [tilespmem:v51+s18+$0x0], $0xffff  }
0x318: {  	v5 =	vadd.f32 v7, v5  }
0x319: {  	s31 =	simm.s32 $0x100  }
0x31a: {  	v7 =	vor.u32 s31, v4;
	v5 =	vadd.f32 v6, v5  }
0x31b: {  	s2 =	simm.s32 $0x101  }
0x31c: {  	v6 =	vor.u32 s2, v4;
	v5 =	vadd.f32 v8, v5  }
0x31d: {  	s0 =	simm.s32 $0x12B00;
	s5 =	simm.s32 $0x102  }
0x31e: {  	v8 =	vor.u32 s5, v4;
	[tilespmem:s0+$0x0] =	vst v5  }
0x31f: {  	s6 =	simm.s32 $0x103;
	v5 =	vld.idx.msk [tilespmem:v7+s18+$0x0], $0xffff  }
0x320: {  	v7 =	vor.u32 s6, v4  }
0x321: {  	s7 =	simm.s32 $0x104;
	v6 =	vld.idx.msk [tilespmem:v6+s18+$0x0], $0xffff  }
0x322: {  	v52 =	vor.u32 s7, v4  }
0x323: {  	s13 =	simm.s32 $0x105;
	v8 =	vld.idx.msk [tilespmem:v8+s18+$0x0], $0xffff  }
0x324: {  	v53 =	vor.u32 s13, v4;
	v5 =	vadd.f32 $0.0e+00, v5  }
0x325: {  	s26 =	simm.s32 $0x106;
	v7 =	vld.idx.msk [tilespmem:v7+s18+$0x0], $0xffff  }
0x326: {  	v54 =	vor.u32 s26, v4;
	v5 =	vadd.f32 v6, v5  }
0x327: {  	s30 =	simm.s32 $0x107;
	v6 =	vld.idx.msk [tilespmem:v52+s18+$0x0], $0xffff  }
0x328: {  	v55 =	vor.u32 s30, v4;
	v5 =	vadd.f32 v8, v5  }
0x329: {  	s31 =	simm.s32 $0x108;
	v8 =	vld.idx.msk [tilespmem:v53+s18+$0x0], $0xffff  }
0x32a: {  	v56 =	vor.u32 s31, v4;
	v5 =	vadd.f32 v7, v5  }
0x32b: {  	s5 =	simm.s32 $0x109;
	v7 =	vld.idx.msk [tilespmem:v54+s18+$0x0], $0xffff  }
0x32c: {  	v57 =	vor.u32 s5, v4;
	v5 =	vadd.f32 v6, v5  }
0x32d: {  	s6 =	simm.s32 $0x10A;
	v6 =	vld.idx.msk [tilespmem:v55+s18+$0x0], $0xffff  }
0x32e: {  	v58 =	vor.u32 s6, v4;
	v5 =	vadd.f32 v8, v5  }
0x32f: {  	s7 =	simm.s32 $0x10B;
	v8 =	vld.idx.msk [tilespmem:v56+s18+$0x0], $0xffff  }
0x330: {  	v59 =	vor.u32 s7, v4;
	v5 =	vadd.f32 v7, v5  }
0x331: {  	s13 =	simm.s32 $0x10C;
	v7 =	vld.idx.msk [tilespmem:v57+s18+$0x0], $0xffff  }
0x332: {  	v60 =	vor.u32 s13, v4;
	v5 =	vadd.f32 v6, v5  }
0x333: {  	s26 =	simm.s32 $0x10D;
	v6 =	vld.idx.msk [tilespmem:v58+s18+$0x0], $0xffff  }
0x334: {  	v61 =	vor.u32 s26, v4;
	v5 =	vadd.f32 v8, v5  }
0x335: {  	s30 =	simm.s32 $0x10E;
	v8 =	vld.idx.msk [tilespmem:v59+s18+$0x0], $0xffff  }
0x336: {  	v62 =	vor.u32 s30, v4;
	v5 =	vadd.f32 v7, v5  }
0x337: {  	s31 =	simm.s32 $0x10F;
	v7 =	vld.idx.msk [tilespmem:v60+s18+$0x0], $0xffff  }
0x338: {  	v63 =	vor.u32 s31, v4;
	v5 =	vadd.f32 v6, v5  }
0x339: {  	v9 =	vld.idx.msk [tilespmem:v61+s18+$0x0], $0xffff  }
0x33a: {  	v5 =	vadd.f32 v8, v5  }
0x33b: {  	v6 =	vld.idx.msk [tilespmem:v62+s18+$0x0], $0xffff  }
0x33c: {  	v7 =	vadd.f32 v7, v5  }
0x33d: {  	v5 =	vld.idx.msk [tilespmem:v63+s18+$0x0], $0xffff  }
0x33e: {  	v7 =	vadd.f32 v9, v7  }
0x33f: {  	s2 =	simm.s32 $0x20F;
	s5 =	simm.s32 $0x30F;
	s6 =	simm.s32 $0x200  }
.LBB2_17:
0x340: {  	p0 =	sne.s32 s5, $0x60F;
	v8 =	vor.u32 s6, v4;
	v6 =	vadd.f32 v6, v7  }
0x341: {  	s6 =	sadd.s32 $0xFFFFFFF2, s2  }
0x342: {  	v7 =	vor.u32 s6, v4;
	v5 =	vadd.f32 v5, v6  }
0x343: {  	s0 =	sadd.s32 $0x10, s0;
	s6 =	sadd.s32 $0xFFFFFFF3, s2  }
0x344: {  	v6 =	vor.u32 s6, v4;
	[tilespmem:s0+$0x0] =	vst v5  }
0x345: {  	s6 =	sadd.s32 $0xFFFFFFF4, s2;
	v5 =	vld.idx.msk [tilespmem:v8+s18+$0x0], $0xffff  }
0x346: {  	v8 =	vor.u32 s6, v4  }
0x347: {  	s6 =	sadd.s32 $0xFFFFFFF5, s2;
	v7 =	vld.idx.msk [tilespmem:v7+s18+$0x0], $0xffff  }
0x348: {  	v9 =	vor.u32 s6, v4  }
0x349: {  	s6 =	sadd.s32 $0xFFFFFFF6, s2;
	v6 =	vld.idx.msk [tilespmem:v6+s18+$0x0], $0xffff  }
0x34a: {  	v10 =	vor.u32 s6, v4  }
0x34b: {  	s6 =	sadd.s32 $0xFFFFFFF7, s2;
	v5 =	vadd.f32 $0.0e+00, v5;
	v8 =	vld.idx.msk [tilespmem:v8+s18+$0x0], $0xffff  }
0x34c: {  	v11 =	vor.u32 s6, v4  }
0x34d: {  	s6 =	sadd.s32 $0xFFFFFFF8, s2;
	v5 =	vadd.f32 v7, v5;
	v7 =	vld.idx.msk [tilespmem:v9+s18+$0x0], $0xffff  }
0x34e: {  	v9 =	vor.u32 s6, v4  }
0x34f: {  	s6 =	sadd.s32 $0xFFFFFFF9, s2;
	v5 =	vadd.f32 v6, v5;
	v6 =	vld.idx.msk [tilespmem:v10+s18+$0x0], $0xffff  }
0x350: {  	v10 =	vor.u32 s6, v4  }
0x351: {  	s6 =	sadd.s32 $0xFFFFFFFA, s2;
	v5 =	vadd.f32 v8, v5;
	v8 =	vld.idx.msk [tilespmem:v11+s18+$0x0], $0xffff  }
0x352: {  	v11 =	vor.u32 s6, v4  }
0x353: {  	s6 =	sadd.s32 $0xFFFFFFFB, s2;
	v5 =	vadd.f32 v7, v5;
	v7 =	vld.idx.msk [tilespmem:v9+s18+$0x0], $0xffff  }
0x354: {  	v9 =	vor.u32 s6, v4  }
0x355: {  	s6 =	sadd.s32 $0xFFFFFFFC, s2;
	v5 =	vadd.f32 v6, v5;
	v6 =	vld.idx.msk [tilespmem:v10+s18+$0x0], $0xffff  }
0x356: {  	v10 =	vor.u32 s6, v4  }
0x357: {  	s6 =	sadd.s32 $0xFFFFFFFD, s2;
	v5 =	vadd.f32 v8, v5;
	v8 =	vld.idx.msk [tilespmem:v11+s18+$0x0], $0xffff  }
0x358: {  	v11 =	vor.u32 s6, v4  }
0x359: {  	s6 =	sadd.s32 $0xFFFFFFFE, s2;
	v5 =	vadd.f32 v7, v5;
	v7 =	vld.idx.msk [tilespmem:v9+s18+$0x0], $0xffff  }
0x35a: {  	v9 =	vor.u32 s6, v4  }
0x35b: {  	s6 =	sadd.s32 $0xFFFFFFFF, s2;
	v5 =	vadd.f32 v6, v5;
	v6 =	vld.idx.msk [tilespmem:v10+s18+$0x0], $0xffff  }
0x35c: {  	v10 =	vor.u32 s6, v4  }
0x35d: {  	v5 =	vadd.f32 v8, v5;
	v8 =	vld.idx.msk [tilespmem:v11+s18+$0x0], $0xffff  }
0x35e: {  	v11 =	vor.u32 s2, v4;
	s2 =	smov.u32 s5  }
0x35f: {  	v5 =	vadd.f32 v7, v5;
	v7 =	vld.idx.msk [tilespmem:v9+s18+$0x0], $0xffff;
	_ =	sdelay $0x1  }
0x360: {  	v5 =	vadd.f32 v6, v5;
	v6 =	vld.idx.msk [tilespmem:v10+s18+$0x0], $0xffff  }
.Ltmp8:
0x361: {  	(pc) =	sbr.rel @p0 .LBB2_17-.Ltmp8, $3  }
0x362: {  	v8 =	vadd.f32 v8, v5;
	v5 =	vld.idx.msk [tilespmem:v11+s18+$0x0], $0xffff;
	_ =	sdelay $0x1  }
0x363: {  	v7 =	vadd.f32 v7, v8  }
0x364: {  	s5 =	sadd.s32 $0x100, s5;
	s6 =	sadd.s32 $0xFFFFFFF1, s2  }
0x365: {  	v8 =	vor.u32 s6, v4;
	v6 =	vadd.f32 v6, v7  }
0x366: {  	s5 =	sadd.s32 $0xFFFFFFF2, s2  }
0x367: {  	v42 =	vor.u32 s5, v4;
	v5 =	vadd.f32 v5, v6  }
0x368: {  	s30 =	sadd.s32 $0xFFFFFFF3, s2;
	s0 =	sadd.s32 $0x10, s0  }
0x369: {  	v43 =	vor.u32 s30, v4;
	[tilespmem:s0+$0x0] =	vst v5  }
0x36a: {  	s31 =	sadd.s32 $0xFFFFFFF4, s2;
	v5 =	vld.idx.msk [tilespmem:v8+s18+$0x0], $0xffff  }
0x36b: {  	v44 =	vor.u32 s31, v4  }
0x36c: {  	s6 =	sadd.s32 $0xFFFFFFF5, s2;
	v7 =	vld.idx.msk [tilespmem:v42+s18+$0x0], $0xffff  }
0x36d: {  	v9 =	vor.u32 s6, v4  }
0x36e: {  	s7 =	sadd.s32 $0xFFFFFFF6, s2;
	v6 =	vld.idx.msk [tilespmem:v43+s18+$0x0], $0xffff  }
0x36f: {  	v10 =	vor.u32 s7, v4;
	v5 =	vadd.f32 $0.0e+00, v5  }
0x370: {  	s13 =	sadd.s32 $0xFFFFFFF7, s2;
	v8 =	vld.idx.msk [tilespmem:v44+s18+$0x0], $0xffff  }
0x371: {  	v11 =	vor.u32 s13, v4;
	v5 =	vadd.f32 v7, v5  }
0x372: {  	s26 =	sadd.s32 $0xFFFFFFF8, s2;
	v45 =	vld.idx.msk [tilespmem:v9+s18+$0x0], $0xffff  }
0x373: {  	v46 =	vor.u32 s26, v4;
	v5 =	vadd.f32 v6, v5  }
0x374: {  	s30 =	sadd.s32 $0xFFFFFFF9, s2;
	v47 =	vld.idx.msk [tilespmem:v10+s18+$0x0], $0xffff  }
0x375: {  	v48 =	vor.u32 s30, v4;
	v5 =	vadd.f32 v8, v5  }
0x376: {  	s31 =	sadd.s32 $0xFFFFFFFA, s2;
	v49 =	vld.idx.msk [tilespmem:v11+s18+$0x0], $0xffff  }
0x377: {  	v50 =	vor.u32 s31, v4;
	v5 =	vadd.f32 v45, v5  }
0x378: {  	s6 =	sadd.s32 $0xFFFFFFFB, s2;
	v51 =	vld.idx.msk [tilespmem:v46+s18+$0x0], $0xffff  }
0x379: {  	v52 =	vor.u32 s6, v4;
	v5 =	vadd.f32 v47, v5  }
0x37a: {  	s7 =	sadd.s32 $0xFFFFFFFC, s2;
	v53 =	vld.idx.msk [tilespmem:v48+s18+$0x0], $0xffff  }
0x37b: {  	v54 =	vor.u32 s7, v4;
	v5 =	vadd.f32 v49, v5  }
0x37c: {  	s13 =	sadd.s32 $0xFFFFFFFD, s2;
	v55 =	vld.idx.msk [tilespmem:v50+s18+$0x0], $0xffff  }
0x37d: {  	v56 =	vor.u32 s13, v4;
	v5 =	vadd.f32 v51, v5  }
0x37e: {  	s26 =	sadd.s32 $0xFFFFFFFE, s2;
	v57 =	vld.idx.msk [tilespmem:v52+s18+$0x0], $0xffff  }
0x37f: {  	v58 =	vor.u32 s26, v4;
	v5 =	vadd.f32 v53, v5  }
0x380: {  	s30 =	sadd.s32 $0xFFFFFFFF, s2;
	v59 =	vld.idx.msk [tilespmem:v54+s18+$0x0], $0xffff  }
0x381: {  	v60 =	vor.u32 s30, v4;
	v5 =	vadd.f32 v55, v5  }
0x382: {  	v61 =	vld.idx.msk [tilespmem:v56+s18+$0x0], $0xffff  }
0x383: {  	v4 =	vor.u32 s2, v4;
	v5 =	vadd.f32 v57, v5  }
0x384: {  	v62 =	vld.idx.msk [tilespmem:v58+s18+$0x0], $0xffff  }
0x385: {  	v5 =	vadd.f32 v59, v5  }
0x386: {  	v63 =	vld.idx.msk [tilespmem:v60+s18+$0x0], $0xffff  }
0x387: {  	v5 =	vadd.f32 v61, v5  }
0x388: {  	v4 =	vld.idx.msk [tilespmem:v4+s18+$0x0], $0xffff  }
0x389: {  	v5 =	vadd.f32 v62, v5;
	_ =	sdelay $0x1  }
0x38a: {  	v5 =	vadd.f32 v63, v5;
	_ =	sdelay $0x1  }
0x38b: {  	s29 =	sadd.s32 $0x1, s29;
	v4 =	vadd.f32 v4, v5  }
0x38c: {  	p0 =	sne.s32 s29, s12;
	s0 =	sadd.s32 $0x10, s0  }
.Ltmp9:
0x38d: {  	s31 =	simm.s32 $0x12A00;
	[tilespmem:s0+$0x0] =	vst v4;
	(pc) =	sbr.rel @p0 .LBB2_1-.Ltmp9, $4  }
0x38e: {  	[hbm4b:s11+s4] =	stream.linear.scatter [tilespmem:s31], [sflag:$0x5], $0x180, $0x38;
	[tilespmem:$0x12B80] =	vst v63  }
0x38f: {  	_ =	swait.ge [sflag:s28], $0x180  }
0x390: {  	[sflag:s28] =	ssyncset.done $0x0  }
0x391: {  	[sflag:s28] =	ssyncadd.s32 $0xFFFFFE80  }
0x392: {  	_ =	sfence.sel $0x180000  }
0x393: {  	[bflag:$0x0] =	sbarrier.arrive $0xFFFF  }
0x394: {  	_ =	strace $0x90000047  }
0x395: {  	s0 =	stileid.u32;
	[bflag:$0x2] =	sbarrier.arrive $0xFFFF  }
0x396: {  	p0 =	sne.s32 s0, $0x0;
	s0 =	rddreg [dreg:$0x3]  }
0x397: {  	s0 =	sadd.s32 @!p0 $0x100000, s0  }
0x398: {  	[sflag:s0] =	ssyncadd.tile.s32 @!p0 $0x1;
	_ =	shalt  }
.Lfunc_end2:
_tile_overlayer_lowered:
.L_overlay_start_2:
0x399: {  	(tag) =	ssettag $0x2  }
0x39a: {  	s0 =	rddreg [dreg:$0x0];
	s2 =	stileid.u32  }
0x39b: {  	s1 =	rddreg [dreg:$0x1];
	p0 =	sne.s32 s2, $0x0  }
0x39c: {  	s3 =	rddreg [dreg:$0x2];
	[bflag:$0x3] =	sbarrier.arrive $0xFFFF;
	s2 =	simm.s32 @!p0 $0x1C05  }
0x39d: {  	[timem:s3], [sflag:s2] =	dma.local @!p0 [hbm:s0], s1  }
0x39e: {  	s0 =	simm.s32 @!p0 $0x5  }
0x39f: {  	_ =	swait.ge @!p0 [sflag:s0], s1  }
0x3a0: {  	s1 =	ssub.s32 @!p0 $0x0, s1;
	[sflag:s0] =	ssyncset.done @!p0 $0x0  }
0x3a1: {  	[sflag:s0] =	ssyncadd.s32 @!p0 s1  }
0x3a2: {  	[bflag:$0x3] =	sbarrier.arrive $0xFFFF  }
0x3a3: {  	_ =	shalt  }

// kernel: kernel.7.cloned.1.call-start
scs
__scs_entry_jumppad:
0x0: {  	(pc) =	sbr.rel $0x88, $3  }
0x1: {  	(tag) =	ssettag $0x0;
	lr =	simm.s32 $0x1  }
0x2: {  	[smem:$0x3F9F] =	sst lr;
	_ =	strace $0xD0000000  }
0x3: {  	_ = 	snop  }
0x4: {  	_ = 	snop  }
0x5: {  	_ = 	snop  }
0x6: {  	_ = 	snop  }
0x7: {  	_ = 	snop  }
__scs_overlays_trampoline_lowered:
0x8: {  	[smem:$0x3FAE] =	sst s0  }
0x9: {  	[smem:$0x3FAF] =	sst s1  }
0xa: {  	[smem:$0x3FB0] =	sst s2  }
0xb: {  	[smem:$0x3FB1] =	sst s3  }
0xc: {  	[smem:$0x3FB2] =	sst s4  }
0xd: {  	[smem:$0x3FB3] =	sst s5  }
0xe: {  	[smem:$0x3FB4] =	sst s6  }
0xf: {  	[smem:$0x3FB5] =	sst s7  }
0x10: {  	[smem:$0x3FB6] =	sst s8  }
0x11: {  	[smem:$0x3FB7] =	sst s9;
	s0 =	simm.s32 @!p0 $0x0  }
0x12: {  	s1 =	sld [smem:$0x3F9D];
	s0 =	simm.s32 @p0 $0x1  }
0x13: {  	[smem:$0x3FB8] =	sst s0;
	s0 =	simm.s32 @!p1 $0x0  }
0x14: {  	s2 =	sld [smem:$0x3F9C];
	s0 =	simm.s32 @p1 $0x1  }
0x15: {  	[smem:$0x3FB9] =	sst s0;
	s0 =	simm.s32 @!p2 $0x0  }
0x16: {  	s3 =	sld [smem:$0x3FDB];
	s0 =	simm.s32 @p2 $0x1  }
0x17: {  	s4 =	simm.s32 $0x1BF5;
	[smem:$0x3FBB] =	sst s0  }
0x18: {  	s0 =	sld [smem:$0x3F9E];
	_ =	swait.ge [sflag:s4], $0x0  }
0x19: {  	s7 =	sld [smem:$0x3F9F]  }
0x1a: {  	s8 =	sadd.s32 $0xFFFFE003, lr  }
0x1b: {  	s9 =	sadd.s32 $0xFFFFFEF7, lr;
	s5 =	simm.s32 $0xFFFFFFFF;
	p2 =	slt.u32 s8, $0xFFFFF086  }
0x1c: {  	p1 =	slt.u32 s9, $0xF7A;
	s5 =	simm.s32 @!p2 $0x0  }
0x1d: {  	s5 =	simm.s32 @p1 $0x1;
	p0 =	seq.s32 s7, s2  }
0x1e: {  	s7 =	smul.u32 @!p0 $0xF7A, s2;
	p2 =	seq.s32 @!p0 s5, $0x0  }
0x1f: {  	s9 =	smul.u32 $0xF7A, s1;
	s8 =	simm.s32 @!p0 $0x1BF5;
	p2 =	por !p2, p0  }
0x20: {  	[sflag:s8] =	ssyncset.s32 @!p0 $0xFFFFF086;
	s6 =	sadd.s32 @!p0 s3, s7;
	s7 =	simm.s32 @!p0 $0x108  }
0x21: {  	s3 =	sadd.s32 s3, s9;
	s6 =	sadd.s32 @!p0 $0x88, s6;
	s7 =	simm.s32 @p2 $0x1082  }
0x22: {  	[simem:s7], [sflag:s8] =	dma.local @!p0 [hbm:s6], $0xF7A  }
0x23: {  	s9 =	sor.u32 $0xD0000000, s2;
	s6 =	simm.s32 $0x108;
	_ =	swait.ge @!p0 [sflag:s8], $0x0  }
0x24: {  	s3 =	sadd.s32 $0x88, s3;
	s6 =	simm.s32 @!p1 $0x1082;
	[sflag:s4] =	ssyncset.s32 $0xFFFFF086  }
0x25: {  	[simem:s6], [sflag:s4] =	dma.local [hbm:s3], $0xF7A  }
0x26: {  	[smem:$0x3F9F] =	sst s1;
	(tag) =	ssettag s2;
	_ =	strace s9  }
0x27: {  	s1 =	sld [smem:$0x3FAF]  }
0x28: {  	s2 =	sld [smem:$0x3FB0]  }
0x29: {  	s4 =	sld [smem:$0x3FB2]  }
0x2a: {  	p0 =	seq.s32 s5, $0x0;
	s5 =	sld [smem:$0x3FB3]  }
0x2b: {  	s6 =	sld [smem:$0x3FB4]  }
0x2c: {  	s7 =	sld [smem:$0x3FB5]  }
0x2d: {  	s3 =	simm.s32 $0x108;
	s8 =	sld [smem:$0x3FB6]  }
0x2e: {  	s3 =	simm.s32 @!p0 $0x1082;
	s9 =	sld [smem:$0x3FB7]  }
0x2f: {  	lr =	sadd.s32 s0, s3;
	s0 =	sld [smem:$0x3FAE]  }
0x30: {  	s3 =	sld [smem:$0x3FB1]  }
0x31: {  	[smem:$0x3FBA] =	sst s10  }
0x32: {  	s10 =	sld [smem:$0x3FB8];
	_ =	sdelay $0x3  }
0x33: {  	p0 =	seq.s32 s10, $0x1;
	s10 =	sld [smem:$0x3FBA];
	_ =	sdelay $0x3  }
0x34: {  	[smem:$0x3FBA] =	sst s10  }
0x35: {  	s10 =	sld [smem:$0x3FB9];
	_ =	sdelay $0x3  }
0x36: {  	p1 =	seq.s32 s10, $0x1;
	s10 =	sld [smem:$0x3FBA];
	_ =	sdelay $0x3  }
0x37: {  	[smem:$0x3FBA] =	sst s10  }
0x38: {  	s10 =	sld [smem:$0x3FBB]  }
0x39: {  	_ = 	snop;
	(pc) =	sbr.ind lr, $3  }
0x3a: {  	_ = 	snop  }
0x3b: {  	_ = 	snop  }
0x3c: {  	p2 =	seq.s32 s10, $0x1;
	s10 =	sld [smem:$0x3FBA]  }
0x3d: {  	_ =	shalt  }
0x3e: {  	_ =	shalt  }
0x3f: {  	_ =	shalt  }
0x40: {  	_ =	shalt  }
0x41: {  	_ =	shalt  }
0x42: {  	_ =	shalt  }
0x43: {  	_ =	shalt  }
0x44: {  	_ =	shalt  }
0x45: {  	_ =	shalt  }
0x46: {  	_ =	shalt  }
0x47: {  	_ =	shalt  }
0x48: {  	_ =	shalt  }
0x49: {  	_ =	shalt  }
0x4a: {  	_ =	shalt  }
0x4b: {  	_ =	shalt  }
0x4c: {  	_ =	shalt  }
0x4d: {  	_ =	shalt  }
0x4e: {  	_ =	shalt  }
0x4f: {  	_ =	shalt  }
0x50: {  	_ =	shalt  }
0x51: {  	_ =	shalt  }
0x52: {  	_ =	shalt  }
0x53: {  	_ =	shalt  }
0x54: {  	_ =	shalt  }
0x55: {  	_ =	shalt  }
0x56: {  	_ =	shalt  }
0x57: {  	_ =	shalt  }
0x58: {  	_ =	shalt  }
0x59: {  	_ =	shalt  }
0x5a: {  	_ =	shalt  }
0x5b: {  	_ =	shalt  }
0x5c: {  	_ =	shalt  }
0x5d: {  	_ =	shalt  }
0x5e: {  	_ =	shalt  }
0x5f: {  	_ =	shalt  }
0x60: {  	_ =	shalt  }
0x61: {  	_ =	shalt  }
0x62: {  	_ =	shalt  }
0x63: {  	_ =	shalt  }
0x64: {  	_ =	shalt  }
0x65: {  	_ =	shalt  }
0x66: {  	_ =	shalt  }
0x67: {  	_ =	shalt  }
0x68: {  	_ =	shalt  }
0x69: {  	_ =	shalt  }
0x6a: {  	_ =	shalt  }
0x6b: {  	_ =	shalt  }
0x6c: {  	_ =	shalt  }
0x6d: {  	_ =	shalt  }
0x6e: {  	_ =	shalt  }
0x6f: {  	_ =	shalt  }
0x70: {  	_ =	shalt  }
0x71: {  	_ =	shalt  }
0x72: {  	_ =	shalt  }
0x73: {  	_ =	shalt  }
0x74: {  	_ =	shalt  }
0x75: {  	_ =	shalt  }
0x76: {  	_ =	shalt  }
0x77: {  	_ =	shalt  }
0x78: {  	_ =	shalt  }
0x79: {  	_ =	shalt  }
0x7a: {  	_ =	shalt  }
0x7b: {  	_ =	shalt  }
0x7c: {  	_ =	shalt  }
0x7d: {  	_ =	shalt  }
0x7e: {  	_ =	shalt  }
0x7f: {  	_ =	shalt  }
0x80: {  	_ =	shalt  }
0x81: {  	_ =	shalt  }
0x82: {  	_ =	shalt  }
0x83: {  	_ =	shalt  }
0x84: {  	_ =	shalt  }
0x85: {  	_ =	shalt  }
0x86: {  	_ =	shalt  }
0x87: {  	_ =	shalt  }
.Lfunc_end0:
.L_simem_size_0:
called_computation.1_lowered:
.L_overlay_start_0:
0x88: {  	s2 =	sld [smem:$0x3FD9]  }
0x89: {  	s3 =	sld [smem:$0x3FFE];
	_ =	sdelay $0x1  }
0x8a: {  	s1 =	srdreg.scid  }
0x8b: {  	s0 =	sand.u32 $0x1, s1  }
0x8c: {  	s17 =	sshll.u32 s0, $0xA;
	s2 =	sadd.s32 s3, s2  }
0x8d: {  	s2 =	sadd.s32 s2, s17  }
0x8e: {  	[smem:$0x3FC6] =	sst s2  }
0x8f: {  	_ = 	snop  }
0x90: {  	s2 =	sld [smem:$0x3FD0];
	(tm) =	ssettm $0x1  }
0x91: {  	s18 =	sld [smem:$0x3FFB];
	_ =	sdelay $0x3  }
0x92: {  	_ =	strace s18  }
0x93: {  	s3 =	sld [smem:$0x3FFC];
	_ =	sdelay $0x3  }
0x94: {  	_ =	strace s3  }
0x95: {  	s3 =	sld [smem:$0x3FFD];
	_ =	sdelay $0x3  }
0x96: {  	_ =	strace s3  }
0x97: {  	_ =	strace $0x8FFFFFFF  }
0x98: {  	s19 =	sld [smem:$0x3FDB];
	_ =	sdelay $0x1  }
0x99: {  	s4 =	simm.s32 $_scs_section_size  }
0x9a: {  	s5 =	simm.s32 $_size__tile_overlayer_lowered;
	s6 =	simm.s32 $_tile_overlayer_lowered  }
0x9b: {  	s22 =	simm.s32 $0x1BFF;
	s21 =	sshll.u32 s6, $0x1;
	s3 =	sadd.s32 s4, s19  }
0x9c: {  	s7 =	simm.s32 $0x0;
	s20 =	sshll.u32 s5, $0x1;
	s5 =	sadd.s32 s21, s3  }
0x9d: {  	[timem:s7], [sflag:s22] =	dma.local [hbm:s5], s20  }
0x9e: {  	_ =	swait.ge [sflag:s22], s20  }
0x9f: {  	s4 =	ssub.s32 $0x0, s20;
	[sflag:s22] =	ssyncset.done $0x0  }
0xa0: {  	[sflag:s22] =	ssyncadd.s32 s4;
	_ =	sdelay $0x1  }
0xa1: {  	s23 =	simm.s32 $0x1B8B  }
0xa2: {  	_ =	swait.ge [sflag:s23], $0x1  }
0xa3: {  	[sflag:s23] =	ssyncset.done $0x0  }
0xa4: {  	s25 =	simm.s32 $0x1B8E;
	s24 =	sld [smem:$0x3FFE];
	[sflag:s23] =	ssyncadd.s32 $0xFFFFFFFF  }
0xa5: {  	s26 =	simm.s32 $execute0_lowered;
	[smem:$0x3FD2] =	sst s25  }
0xa6: {  	s5 =	sshll.u32 s26, $0x1;
	_ =	strace $0x80000049;
	[dreg:$0x1] =	wrdreg $0xFFFFFFFF  }
0xa7: {  	s28 =	simm.s32 $_size_execute0_lowered;
	s3 =	sadd.s32 s3, s5;
	[dreg:$0x0] =	wrdreg $0x0  }
0xa8: {  	s5 =	sshll.u32 s28, $0x1;
	[dreg:$0x2] =	wrdreg s3  }
0xa9: {  	[dreg:$0x3] =	wrdreg s5  }
0xaa: {  	[dreg:$0x4] =	wrdreg $0xC0  }
0xab: {  	_ =	task [dreg:s7], $0x5FFFF  }
0xac: {  	[dreg:$0x1] =	wrdreg $0xFFFFFFFF  }
0xad: {  	[dreg:$0x0] =	wrdreg $0x60  }
0xae: {  	[dreg:$0x2] =	wrdreg s24  }
0xaf: {  	[dreg:$0x3] =	wrdreg s2  }
0xb0: {  	[dreg:$0x4] =	wrdreg $0x9  }
0xb1: {  	_ =	task.clear_ibuf [dreg:s7], $0x5FFFF;
	_ =	strace $0x90000049  }
0xb2: {  	s29 =	simm.s32 $0x9;
	_ =	strace $0x8000004B  }
0xb3: {  	_ =	swait.ge [sflag:s29], $0x1  }
0xb4: {  	[sflag:s29] =	ssyncadd.s32 $0xFFFFFFFF  }
0xb5: {  	_ =	strace $0x9000004B  }
0xb6: {  	_ =	sfence  }
0xb7: {  	s30 =	sld [smem:$0x0];
	_ =	sdelay $0x2  }
0xb8: {  	s31 =	sshll.u32 s1, $0xD;
	s1 =	sshrl.u32 s1, $0x2  }
0xb9: {  	s3 =	sand.u32 $0x4000, s31;
	s1 =	sadd.s32 s1, s30  }
0xba: {  	s0 =	sor.u32 s3, s0;
	s1 =	sshll.u32 s1, $0x11  }
0xbb: {  	s0 =	sor.u32 s1, s0  }
0xbc: {  	s0 =	sadd.s32 $0x8F2B, s0  }
0xbd: {  	[sflag:s0] =	ssyncadd.remote.s32 $0x1  }
0xbe: {  	_ =	sfence.sel $0xFFFF  }
0xbf: {  	[dreg:$0x0] =	wrdreg $0xFFFFFFFF;
	(pc) =	sbr.abs _section_cstart, $3  }
0xc0: {  	[dreg:$0x1] =	wrdreg $0xFFFFFFFF  }
0xc1: {  	_ =	task.clear_ibuf [dreg:s7], $0x2FFFF;
	_ =	strace $0x9FFFFFFF  }
0xc2: {  	(tm) =	ssettm $0x7FFFFFFF  }
0xc3: {  	_ =	shalt  }
tec
execute0_lowered:
.L_overlay_start_1:
0x0: {  	(tag) =	ssettag $0x1  }
0x1: {  	s0 =	srdreg.scid  }
0x2: {  	s4 =	sand.u32 $0x1, s0;
	s0 =	stileid.u32  }
0x3: {  	s5 =	sshll.u32 s0, $0x1;
	s6 =	ssub.s32 $0x0, s4  }
0x4: {  	p0 =	sne.s32 s5, s6  }
.Ltmp0:
0x5: {  	_ = 	snop;
	(pc) =	sbr.rel @p0 .LBB2_5-.Ltmp0, $4  }
0x6: {  	_ = 	snop  }
0x7: {  	s3 =	rddreg [dreg:$0x0]  }
0x8: {  	s2 =	rddreg [dreg:$0x1]  }
0x9: {  	s1 =	rddreg [dreg:$0x2];
	_ =	strace $0x8000004A  }
0xa: {  	s4 =	ssub.s32 $0x2, s4  }
0xb: {  	s3 =	sadd.s32 $0xA00, s3;
	s5 =	sshrl.u32 s4, $0x1  }
0xc: {  	s6 =	simm.s32 $0x1;
	s7 =	simm.s32 $0x3180;
	s4 =	ssub.s32 s4, s5  }
0xd: {  	s8 =	simm.s32 $0x0;
	s5 =	simm.s32 $0x0;
	s4 =	smax.u32 s4, $0x1  }
.LBB2_2:
0xe: {  	[tilespmem:s5], [sflag:$0x1] =	stream.linear.gather [hbm4b:s3+s5], $0x3000, $0x38;
	[tilespmem:$0x3300] =	vst v63  }
0xf: {  	_ =	swait.ge [sflag:s6], $0x3000  }
0x10: {  	[sflag:s6] =	ssyncset.done $0x0  }
0x11: {  	[sflag:s6] =	ssyncadd.s32 $0xFFFFD000  }
0x12: {  	v0 =	vld [tilespmem:s5+$0x0]  }
0x13: {  	s9 =	sand.u32 $0x1F0, s5  }
0x14: {  	v1 =	vld [tilespmem:s9+$0x180];
	_ =	sdelay $0x1  }
0x15: {  	v2 =	vld [tilespmem:s9+$0x300]  }
0x16: {  	v0 =	vadd.f32 $0.0e+00, v0  }
0x17: {  	v3 =	vld [tilespmem:s9+$0x480]  }
0x18: {  	v0 =	vadd.f32 v1, v0  }
0x19: {  	v1 =	vld [tilespmem:s9+$0x600]  }
0x1a: {  	v0 =	vadd.f32 v2, v0  }
0x1b: {  	v2 =	vld [tilespmem:s9+$0x780]  }
0x1c: {  	v0 =	vadd.f32 v3, v0  }
0x1d: {  	v3 =	vld [tilespmem:s9+$0x900]  }
0x1e: {  	v0 =	vadd.f32 v1, v0  }
0x1f: {  	v1 =	vld [tilespmem:s9+$0xA80]  }
0x20: {  	v0 =	vadd.f32 v2, v0  }
0x21: {  	v2 =	vld [tilespmem:s9+$0xC00]  }
0x22: {  	v0 =	vadd.f32 v3, v0  }
0x23: {  	v3 =	vld [tilespmem:s9+$0xD80]  }
0x24: {  	v0 =	vadd.f32 v1, v0  }
0x25: {  	v1 =	vld [tilespmem:s9+$0xF00]  }
0x26: {  	v0 =	vadd.f32 v2, v0  }
0x27: {  	v2 =	vld [tilespmem:s9+$0x1080]  }
0x28: {  	v0 =	vadd.f32 v3, v0  }
0x29: {  	v3 =	vld [tilespmem:s9+$0x1200]  }
0x2a: {  	v0 =	vadd.f32 v1, v0  }
0x2b: {  	v1 =	vld [tilespmem:s9+$0x1380]  }
0x2c: {  	v0 =	vadd.f32 v2, v0  }
0x2d: {  	v2 =	vld [tilespmem:s9+$0x1500]  }
0x2e: {  	v0 =	vadd.f32 v3, v0  }
0x2f: {  	v3 =	vld [tilespmem:s9+$0x1680]  }
0x30: {  	v0 =	vadd.f32 v1, v0  }
0x31: {  	v1 =	vld [tilespmem:s9+$0x1800]  }
0x32: {  	v0 =	vadd.f32 v2, v0  }
0x33: {  	v2 =	vld [tilespmem:s9+$0x1980]  }
0x34: {  	v0 =	vadd.f32 v3, v0  }
0x35: {  	v3 =	vld [tilespmem:s9+$0x1B00]  }
0x36: {  	v0 =	vadd.f32 v1, v0  }
0x37: {  	v1 =	vld [tilespmem:s9+$0x1C80]  }
0x38: {  	v0 =	vadd.f32 v2, v0  }
0x39: {  	v2 =	vld [tilespmem:s9+$0x1E00]  }
0x3a: {  	v0 =	vadd.f32 v3, v0  }
0x3b: {  	v3 =	vld [tilespmem:s9+$0x1F80]  }
0x3c: {  	v0 =	vadd.f32 v1, v0  }
0x3d: {  	v1 =	vld [tilespmem:s9+$0x2100]  }
0x3e: {  	v0 =	vadd.f32 v2, v0  }
0x3f: {  	v2 =	vld [tilespmem:s9+$0x2280]  }
0x40: {  	v0 =	vadd.f32 v3, v0  }
0x41: {  	v3 =	vld [tilespmem:s9+$0x2400]  }
0x42: {  	v0 =	vadd.f32 v1, v0  }
0x43: {  	v1 =	vld [tilespmem:s9+$0x2580]  }
0x44: {  	v0 =	vadd.f32 v2, v0  }
0x45: {  	v2 =	vld [tilespmem:s9+$0x2700]  }
0x46: {  	v0 =	vadd.f32 v3, v0  }
0x47: {  	v3 =	vld [tilespmem:s9+$0x2880]  }
0x48: {  	v0 =	vadd.f32 v1, v0  }
0x49: {  	v1 =	vld [tilespmem:s9+$0x2A00]  }
0x4a: {  	v0 =	vadd.f32 v2, v0  }
0x4b: {  	v2 =	vld [tilespmem:s9+$0x2B80]  }
0x4c: {  	v0 =	vadd.f32 v3, v0  }
0x4d: {  	v3 =	vld [tilespmem:s9+$0x2D00]  }
0x4e: {  	v0 =	vadd.f32 v1, v0  }
0x4f: {  	v1 =	vld [tilespmem:s9+$0x2E80]  }
0x50: {  	v0 =	vadd.f32 v2, v0;
	_ =	sdelay $0x1  }
0x51: {  	v0 =	vadd.f32 v3, v0;
	_ =	sdelay $0x1  }
0x52: {  	v0 =	vadd.f32 v1, v0  }
0x53: {  	s9 =	simm.s32 $0x3000  }
0x54: {  	s10 =	simm.s32 $0x10;
	[tilespmem:s9+$0x0] =	vst v0  }
0x55: {  	s11 =	simm.s32 $0x20;
	s12 =	simm.s32 $0x10;
	v0 =	vld [tilespmem:s10+$0x0]  }
.LBB2_3:
0x56: {  	p0 =	sne.s32 s11, $0x170;
	s13 =	sand.u32 $0x1F0, s10;
	s10 =	smov.u32 s11  }
0x57: {  	v1 =	vld [tilespmem:s13+$0x180];
	_ =	sdelay $0x1  }
0x58: {  	v2 =	vld [tilespmem:s13+$0x300]  }
0x59: {  	v0 =	vadd.f32 $0.0e+00, v0  }
0x5a: {  	v3 =	vld [tilespmem:s13+$0x480]  }
0x5b: {  	v0 =	vadd.f32 v1, v0  }
0x5c: {  	v1 =	vld [tilespmem:s13+$0x600]  }
0x5d: {  	v0 =	vadd.f32 v2, v0  }
0x5e: {  	v2 =	vld [tilespmem:s13+$0x780]  }
0x5f: {  	v0 =	vadd.f32 v3, v0  }
0x60: {  	v3 =	vld [tilespmem:s13+$0x900]  }
0x61: {  	v0 =	vadd.f32 v1, v0  }
0x62: {  	v1 =	vld [tilespmem:s13+$0xA80]  }
0x63: {  	v0 =	vadd.f32 v2, v0  }
0x64: {  	v2 =	vld [tilespmem:s13+$0xC00]  }
0x65: {  	v0 =	vadd.f32 v3, v0  }
0x66: {  	v3 =	vld [tilespmem:s13+$0xD80]  }
0x67: {  	v0 =	vadd.f32 v1, v0  }
0x68: {  	v1 =	vld [tilespmem:s13+$0xF00]  }
0x69: {  	v0 =	vadd.f32 v2, v0  }
0x6a: {  	v2 =	vld [tilespmem:s13+$0x1080]  }
0x6b: {  	v0 =	vadd.f32 v3, v0  }
0x6c: {  	v3 =	vld [tilespmem:s13+$0x1200]  }
0x6d: {  	v0 =	vadd.f32 v1, v0  }
0x6e: {  	v1 =	vld [tilespmem:s13+$0x1380]  }
0x6f: {  	v0 =	vadd.f32 v2, v0  }
0x70: {  	v2 =	vld [tilespmem:s13+$0x1500]  }
0x71: {  	v0 =	vadd.f32 v3, v0  }
0x72: {  	v3 =	vld [tilespmem:s13+$0x1680]  }
0x73: {  	v0 =	vadd.f32 v1, v0  }
0x74: {  	v1 =	vld [tilespmem:s13+$0x1800]  }
0x75: {  	v0 =	vadd.f32 v2, v0  }
0x76: {  	v2 =	vld [tilespmem:s13+$0x1980]  }
0x77: {  	v0 =	vadd.f32 v3, v0  }
0x78: {  	v3 =	vld [tilespmem:s13+$0x1B00]  }
0x79: {  	v0 =	vadd.f32 v1, v0  }
0x7a: {  	v1 =	vld [tilespmem:s13+$0x1C80]  }
0x7b: {  	v0 =	vadd.f32 v2, v0  }
0x7c: {  	v2 =	vld [tilespmem:s13+$0x1E00]  }
0x7d: {  	v0 =	vadd.f32 v3, v0  }
0x7e: {  	v3 =	vld [tilespmem:s13+$0x1F80]  }
0x7f: {  	v0 =	vadd.f32 v1, v0  }
0x80: {  	v1 =	vld [tilespmem:s13+$0x2100]  }
0x81: {  	v0 =	vadd.f32 v2, v0  }
0x82: {  	v2 =	vld [tilespmem:s13+$0x2280]  }
0x83: {  	v0 =	vadd.f32 v3, v0  }
0x84: {  	v3 =	vld [tilespmem:s13+$0x2400]  }
0x85: {  	v0 =	vadd.f32 v1, v0  }
0x86: {  	v1 =	vld [tilespmem:s13+$0x2580]  }
0x87: {  	v0 =	vadd.f32 v2, v0  }
0x88: {  	v2 =	vld [tilespmem:s13+$0x2700]  }
0x89: {  	v0 =	vadd.f32 v3, v0  }
0x8a: {  	v3 =	vld [tilespmem:s13+$0x2880]  }
0x8b: {  	v0 =	vadd.f32 v1, v0  }
0x8c: {  	v1 =	vld [tilespmem:s13+$0x2A00]  }
0x8d: {  	v0 =	vadd.f32 v2, v0  }
0x8e: {  	v2 =	vld [tilespmem:s13+$0x2B80]  }
0x8f: {  	v0 =	vadd.f32 v3, v0  }
0x90: {  	v3 =	vld [tilespmem:s13+$0x2D00]  }
0x91: {  	v0 =	vadd.f32 v1, v0  }
0x92: {  	v1 =	vld [tilespmem:s13+$0x2E80]  }
0x93: {  	v0 =	vadd.f32 v2, v0;
	_ =	sdelay $0x1  }
0x94: {  	v0 =	vadd.f32 v3, v0  }
.Ltmp1:
0x95: {  	(pc) =	sbr.rel @p0 .LBB2_3-.Ltmp1, $4  }
0x96: {  	v0 =	vadd.f32 v1, v0  }
0x97: {  	s9 =	sadd.s32 $0x10, s9  }
0x98: {  	s12 =	sadd.s32 $0x10, s12;
	[tilespmem:s9+$0x0] =	vst v0  }
0x99: {  	s11 =	sadd.s32 $0x10, s11;
	v0 =	vld [tilespmem:s12+$0x0]  }
0x9a: {  	s10 =	sand.u32 $0x1F0, s10  }
0x9b: {  	v1 =	vld [tilespmem:s10+$0x180];
	_ =	sdelay $0x1  }
0x9c: {  	v2 =	vld [tilespmem:s10+$0x300]  }
0x9d: {  	v0 =	vadd.f32 $0.0e+00, v0  }
0x9e: {  	v3 =	vld [tilespmem:s10+$0x480]  }
0x9f: {  	v0 =	vadd.f32 v1, v0  }
0xa0: {  	v62 =	vld [tilespmem:s10+$0x600]  }
0xa1: {  	v0 =	vadd.f32 v2, v0  }
0xa2: {  	v63 =	vld [tilespmem:s10+$0x780]  }
0xa3: {  	v0 =	vadd.f32 v3, v0  }
0xa4: {  	v6 =	vld [tilespmem:s10+$0x900]  }
0xa5: {  	v0 =	vadd.f32 v62, v0  }
0xa6: {  	v7 =	vld [tilespmem:s10+$0xA80]  }
0xa7: {  	v0 =	vadd.f32 v63, v0  }
0xa8: {  	v8 =	vld [tilespmem:s10+$0xC00]  }
0xa9: {  	v0 =	vadd.f32 v6, v0  }
0xaa: {  	v9 =	vld [tilespmem:s10+$0xD80]  }
0xab: {  	v0 =	vadd.f32 v7, v0  }
0xac: {  	v10 =	vld [tilespmem:s10+$0xF00]  }
0xad: {  	v0 =	vadd.f32 v8, v0  }
0xae: {  	v11 =	vld [tilespmem:s10+$0x1080]  }
0xaf: {  	v0 =	vadd.f32 v9, v0  }
0xb0: {  	v12 =	vld [tilespmem:s10+$0x1200]  }
0xb1: {  	v0 =	vadd.f32 v10, v0  }
0xb2: {  	v13 =	vld [tilespmem:s10+$0x1380]  }
0xb3: {  	v0 =	vadd.f32 v11, v0  }
0xb4: {  	v14 =	vld [tilespmem:s10+$0x1500]  }
0xb5: {  	v0 =	vadd.f32 v12, v0  }
0xb6: {  	v15 =	vld [tilespmem:s10+$0x1680]  }
0xb7: {  	v0 =	vadd.f32 v13, v0  }
0xb8: {  	v16 =	vld [tilespmem:s10+$0x1800]  }
0xb9: {  	v0 =	vadd.f32 v14, v0  }
0xba: {  	v17 =	vld [tilespmem:s10+$0x1980]  }
0xbb: {  	v0 =	vadd.f32 v15, v0  }
0xbc: {  	v18 =	vld [tilespmem:s10+$0x1B00]  }
0xbd: {  	v0 =	vadd.f32 v16, v0  }
0xbe: {  	v19 =	vld [tilespmem:s10+$0x1C80]  }
0xbf: {  	v0 =	vadd.f32 v17, v0  }
0xc0: {  	v20 =	vld [tilespmem:s10+$0x1E00]  }
0xc1: {  	v0 =	vadd.f32 v18, v0  }
0xc2: {  	v21 =	vld [tilespmem:s10+$0x1F80]  }
0xc3: {  	v0 =	vadd.f32 v19, v0  }
0xc4: {  	v22 =	vld [tilespmem:s10+$0x2100]  }
0xc5: {  	v0 =	vadd.f32 v20, v0  }
0xc6: {  	v23 =	vld [tilespmem:s10+$0x2280]  }
0xc7: {  	v0 =	vadd.f32 v21, v0  }
0xc8: {  	v24 =	vld [tilespmem:s10+$0x2400]  }
0xc9: {  	v0 =	vadd.f32 v22, v0  }
0xca: {  	v25 =	vld [tilespmem:s10+$0x2580]  }
0xcb: {  	v0 =	vadd.f32 v23, v0  }
0xcc: {  	v26 =	vld [tilespmem:s10+$0x2700]  }
0xcd: {  	v0 =	vadd.f32 v24, v0  }
0xce: {  	v27 =	vld [tilespmem:s10+$0x2880]  }
0xcf: {  	v0 =	vadd.f32 v25, v0  }
0xd0: {  	v28 =	vld [tilespmem:s10+$0x2A00]  }
0xd1: {  	v0 =	vadd.f32 v26, v0  }
0xd2: {  	v29 =	vld [tilespmem:s10+$0x2B80]  }
0xd3: {  	v0 =	vadd.f32 v27, v0  }
0xd4: {  	v30 =	vld [tilespmem:s10+$0x2D00]  }
0xd5: {  	v0 =	vadd.f32 v28, v0  }
0xd6: {  	v31 =	vld [tilespmem:s10+$0x2E80]  }
0xd7: {  	v0 =	vadd.f32 v29, v0;
	_ =	sdelay $0x1  }
0xd8: {  	v0 =	vadd.f32 v30, v0;
	_ =	sdelay $0x1  }
0xd9: {  	v0 =	vadd.f32 v31, v0  }
0xda: {  	s9 =	sadd.s32 $0x10, s9  }
0xdb: {  	[tilespmem:s9+$0x0] =	vst v0  }
0xdc: {  	v0 =	vld [tilespmem:$0x3100];
	_ =	sdelay $0x1  }
0xdd: {  	v32 =	vld [tilespmem:$0x3110];
	_ =	sdelay $0x2  }
0xde: {  	v0 =	vadd.f32 $1.000000050e-03, v0;
	_ =	sdelay $0x1  }
0xdf: {  	v33 =	vld [tilespmem:$0x3120];
	v1 =	vadd.f32 $1.000000050e-03, v32;
	(erf) = vrcp.f32 v0;
	_ =	sdelay $0x1  }
0xe0: {  	v34 =	vld [tilespmem:$0x3130];
	(erf) = vrcp.f32 v1;
	_ =	sdelay $0x1  }
0xe1: {  	v5 =	vld [tilespmem:$0x3140]  }
0xe2: {  	v2 =	vadd.f32 $1.000000050e-03, v33;
	_ =	sdelay $0x1  }
0xe3: {  	v4 =	vld [tilespmem:$0x3000];
	v3 =	vadd.f32 $1.000000050e-03, v34;
	(erf) = vrcp.f32 v2  }
0xe4: {  	v8 =	vld [tilespmem:$0x3150]  }
0xe5: {  	v6 =	vld [tilespmem:$0x3080];
	v5 =	vadd.f32 $1.000000050e-03, v5;
	v9 =	vpop (erf);
	(erf) = vrcp.f32 v3  }
0xe6: {  	v7 =	vld [tilespmem:$0x3010];
	[tilespmem:$0x3280] =	vst v0  }
0xe7: {  	v35 =	vld [tilespmem:$0x3160];
	[tilespmem:$0x3290] =	vst v1;
	v36 =	vpop (erf);
	(erf) = vrcp.f32 v5  }
0xe8: {  	v10 =	vld [tilespmem:$0x3090];
	[tilespmem:$0x32A0] =	vst v2  }
0xe9: {  	v40 =	vld [tilespmem:$0x3170];
	v8 =	vadd.f32 $1.000000050e-03, v8;
	[tilespmem:$0x32B0] =	vst v3  }
0xea: {  	v11 =	vld [tilespmem:$0x3020];
	[tilespmem:$0x32C0] =	vst v5;
	v4 =	vmul.f32 v9, v4  }
0xeb: {  	v12 =	vld [tilespmem:$0x30A0];
	[tilespmem:$0x32D0] =	vst v8;
	v6 =	vmul.f32 v6, v9  }
0xec: {  	v9 =	vadd.f32 $1.000000050e-03, v35;
	v41 =	vpop (erf);
	(erf) = vrcp.f32 v8;
	[tilespmem:$0x3180] =	vst v4  }
0xed: {  	v38 =	vld [tilespmem:$0x3030];
	v37 =	vmul.f32 v36, v7;
	[tilespmem:$0x3200] =	vst v6  }
0xee: {  	v42 =	vld [tilespmem:$0x30B0];
	v39 =	vmul.f32 v10, v36;
	v4 =	vadd.f32 $1.000000050e-03, v40;
	[tilespmem:$0x32E0] =	vst v9;
	v46 =	vpop (erf);
	(erf) = vrcp.f32 v9  }
0xef: {  	v45 =	vld [tilespmem:$0x3040];
	v43 =	vmul.f32 v41, v11;
	[tilespmem:$0x3190] =	vst v37  }
0xf0: {  	v47 =	vld [tilespmem:$0x30C0];
	v44 =	vmul.f32 v12, v41;
	[tilespmem:$0x3210] =	vst v39;
	v50 =	vpop (erf);
	(erf) = vrcp.f32 v4  }
0xf1: {  	v49 =	vld [tilespmem:$0x3050];
	[tilespmem:$0x31A0] =	vst v43  }
0xf2: {  	v51 =	vld [tilespmem:$0x30D0];
	[tilespmem:$0x3220] =	vst v44;
	v48 =	vmul.f32 v46, v38  }
0xf3: {  	v53 =	vld [tilespmem:$0x3060];
	[tilespmem:$0x32F0] =	vst v4;
	v0 =	vmul.f32 v42, v46  }
0xf4: {  	v55 =	vld [tilespmem:$0x30E0];
	v52 =	vmul.f32 v50, v45;
	[tilespmem:$0x31B0] =	vst v48  }
0xf5: {  	v58 =	vld [tilespmem:$0x3070];
	v1 =	vmul.f32 v47, v50;
	v54 =	vpop (erf);
	[tilespmem:$0x3230] =	vst v0  }
0xf6: {  	v60 =	vld [tilespmem:$0x30F0];
	v56 =	vmul.f32 v54, v49;
	[tilespmem:$0x31C0] =	vst v52  }
0xf7: {  	v57 =	vmul.f32 v51, v54;
	[tilespmem:$0x3240] =	vst v1;
	v59 =	vpop (erf)  }
0xf8: {  	[tilespmem:$0x31D0] =	vst v56;
	v61 =	vmul.f32 v59, v53  }
0xf9: {  	[tilespmem:$0x3250] =	vst v57;
	v0 =	vmul.f32 v55, v59;
	v62 =	vpop (erf)  }
0xfa: {  	v63 =	vmul.f32 v62, v58;
	[tilespmem:$0x31E0] =	vst v61  }
0xfb: {  	s8 =	sadd.s32 $0x1, s8;
	v1 =	vmul.f32 v60, v62;
	[tilespmem:$0x3260] =	vst v0  }
0xfc: {  	p0 =	sne.s32 s8, s4;
	[tilespmem:$0x31F0] =	vst v63  }
.Ltmp2:
0xfd: {  	[tilespmem:$0x3270] =	vst v1;
	(pc) =	sbr.rel @p0 .LBB2_2-.Ltmp2, $4  }
0xfe: {  	[hbm4b:s2+s5] =	stream.linear.scatter [tilespmem:s7], [sflag:$0x1], $0x180, $0x38;
	[tilespmem:$0x3300] =	vst v63  }
0xff: {  	_ =	swait.ge [sflag:s6], $0x180  }
0x100: {  	[sflag:s6] =	ssyncset.done $0x0  }
0x101: {  	[sflag:s6] =	ssyncadd.s32 $0xFFFFFE80  }
.LBB2_5:
0x102: {  	_ =	sfence.sel $0x180000  }
0x103: {  	[bflag:$0x0] =	sbarrier.arrive $0xFFFF  }
0x104: {  	p0 =	sne.s32 s0, $0x0;
	_ =	strace $0x9000004A  }
0x105: {  	s0 =	sadd.s32 @!p0 $0x100000, s1;
	[bflag:$0x2] =	sbarrier.arrive $0xFFFF  }
0x106: {  	[sflag:s0] =	ssyncadd.tile.s32 @!p0 $0x1;
	_ =	shalt  }
.Lfunc_end2:
_tile_overlayer_lowered:
.L_overlay_start_2:
0x107: {  	(tag) =	ssettag $0x2  }
0x108: {  	s0 =	rddreg [dreg:$0x0];
	s2 =	stileid.u32  }
0x109: {  	s1 =	rddreg [dreg:$0x1];
	p0 =	sne.s32 s2, $0x0  }
0x10a: {  	s3 =	rddreg [dreg:$0x2];
	[bflag:$0x3] =	sbarrier.arrive $0xFFFF;
	s2 =	simm.s32 @!p0 $0x1C01  }
0x10b: {  	[timem:s3], [sflag:s2] =	dma.local @!p0 [hbm:s0], s1  }
0x10c: {  	s0 =	simm.s32 @!p0 $0x1  }
0x10d: {  	_ =	swait.ge @!p0 [sflag:s0], s1  }
0x10e: {  	s1 =	ssub.s32 @!p0 $0x0, s1;
	[sflag:s0] =	ssyncset.done @!p0 $0x0  }
0x10f: {  	[sflag:s0] =	ssyncadd.s32 @!p0 s1  }
0x110: {  	[bflag:$0x3] =	sbarrier.arrive $0xFFFF  }
0x111: {  	_ =	shalt  }

</sc_bundles>
